<compile_context>
chip_gen: v7x
topology: tpu7x:2x2x1
jax: 0.10.2.dev20260603
libtpu: 0.0.44.dev20260713+nightly
codegen_flags: <defaults>
</compile_context>

<pallas_src>
import functools

import jax
import jax.numpy as jnp
from jax import lax
from jax.experimental import pallas as pl
from jax.experimental.pallas import tpu as pltpu
from jax.experimental.pallas import tpu_sc as plsc

_N = 10000
_E = 320000
_D = 128
_H = 128
_B = 64

_NC = 2
_NS = 16
_NW = _NC * _NS
_K = 128
_SPLITS = {True: (114, 44), False: (118, 40)}
_NP = 10240
_RPT = _NP // _NS
_BLK = 1000


def _make_sc_body(with_cnt):
    c0, c1 = _SPLITS[with_cnt]

    def body(x_hbm, src_hbm, dst_hbm, *rest):
        if with_cnt:
            (out_hbm, cnt_hbm, dst_v, sidx0, sidx1, buf0, buf1, ones_v,
             acc_sh, cnt_sh, semr0, semr1, semi0, semi1, semc) = rest
        else:
            (out_hbm, dst_v, sidx0, sidx1, buf0, buf1,
             acc_sh, semr0, semr1, semi0, semi1) = rest
        cid = lax.axis_index("c")
        sid = lax.axis_index("s")
        r0 = sid * _RPT
        nc = jnp.where(cid == 0, c0, c1)

        pltpu.sync_copy(dst_hbm.at[cid, sid], dst_v)

        if with_cnt:
            for j in range(_K // 16):
                ones_v[pl.ds(j * 16, 16)] = jnp.ones((16,), jnp.float32)

        def zrow(r, carry):
            for j in range(_D // 16):
                buf0[r, pl.ds(j * 16, 16)] = jnp.zeros((16,), jnp.float32)
            return carry

        lax.fori_loop(0, _K, zrow, 0)

        for j in range(_RPT // _K):
            pltpu.sync_copy(buf0, acc_sh.at[pl.ds(r0 + j * _K, _K)])
        if with_cnt:
            for j in range(_RPT // _D):
                pltpu.sync_copy(buf0.at[0],
                                cnt_sh.at[pl.ds(r0 + j * _D, _D)])
        plsc.subcore_barrier()

        pltpu.sync_copy(src_hbm.at[cid, sid, 0], sidx0)
        pltpu.async_copy(x_hbm.at[sidx0], buf0, semr0)
        pltpu.async_copy(src_hbm.at[cid, sid, 1], sidx1, semi1)

        def drain_cnt():
            pltpu.make_async_copy(ones_v, cnt_sh.at[pl.ds(0, _K)],
                                  semc).wait()

        def body_fn(i, carry):
            c0 = 2 * i
            pltpu.make_async_copy(x_hbm.at[sidx0], buf0, semr0).wait()
            pltpu.make_async_copy(src_hbm.at[cid, sid, 0], sidx1, semi1).wait()
            pltpu.async_copy(x_hbm.at[sidx1], buf1, semr1)

            @pl.when(c0 + 2 < nc)
            def _():
                pltpu.async_copy(src_hbm.at[cid, sid, c0 + 2], sidx0, semi0)

            if with_cnt:
                @pl.when(c0 > 0)
                def _():
                    drain_cnt()
                    drain_cnt()

            pltpu.sync_copy(buf0, acc_sh.at[dst_v.at[c0]], add=True)
            if with_cnt:
                pltpu.async_copy(ones_v, cnt_sh.at[dst_v.at[c0]], semc,
                                 add=True)

            pltpu.make_async_copy(x_hbm.at[sidx1], buf1, semr1).wait()

            @pl.when(c0 + 2 < nc)
            def _():
                pltpu.make_async_copy(src_hbm.at[cid, sid, 0], sidx0,
                                      semi0).wait()
                pltpu.async_copy(x_hbm.at[sidx0], buf0, semr0)

                @pl.when(c0 + 3 < nc)
                def _():
                    pltpu.async_copy(src_hbm.at[cid, sid, c0 + 3], sidx1,
                                     semi1)

            pltpu.sync_copy(buf1, acc_sh.at[dst_v.at[c0 + 1]], add=True)
            if with_cnt:
                pltpu.async_copy(ones_v, cnt_sh.at[dst_v.at[c0 + 1]], semc,
                                 add=True)
            return carry

        lax.fori_loop(0, nc // 2, body_fn, 0)
        if with_cnt:
            drain_cnt()
            drain_cnt()
        plsc.subcore_barrier()

        pltpu.sync_copy(acc_sh.at[pl.ds(r0, _RPT)],
                        out_hbm.at[cid, pl.ds(r0, _RPT)])
        if with_cnt:
            pltpu.sync_copy(cnt_sh.at[pl.ds(r0, _RPT)],
                            cnt_hbm.at[cid, pl.ds(r0, _RPT)])

    return body


@functools.cache
def _get_sc_agg(with_cnt):
    cmax = max(_SPLITS[with_cnt])
    if with_cnt:
        out_type = (jax.ShapeDtypeStruct((_NC, _NP, _D), jnp.float32),
                    jax.ShapeDtypeStruct((_NC, _NP), jnp.float32))
        extra = [pltpu.VMEM((_K,), jnp.float32)]
        shared_extra = [pltpu.VMEM_SHARED((_NP,), jnp.float32)]
        sem_extra = [pltpu.SemaphoreType.DMA]
    else:
        out_type = jax.ShapeDtypeStruct((_NC, _NP, _D), jnp.float32)
        extra = []
        shared_extra = []
        sem_extra = []
    return functools.partial(
        pl.kernel,
        out_type=out_type,
        mesh=plsc.VectorSubcoreMesh(core_axis_name="c", subcore_axis_name="s"),
        compiler_params=pltpu.CompilerParams(use_tc_tiling_on_sc=True),
        scratch_types=[
            pltpu.VMEM((cmax, _K), jnp.int32),
            pltpu.VMEM((_K,), jnp.int32),
            pltpu.VMEM((_K,), jnp.int32),
            pltpu.VMEM((_K, _D), jnp.float32),
            pltpu.VMEM((_K, _D), jnp.float32),
        ] + extra + [
            pltpu.VMEM_SHARED((_NP, _D), jnp.float32),
        ] + shared_extra + [
            pltpu.SemaphoreType.DMA,
            pltpu.SemaphoreType.DMA,
            pltpu.SemaphoreType.DMA,
            pltpu.SemaphoreType.DMA,
        ] + sem_extra,
    )(_make_sc_body(with_cnt))


def _sc_agg(x, src_p, dst_p, with_cnt):
    return _get_sc_agg(with_cnt)(x, src_p, dst_p)


def _layer_body(p0_ref, p1_ref, c0_ref, c1_ref, x_ref, wl_ref, wr_ref, b_ref,
                o_ref):
    inv = 1.0 / jnp.maximum(c0_ref[...] + c1_ref[...], 1.0)
    mean = (p0_ref[...] + p1_ref[...]) * inv
    h = jnp.dot(mean, wl_ref[...], preferred_element_type=jnp.float32,
                precision=lax.Precision.HIGHEST)
    h = h + jnp.dot(x_ref[...], wr_ref[...], preferred_element_type=jnp.float32,
                    precision=lax.Precision.HIGHEST)
    h = h + b_ref[...]
    o_ref[...] = jnp.maximum(h, 0.0)


def _final_body(p0_ref, p1_ref, c0_ref, c1_ref, x_ref, wl_ref, wr_ref, b_ref,
                lo_ref, hi_ref, isc_ref, o_ref):
    i = pl.program_id(0)
    inv = 1.0 / jnp.maximum(c0_ref[...] + c1_ref[...], 1.0)
    mean = (p0_ref[...] + p1_ref[...]) * inv
    h = jnp.dot(mean, wl_ref[...], preferred_element_type=jnp.float32,
                precision=lax.Precision.HIGHEST)
    h = h + jnp.dot(x_ref[...], wr_ref[...], preferred_element_type=jnp.float32,
                    precision=lax.Precision.HIGHEST)
    h = h + b_ref[...]
    ids = i * _BLK + lax.broadcasted_iota(jnp.int32, (_B, _BLK), 1)
    m = jnp.where((ids >= lo_ref[...]) & (ids < hi_ref[...]),
                  isc_ref[...], 0.0)
    part = jnp.dot(m, h, preferred_element_type=jnp.float32,
                   precision=lax.Precision.HIGHEST)

    @pl.when(i == 0)
    def _():
        o_ref[...] = part

    @pl.when(i > 0)
    def _():
        o_ref[...] = o_ref[...] + part


def _row_spec(width=_D):
    return pl.BlockSpec((_BLK, width), lambda i: (i, 0))


def _cnt_spec():
    return pl.BlockSpec((_BLK, 1), lambda i: (i, 0))


def _full_spec(shape):
    return pl.BlockSpec(shape, lambda i: (0, 0))


def _dense_layer(p, cnt, x, wl, wr, b):
    return pl.pallas_call(
        _layer_body,
        grid=(_N // _BLK,),
        in_specs=[_row_spec(), _row_spec(), _cnt_spec(), _cnt_spec(),
                  _row_spec(), _full_spec((_D, _H)), _full_spec((_D, _H)),
                  _full_spec((1, _H))],
        out_specs=_row_spec(),
        out_shape=jax.ShapeDtypeStruct((_N, _H), jnp.float32),
    )(p[0], p[1], cnt[0].reshape(_NP, 1), cnt[1].reshape(_NP, 1), x,
      wl, wr, b.reshape(1, _H))


def _dense_final(p, cnt, x, wl, wr, b, lo, hi, isc):
    return pl.pallas_call(
        _final_body,
        grid=(_N // _BLK,),
        in_specs=[_row_spec(), _row_spec(), _cnt_spec(), _cnt_spec(),
                  _row_spec(), _full_spec((_H, _H)), _full_spec((_H, _H)),
                  _full_spec((1, _H)), _full_spec((_B, 1)),
                  _full_spec((_B, 1)), _full_spec((_B, 1))],
        out_specs=_full_spec((_B, _H)),
        out_shape=jax.ShapeDtypeStruct((_B, _H), jnp.float32),
    )(p[0], p[1], cnt[0].reshape(_NP, 1), cnt[1].reshape(_NP, 1), x,
      wl, wr, b.reshape(1, _H), lo, hi, isc)


def _pack_edges(src, dst, with_cnt):
    c0, c1 = _SPLITS[with_cnt]
    cmax = max(c0, c1)
    e_pad = _NS * (c0 + c1) * _K
    pad = e_pad - _E
    src_f = jnp.concatenate([src, jnp.zeros((pad,), jnp.int32)])
    dst_f = jnp.concatenate([dst, jnp.full((pad,), _N, jnp.int32)])
    n0 = _NS * c0 * _K
    src_p = jnp.zeros((_NC, _NS, cmax, _K), jnp.int32)
    src_p = src_p.at[0, :, :c0].set(src_f[:n0].reshape(_NS, c0, _K))
    src_p = src_p.at[1, :, :c1].set(src_f[n0:].reshape(_NS, c1, _K))
    dst_p = jnp.full((_NC, _NS, cmax, _K), _N, jnp.int32)
    dst_p = dst_p.at[0, :, :c0].set(dst_f[:n0].reshape(_NS, c0, _K))
    dst_p = dst_p.at[1, :, :c1].set(dst_f[n0:].reshape(_NS, c1, _K))
    return src_p, dst_p


def kernel(graph_x, edge_index, node_pos, W_l1, W_r1, b1, W_l2, W_r2, b2):
    src = edge_index[0].astype(jnp.int32)
    dst = edge_index[1].astype(jnp.int32)
    sp1, dp1 = _pack_edges(src, dst, True)
    sp2, dp2 = _pack_edges(src, dst, False)

    p1_part, cnt = _sc_agg(graph_x, sp1, dp1, True)
    x1 = _dense_layer(p1_part, cnt, graph_x, W_l1, W_r1, b1)

    p2_part = _sc_agg(x1, sp2, dp2, False)

    node_pos = node_pos.astype(jnp.int32)
    lo = node_pos[:_B].reshape(_B, 1)
    hi = node_pos[1:].reshape(_B, 1)
    isc = 1.0 / (hi - lo).astype(jnp.float32)
    cfg = _dense_final(p2_part, cnt, x1, W_l2, W_r2, b2, lo, hi, isc)
    return cfg

# --- scband reference (transcript-rebuilt; emitter-appended) ---
"""Pipeline reference for scband-cfgencoder-73693048865004 (READ-ONLY COPY).

The authoritative reference and input builder live on the scoring server;
editing this copy changes nothing except your own understanding.
"""

import jax, jax.numpy as jnp
import numpy as np

N = 10000
E = 320000
D = 128
H = 128
B = 64


def setup_inputs(seed: int = 0) -> dict:
    key = jax.random.key(seed)
    ks = jax.random.split(key, 12)
    graph_x = jax.random.normal(ks[0], (N, D), dtype=jnp.float32)
    edge_index = jax.random.randint(ks[1], (2, E), 0, N)
    # node_pos: strictly increasing offsets 0 = p0 < p1 < ... < pB <= N (cumsum of positive counts)
    cnts = jax.random.randint(ks[2], (B,), 1, 157)
    node_pos = jnp.concatenate([jnp.zeros((1,), cnts.dtype), jnp.cumsum(cnts)])
    s = 1.0 / np.sqrt(D)
    sh = 1.0 / np.sqrt(H)
    W_l1 = jax.random.normal(ks[3], (D, H), dtype=jnp.float32) * s
    W_r1 = jax.random.normal(ks[4], (D, H), dtype=jnp.float32) * s
    b1 = jnp.zeros((H,), dtype=jnp.float32)
    W_l2 = jax.random.normal(ks[5], (H, H), dtype=jnp.float32) * sh
    W_r2 = jax.random.normal(ks[6], (H, H), dtype=jnp.float32) * sh
    b2 = jnp.zeros((H,), dtype=jnp.float32)
    return {"graph_x": graph_x, "edge_index": edge_index, "node_pos": node_pos,
            "W_l1": W_l1, "W_r1": W_r1, "b1": b1,
            "W_l2": W_l2, "W_r2": W_r2, "b2": b2}


def _sage_conv(x, src, dst, Wl, Wr, b):
    # SAGEConv with mean aggregation: out = mean_{j->i}(x_j) @ Wl + x_i @ Wr + b
    msg = x[src]
    agg = jax.ops.segment_sum(msg, dst, num_segments=N)
    cnt = jax.ops.segment_sum(jnp.ones((src.shape[0], 1), x.dtype), dst, num_segments=N)
    mean = agg / jnp.maximum(cnt, 1.0)  # isolated dst nodes aggregate to 0 (as in PyG scatter-mean)
    return mean @ Wl + x @ Wr + b


def reference(graph_x, edge_index, node_pos, W_l1, W_r1, b1, W_l2, W_r2, b2):
    src = edge_index[0]
    dst = edge_index[1]
    x = _sage_conv(graph_x, src, dst, W_l1, W_r1, b1)
    x = jax.nn.relu(x)
    x = _sage_conv(x, src, dst, W_l2, W_r2, b2)
    # mean_by_batch: cfg[i] = mean(x[node_pos[i]:node_pos[i+1]])
    node_ids = jnp.arange(N)
    seg = jnp.searchsorted(node_pos, node_ids, side="right") - 1
    # nodes beyond node_pos[-1] get seg >= B and are dropped by segment_sum
    seg = jnp.where(node_ids >= node_pos[-1], B, seg)
    seg_sum = jax.ops.segment_sum(x, seg, num_segments=B)
    seg_cnt = (node_pos[1:] - node_pos[:-1]).astype(x.dtype)[:, None]
    cfg = seg_sum / seg_cnt
    return cfg

if __name__ == "__main__":
    import jax
    _d = setup_inputs()
    print(jax.jit(kernel)(*tuple(_d.values())))

</pallas_src>

<mosaic_0001>
#map = affine_map<(d0, d1) -> (0, 0)>
#map1 = affine_map<(d0, d1) -> (0, 0, 0, 0)>
#map2 = affine_map<(d0, d1) -> (0, 0, 0)>
module attributes {stable_mosaic.version = 14 : i64} {
  func.func @body(%arg0: i32, %arg1: i32, %arg2: memref<10000x128xf32, #tpu.memory_space<hbm>>, %arg3: memref<2x16x114x128xi32, #tpu.memory_space<hbm>>, %arg4: memref<2x16x114x128xi32, #tpu.memory_space<hbm>>, %arg5: memref<2x10240x128xf32, #tpu.memory_space<hbm>>, %arg6: memref<2x10240xf32, #tpu.memory_space<hbm>>, %arg7: memref<114x128xi32, #tpu.memory_space<vmem>>, %arg8: memref<128xi32, #tpu.memory_space<vmem>>, %arg9: memref<128xi32, #tpu.memory_space<vmem>>, %arg10: memref<128x128xf32, #tpu.memory_space<vmem>>, %arg11: memref<128x128xf32, #tpu.memory_space<vmem>>, %arg12: memref<128xf32, #tpu.memory_space<vmem>>, %arg13: memref<10240x128xf32, #tpu.memory_space<vmem_shared>>, %arg14: memref<10240xf32, #tpu.memory_space<vmem_shared>>, %arg15: memref<!tpu.dma_semaphore, #tpu.memory_space<semaphore_mem>>, %arg16: memref<!tpu.dma_semaphore, #tpu.memory_space<semaphore_mem>>, %arg17: memref<!tpu.dma_semaphore, #tpu.memory_space<semaphore_mem>>, %arg18: memref<!tpu.dma_semaphore, #tpu.memory_space<semaphore_mem>>, %arg19: memref<!tpu.dma_semaphore, #tpu.memory_space<semaphore_mem>>) attributes {dimension_semantics = [#tpu.dimension_semantics<core_parallel>, #tpu.dimension_semantics<subcore_parallel>], iteration_bounds = array<i64: 2, 16>, scalar_prefetch = 0 : i64, scratch_operands = 13 : i64, tpu.core_type = #tpu.core_type<sc_vector_subcore>, window_params = [{transform_indices = #map}, {transform_indices = #map1}, {transform_indices = #map1}, {transform_indices = #map2}, {transform_indices = #map}]} {
    %mul3A = arith.constant 640 : i32
    %mul3A_0 = arith.muli %arg1, %mul3A : i32
    %eq3A = arith.constant 0 : i32
    %eq3A_1 = arith.cmpi eq, %arg0, %eq3A : i32
    %jit3A = arith.constant 114 : i32
    %jit3A_2 = arith.constant 44 : i32
    %select_n3A = arith.select %eq3A_1, %jit3A, %jit3A_2 : i32
    "tpu.region"() ({
      %run_scoped3A_122 = tpu.sem_alloc : memref<!tpu.dma_semaphore, #tpu.memory_space<semaphore_mem>>
      %dma_start3A_123 = arith.constant 0 : i32
      %dma_start3A_124 = arith.constant 0 : i32
      %dma_start3A_125 = tpu.memref_slice %arg4[%arg0, %arg1, %dma_start3A_123, %dma_start3A_124] : memref<2x16x114x128xi32, #tpu.memory_space<hbm>> -> memref<1x1x114x128xi32, #tpu.memory_space<hbm>>
      %dma_start3A_126 = tpu.memref_squeeze %dma_start3A_125 : memref<1x1x114x128xi32, #tpu.memory_space<hbm>> -> memref<114x128xi32, #tpu.memory_space<hbm>>
      %dma_start3A_127 = arith.constant 0 : i32
      %dma_start3A_128 = arith.constant 0 : i32
      %dma_start3A_129 = tpu.memref_slice %arg4[%arg0, %arg1, %dma_start3A_127, %dma_start3A_128] : memref<2x16x114x128xi32, #tpu.memory_space<hbm>> -> memref<1x1x114x128xi32, #tpu.memory_space<hbm>>
      %dma_start3A_130 = tpu.memref_squeeze %dma_start3A_129 : memref<1x1x114x128xi32, #tpu.memory_space<hbm>> -> memref<114x128xi32, #tpu.memory_space<hbm>>
      tpu.enqueue_dma source(%dma_start3A_130 : memref<114x128xi32, #tpu.memory_space<hbm>>) target(%arg7 : memref<114x128xi32, #tpu.memory_space<vmem>>) target_semaphore(%run_scoped3A_122 : memref<!tpu.dma_semaphore, #tpu.memory_space<semaphore_mem>>)
      %dma_wait3A_131 = arith.constant 0 : i32
      %dma_wait3A_132 = arith.constant 0 : i32
      %dma_wait3A_133 = tpu.memref_slice %arg4[%arg0, %arg1, %dma_wait3A_131, %dma_wait3A_132] : memref<2x16x114x128xi32, #tpu.memory_space<hbm>> -> memref<1x1x114x128xi32, #tpu.memory_space<hbm>>
      %dma_wait3A_134 = tpu.memref_squeeze %dma_wait3A_133 : memref<1x1x114x128xi32, #tpu.memory_space<hbm>> -> memref<114x128xi32, #tpu.memory_space<hbm>>
      %dma_wait3A_135 = arith.constant 0 : i32
      %dma_wait3A_136 = arith.constant 0 : i32
      %dma_wait3A_137 = tpu.memref_slice %arg4[%arg0, %arg1, %dma_wait3A_135, %dma_wait3A_136] : memref<2x16x114x128xi32, #tpu.memory_space<hbm>> -> memref<1x1x114x128xi32, #tpu.memory_space<hbm>>
      %dma_wait3A_138 = tpu.memref_squeeze %dma_wait3A_137 : memref<1x1x114x128xi32, #tpu.memory_space<hbm>> -> memref<114x128xi32, #tpu.memory_space<hbm>>
      tpu.wait_dma2 semaphore(%run_scoped3A_122 : memref<!tpu.dma_semaphore, #tpu.memory_space<semaphore_mem>>) src(%dma_wait3A_138 : memref<114x128xi32, #tpu.memory_space<hbm>>) dst(%arg7 : memref<114x128xi32, #tpu.memory_space<vmem>>)
      tpu.yield
    }) : () -> ()
    %broadcast_in_dim3A = arith.constant 1.000000e+00 : f32
    %broadcast_in_dim3A_3 = vector.broadcast %broadcast_in_dim3A : f32 to vector<16xf32>
    %swap3A = arith.constant 0 : index
    %swap3A_4 = tpu.vector_load %arg12[%swap3A] {strides = array<i32>} : memref<128xf32, #tpu.memory_space<vmem>>, vector<16xf32>,
    %swap3A_5 = vector.shape_cast %swap3A_4 : vector<16xf32> to vector<16xf32>
    %swap3A_6 = vector.shape_cast %broadcast_in_dim3A_3 : vector<16xf32> to vector<16xf32>
    tpu.vector_store %arg12[%swap3A], %swap3A_6 {strides = array<i32>} : memref<128xf32, #tpu.memory_space<vmem>>, vector<16xf32>,
    %broadcast_in_dim3A_7 = arith.constant 1.000000e+00 : f32
    %broadcast_in_dim3A_8 = vector.broadcast %broadcast_in_dim3A_7 : f32 to vector<16xf32>
    %swap3A_9 = arith.constant 16 : index
    %swap3A_10 = tpu.vector_load %arg12[%swap3A_9] {strides = array<i32>} : memref<128xf32, #tpu.memory_space<vmem>>, vector<16xf32>,
    %swap3A_11 = vector.shape_cast %swap3A_10 : vector<16xf32> to vector<16xf32>
    %swap3A_12 = vector.shape_cast %broadcast_in_dim3A_8 : vector<16xf32> to vector<16xf32>
    tpu.vector_store %arg12[%swap3A_9], %swap3A_12 {strides = array<i32>} : memref<128xf32, #tpu.memory_space<vmem>>, vector<16xf32>,
    %broadcast_in_dim3A_13 = arith.constant 1.000000e+00 : f32
    %broadcast_in_dim3A_14 = vector.broadcast %broadcast_in_dim3A_13 : f32 to vector<16xf32>
    %swap3A_15 = arith.constant 32 : index
    %swap3A_16 = tpu.vector_load %arg12[%swap3A_15] {strides = array<i32>} : memref<128xf32, #tpu.memory_space<vmem>>, vector<16xf32>,
    %swap3A_17 = vector.shape_cast %swap3A_16 : vector<16xf32> to vector<16xf32>
    %swap3A_18 = vector.shape_cast %broadcast_in_dim3A_14 : vector<16xf32> to vector<16xf32>
    tpu.vector_store %arg12[%swap3A_15], %swap3A_18 {strides = array<i32>} : memref<128xf32, #tpu.memory_space<vmem>>, vector<16xf32>,
    %broadcast_in_dim3A_19 = arith.constant 1.000000e+00 : f32
    %broadcast_in_dim3A_20 = vector.broadcast %broadcast_in_dim3A_19 : f32 to vector<16xf32>
    %swap3A_21 = arith.constant 48 : index
    %swap3A_22 = tpu.vector_load %arg12[%swap3A_21] {strides = array<i32>} : memref<128xf32, #tpu.memory_space<vmem>>, vector<16xf32>,
    %swap3A_23 = vector.shape_cast %swap3A_22 : vector<16xf32> to vector<16xf32>
    %swap3A_24 = vector.shape_cast %broadcast_in_dim3A_20 : vector<16xf32> to vector<16xf32>
    tpu.vector_store %arg12[%swap3A_21], %swap3A_24 {strides = array<i32>} : memref<128xf32, #tpu.memory_space<vmem>>, vector<16xf32>,
    %broadcast_in_dim3A_25 = arith.constant 1.000000e+00 : f32
    %broadcast_in_dim3A_26 = vector.broadcast %broadcast_in_dim3A_25 : f32 to vector<16xf32>
    %swap3A_27 = arith.constant 64 : index
    %swap3A_28 = tpu.vector_load %arg12[%swap3A_27] {strides = array<i32>} : memref<128xf32, #tpu.memory_space<vmem>>, vector<16xf32>,
    %swap3A_29 = vector.shape_cast %swap3A_28 : vector<16xf32> to vector<16xf32>
    %swap3A_30 = vector.shape_cast %broadcast_in_dim3A_26 : vector<16xf32> to vector<16xf32>
    tpu.vector_store %arg12[%swap3A_27], %swap3A_30 {strides = array<i32>} : memref<128xf32, #tpu.memory_space<vmem>>, vector<16xf32>,
    %broadcast_in_dim3A_31 = arith.constant 1.000000e+00 : f32
    %broadcast_in_dim3A_32 = vector.broadcast %broadcast_in_dim3A_31 : f32 to vector<16xf32>
    %swap3A_33 = arith.constant 80 : index
    %swap3A_34 = tpu.vector_load %arg12[%swap3A_33] {strides = array<i32>} : memref<128xf32, #tpu.memory_space<vmem>>, vector<16xf32>,
    %swap3A_35 = vector.shape_cast %swap3A_34 : vector<16xf32> to vector<16xf32>
    %swap3A_36 = vector.shape_cast %broadcast_in_dim3A_32 : vector<16xf32> to vector<16xf32>
    tpu.vector_store %arg12[%swap3A_33], %swap3A_36 {strides = array<i32>} : memref<128xf32, #tpu.memory_space<vmem>>, vector<16xf32>,
    %broadcast_in_dim3A_37 = arith.constant 1.000000e+00 : f32
    %broadcast_in_dim3A_38 = vector.broadcast %broadcast_in_dim3A_37 : f32 to vector<16xf32>
    %swap3A_39 = arith.constant 96 : index
    %swap3A_40 = tpu.vector_load %arg12[%swap3A_39] {strides = array<i32>} : memref<128xf32, #tpu.memory_space<vmem>>, vector<16xf32>,
    %swap3A_41 = vector.shape_cast %swap3A_40 : vector<16xf32> to vector<16xf32>
    %swap3A_42 = vector.shape_cast %broadcast_in_dim3A_38 : vector<16xf32> to vector<16xf32>
    tpu.vector_store %arg12[%swap3A_39], %swap3A_42 {strides = array<i32>} : memref<128xf32, #tpu.memory_space<vmem>>, vector<16xf32>,
    %broadcast_in_dim3A_43 = arith.constant 1.000000e+00 : f32
    %broadcast_in_dim3A_44 = vector.broadcast %broadcast_in_dim3A_43 : f32 to vector<16xf32>
    %swap3A_45 = arith.constant 112 : index
    %swap3A_46 = tpu.vector_load %arg12[%swap3A_45] {strides = array<i32>} : memref<128xf32, #tpu.memory_space<vmem>>, vector<16xf32>,
    %swap3A_47 = vector.shape_cast %swap3A_46 : vector<16xf32> to vector<16xf32>
    %swap3A_48 = vector.shape_cast %broadcast_in_dim3A_44 : vector<16xf32> to vector<16xf32>
    tpu.vector_store %arg12[%swap3A_45], %swap3A_48 {strides = array<i32>} : memref<128xf32, #tpu.memory_space<vmem>>, vector<16xf32>,
    %scan3A = arith.constant 0 : i32
    %scan3A_49 = arith.constant 0 : i32
    %scan3A_50 = arith.constant 128 : i32
    %scan3A_51 = arith.addi %scan3A_49, %scan3A_50 : i32
    %scan3A_52 = arith.constant 1 : i32
    scf.for %scan3A_122 = %scan3A_49 to %scan3A_51 step %scan3A_52  : i32 {
      %broadcast_in_dim3A_123 = arith.constant 0.000000e+00 : f32
      %broadcast_in_dim3A_124 = vector.broadcast %broadcast_in_dim3A_123 : f32 to vector<16xf32>
      %swap3A_125 = arith.index_cast %scan3A_122 : i32 to index
      %swap3A_126 = arith.constant 0 : index
      %swap3A_127 = tpu.vector_load %arg10[%swap3A_125, %swap3A_126] {strides = array<i32>} : memref<128x128xf32, #tpu.memory_space<vmem>>, vector<1x16xf32>,
      %swap3A_128 = vector.shape_cast %swap3A_127 : vector<1x16xf32> to vector<16xf32>
      %swap3A_129 = vector.shape_cast %broadcast_in_dim3A_124 : vector<16xf32> to vector<1x16xf32>
      tpu.vector_store %arg10[%swap3A_125, %swap3A_126], %swap3A_129 {strides = array<i32>} : memref<128x128xf32, #tpu.memory_space<vmem>>, vector<1x16xf32>,
      %broadcast_in_dim3A_130 = arith.constant 0.000000e+00 : f32
      %broadcast_in_dim3A_131 = vector.broadcast %broadcast_in_dim3A_130 : f32 to vector<16xf32>
      %swap3A_132 = arith.index_cast %scan3A_122 : i32 to index
      %swap3A_133 = arith.constant 16 : index
      %swap3A_134 = tpu.vector_load %arg10[%swap3A_132, %swap3A_133] {strides = array<i32>} : memref<128x128xf32, #tpu.memory_space<vmem>>, vector<1x16xf32>,
      %swap3A_135 = vector.shape_cast %swap3A_134 : vector<1x16xf32> to vector<16xf32>
      %swap3A_136 = vector.shape_cast %broadcast_in_dim3A_131 : vector<16xf32> to vector<1x16xf32>
      tpu.vector_store %arg10[%swap3A_132, %swap3A_133], %swap3A_136 {strides = array<i32>} : memref<128x128xf32, #tpu.memory_space<vmem>>, vector<1x16xf32>,
      %broadcast_in_dim3A_137 = arith.constant 0.000000e+00 : f32
      %broadcast_in_dim3A_138 = vector.broadcast %broadcast_in_dim3A_137 : f32 to vector<16xf32>
      %swap3A_139 = arith.index_cast %scan3A_122 : i32 to index
      %swap3A_140 = arith.constant 32 : index
      %swap3A_141 = tpu.vector_load %arg10[%swap3A_139, %swap3A_140] {strides = array<i32>} : memref<128x128xf32, #tpu.memory_space<vmem>>, vector<1x16xf32>,
      %swap3A_142 = vector.shape_cast %swap3A_141 : vector<1x16xf32> to vector<16xf32>
      %swap3A_143 = vector.shape_cast %broadcast_in_dim3A_138 : vector<16xf32> to vector<1x16xf32>
      tpu.vector_store %arg10[%swap3A_139, %swap3A_140], %swap3A_143 {strides = array<i32>} : memref<128x128xf32, #tpu.memory_space<vmem>>, vector<1x16xf32>,
      %broadcast_in_dim3A_144 = arith.constant 0.000000e+00 : f32
      %broadcast_in_dim3A_145 = vector.broadcast %broadcast_in_dim3A_144 : f32 to vector<16xf32>
      %swap3A_146 = arith.index_cast %scan3A_122 : i32 to index
      %swap3A_147 = arith.constant 48 : index
      %swap3A_148 = tpu.vector_load %arg10[%swap3A_146, %swap3A_147] {strides = array<i32>} : memref<128x128xf32, #tpu.memory_space<vmem>>, vector<1x16xf32>,
      %swap3A_149 = vector.shape_cast %swap3A_148 : vector<1x16xf32> to vector<16xf32>
      %swap3A_150 = vector.shape_cast %broadcast_in_dim3A_145 : vector<16xf32> to vector<1x16xf32>
      tpu.vector_store %arg10[%swap3A_146, %swap3A_147], %swap3A_150 {strides = array<i32>} : memref<128x128xf32, #tpu.memory_space<vmem>>, vector<1x16xf32>,
      %broadcast_in_dim3A_151 = arith.constant 0.000000e+00 : f32
      %broadcast_in_dim3A_152 = vector.broadcast %broadcast_in_dim3A_151 : f32 to vector<16xf32>
      %swap3A_153 = arith.index_cast %scan3A_122 : i32 to index
      %swap3A_154 = arith.constant 64 : index
      %swap3A_155 = tpu.vector_load %arg10[%swap3A_153, %swap3A_154] {strides = array<i32>} : memref<128x128xf32, #tpu.memory_space<vmem>>, vector<1x16xf32>,
      %swap3A_156 = vector.shape_cast %swap3A_155 : vector<1x16xf32> to vector<16xf32>
      %swap3A_157 = vector.shape_cast %broadcast_in_dim3A_152 : vector<16xf32> to vector<1x16xf32>
      tpu.vector_store %arg10[%swap3A_153, %swap3A_154], %swap3A_157 {strides = array<i32>} : memref<128x128xf32, #tpu.memory_space<vmem>>, vector<1x16xf32>,
      %broadcast_in_dim3A_158 = arith.constant 0.000000e+00 : f32
      %broadcast_in_dim3A_159 = vector.broadcast %broadcast_in_dim3A_158 : f32 to vector<16xf32>
      %swap3A_160 = arith.index_cast %scan3A_122 : i32 to index
      %swap3A_161 = arith.constant 80 : index
      %swap3A_162 = tpu.vector_load %arg10[%swap3A_160, %swap3A_161] {strides = array<i32>} : memref<128x128xf32, #tpu.memory_space<vmem>>, vector<1x16xf32>,
      %swap3A_163 = vector.shape_cast %swap3A_162 : vector<1x16xf32> to vector<16xf32>
      %swap3A_164 = vector.shape_cast %broadcast_in_dim3A_159 : vector<16xf32> to vector<1x16xf32>
      tpu.vector_store %arg10[%swap3A_160, %swap3A_161], %swap3A_164 {strides = array<i32>} : memref<128x128xf32, #tpu.memory_space<vmem>>, vector<1x16xf32>,
      %broadcast_in_dim3A_165 = arith.constant 0.000000e+00 : f32
      %broadcast_in_dim3A_166 = vector.broadcast %broadcast_in_dim3A_165 : f32 to vector<16xf32>
      %swap3A_167 = arith.index_cast %scan3A_122 : i32 to index
      %swap3A_168 = arith.constant 96 : index
      %swap3A_169 = tpu.vector_load %arg10[%swap3A_167, %swap3A_168] {strides = array<i32>} : memref<128x128xf32, #tpu.memory_space<vmem>>, vector<1x16xf32>,
      %swap3A_170 = vector.shape_cast %swap3A_169 : vector<1x16xf32> to vector<16xf32>
      %swap3A_171 = vector.shape_cast %broadcast_in_dim3A_166 : vector<16xf32> to vector<1x16xf32>
      tpu.vector_store %arg10[%swap3A_167, %swap3A_168], %swap3A_171 {strides = array<i32>} : memref<128x128xf32, #tpu.memory_space<vmem>>, vector<1x16xf32>,
      %broadcast_in_dim3A_172 = arith.constant 0.000000e+00 : f32
      %broadcast_in_dim3A_173 = vector.broadcast %broadcast_in_dim3A_172 : f32 to vector<16xf32>
      %swap3A_174 = arith.index_cast %scan3A_122 : i32 to index
      %swap3A_175 = arith.constant 112 : index
      %swap3A_176 = tpu.vector_load %arg10[%swap3A_174, %swap3A_175] {strides = array<i32>} : memref<128x128xf32, #tpu.memory_space<vmem>>, vector<1x16xf32>,
      %swap3A_177 = vector.shape_cast %swap3A_176 : vector<1x16xf32> to vector<16xf32>
      %swap3A_178 = vector.shape_cast %broadcast_in_dim3A_173 : vector<16xf32> to vector<1x16xf32>
      tpu.vector_store %arg10[%swap3A_174, %swap3A_175], %swap3A_178 {strides = array<i32>} : memref<128x128xf32, #tpu.memory_space<vmem>>, vector<1x16xf32>,
    }
    %scan3A_53 = arith.constant 128 : i32
    %add3A = arith.constant 0 : i32
    %add3A_54 = arith.addi %mul3A_0, %add3A : i32
    "tpu.region"() ({
      %run_scoped3A_122 = tpu.sem_alloc : memref<!tpu.dma_semaphore, #tpu.memory_space<semaphore_mem>>
      %dma_start3A_123 = arith.constant 0 : i32
      %dma_start3A_124 = tpu.memref_slice %arg13[%add3A_54, %dma_start3A_123] : memref<10240x128xf32, #tpu.memory_space<vmem_shared>> -> memref<128x128xf32, #tpu.memory_space<vmem_shared>>
      %dma_start3A_125 = arith.constant 0 : i32
      %dma_start3A_126 = tpu.memref_slice %arg13[%add3A_54, %dma_start3A_125] : memref<10240x128xf32, #tpu.memory_space<vmem_shared>> -> memref<128x128xf32, #tpu.memory_space<vmem_shared>>
      tpu.enqueue_dma source(%arg10 : memref<128x128xf32, #tpu.memory_space<vmem>>) target(%dma_start3A_126 : memref<128x128xf32, #tpu.memory_space<vmem_shared>>) target_semaphore(%run_scoped3A_122 : memref<!tpu.dma_semaphore, #tpu.memory_space<semaphore_mem>>)
      %dma_wait3A_127 = arith.constant 0 : i32
      %dma_wait3A_128 = tpu.memref_slice %arg13[%add3A_54, %dma_wait3A_127] : memref<10240x128xf32, #tpu.memory_space<vmem_shared>> -> memref<128x128xf32, #tpu.memory_space<vmem_shared>>
      %dma_wait3A_129 = arith.constant 0 : i32
      %dma_wait3A_130 = tpu.memref_slice %arg13[%add3A_54, %dma_wait3A_129] : memref<10240x128xf32, #tpu.memory_space<vmem_shared>> -> memref<128x128xf32, #tpu.memory_space<vmem_shared>>
      tpu.wait_dma2 semaphore(%run_scoped3A_122 : memref<!tpu.dma_semaphore, #tpu.memory_space<semaphore_mem>>) src(%arg10 : memref<128x128xf32, #tpu.memory_space<vmem>>) dst(%dma_wait3A_130 : memref<128x128xf32, #tpu.memory_space<vmem_shared>>)
      tpu.yield
    }) : () -> ()
    %add3A_55 = arith.constant 128 : i32
    %add3A_56 = arith.addi %mul3A_0, %add3A_55 : i32
    "tpu.region"() ({
      %run_scoped3A_122 = tpu.sem_alloc : memref<!tpu.dma_semaphore, #tpu.memory_space<semaphore_mem>>
      %dma_start3A_123 = arith.constant 0 : i32
      %dma_start3A_124 = tpu.memref_slice %arg13[%add3A_56, %dma_start3A_123] : memref<10240x128xf32, #tpu.memory_space<vmem_shared>> -> memref<128x128xf32, #tpu.memory_space<vmem_shared>>
      %dma_start3A_125 = arith.constant 0 : i32
      %dma_start3A_126 = tpu.memref_slice %arg13[%add3A_56, %dma_start3A_125] : memref<10240x128xf32, #tpu.memory_space<vmem_shared>> -> memref<128x128xf32, #tpu.memory_space<vmem_shared>>
      tpu.enqueue_dma source(%arg10 : memref<128x128xf32, #tpu.memory_space<vmem>>) target(%dma_start3A_126 : memref<128x128xf32, #tpu.memory_space<vmem_shared>>) target_semaphore(%run_scoped3A_122 : memref<!tpu.dma_semaphore, #tpu.memory_space<semaphore_mem>>)
      %dma_wait3A_127 = arith.constant 0 : i32
      %dma_wait3A_128 = tpu.memref_slice %arg13[%add3A_56, %dma_wait3A_127] : memref<10240x128xf32, #tpu.memory_space<vmem_shared>> -> memref<128x128xf32, #tpu.memory_space<vmem_shared>>
      %dma_wait3A_129 = arith.constant 0 : i32
      %dma_wait3A_130 = tpu.memref_slice %arg13[%add3A_56, %dma_wait3A_129] : memref<10240x128xf32, #tpu.memory_space<vmem_shared>> -> memref<128x128xf32, #tpu.memory_space<vmem_shared>>
      tpu.wait_dma2 semaphore(%run_scoped3A_122 : memref<!tpu.dma_semaphore, #tpu.memory_space<semaphore_mem>>) src(%arg10 : memref<128x128xf32, #tpu.memory_space<vmem>>) dst(%dma_wait3A_130 : memref<128x128xf32, #tpu.memory_space<vmem_shared>>)
      tpu.yield
    }) : () -> ()
    %add3A_57 = arith.constant 256 : i32
    %add3A_58 = arith.addi %mul3A_0, %add3A_57 : i32
    "tpu.region"() ({
      %run_scoped3A_122 = tpu.sem_alloc : memref<!tpu.dma_semaphore, #tpu.memory_space<semaphore_mem>>
      %dma_start3A_123 = arith.constant 0 : i32
      %dma_start3A_124 = tpu.memref_slice %arg13[%add3A_58, %dma_start3A_123] : memref<10240x128xf32, #tpu.memory_space<vmem_shared>> -> memref<128x128xf32, #tpu.memory_space<vmem_shared>>
      %dma_start3A_125 = arith.constant 0 : i32
      %dma_start3A_126 = tpu.memref_slice %arg13[%add3A_58, %dma_start3A_125] : memref<10240x128xf32, #tpu.memory_space<vmem_shared>> -> memref<128x128xf32, #tpu.memory_space<vmem_shared>>
      tpu.enqueue_dma source(%arg10 : memref<128x128xf32, #tpu.memory_space<vmem>>) target(%dma_start3A_126 : memref<128x128xf32, #tpu.memory_space<vmem_shared>>) target_semaphore(%run_scoped3A_122 : memref<!tpu.dma_semaphore, #tpu.memory_space<semaphore_mem>>)
      %dma_wait3A_127 = arith.constant 0 : i32
      %dma_wait3A_128 = tpu.memref_slice %arg13[%add3A_58, %dma_wait3A_127] : memref<10240x128xf32, #tpu.memory_space<vmem_shared>> -> memref<128x128xf32, #tpu.memory_space<vmem_shared>>
      %dma_wait3A_129 = arith.constant 0 : i32
      %dma_wait3A_130 = tpu.memref_slice %arg13[%add3A_58, %dma_wait3A_129] : memref<10240x128xf32, #tpu.memory_space<vmem_shared>> -> memref<128x128xf32, #tpu.memory_space<vmem_shared>>
      tpu.wait_dma2 semaphore(%run_scoped3A_122 : memref<!tpu.dma_semaphore, #tpu.memory_space<semaphore_mem>>) src(%arg10 : memref<128x128xf32, #tpu.memory_space<vmem>>) dst(%dma_wait3A_130 : memref<128x128xf32, #tpu.memory_space<vmem_shared>>)
      tpu.yield
    }) : () -> ()
    %add3A_59 = arith.constant 384 : i32
    %add3A_60 = arith.addi %mul3A_0, %add3A_59 : i32
    "tpu.region"() ({
      %run_scoped3A_122 = tpu.sem_alloc : memref<!tpu.dma_semaphore, #tpu.memory_space<semaphore_mem>>
      %dma_start3A_123 = arith.constant 0 : i32
      %dma_start3A_124 = tpu.memref_slice %arg13[%add3A_60, %dma_start3A_123] : memref<10240x128xf32, #tpu.memory_space<vmem_shared>> -> memref<128x128xf32, #tpu.memory_space<vmem_shared>>
      %dma_start3A_125 = arith.constant 0 : i32
      %dma_start3A_126 = tpu.memref_slice %arg13[%add3A_60, %dma_start3A_125] : memref<10240x128xf32, #tpu.memory_space<vmem_shared>> -> memref<128x128xf32, #tpu.memory_space<vmem_shared>>
      tpu.enqueue_dma source(%arg10 : memref<128x128xf32, #tpu.memory_space<vmem>>) target(%dma_start3A_126 : memref<128x128xf32, #tpu.memory_space<vmem_shared>>) target_semaphore(%run_scoped3A_122 : memref<!tpu.dma_semaphore, #tpu.memory_space<semaphore_mem>>)
      %dma_wait3A_127 = arith.constant 0 : i32
      %dma_wait3A_128 = tpu.memref_slice %arg13[%add3A_60, %dma_wait3A_127] : memref<10240x128xf32, #tpu.memory_space<vmem_shared>> -> memref<128x128xf32, #tpu.memory_space<vmem_shared>>
      %dma_wait3A_129 = arith.constant 0 : i32
      %dma_wait3A_130 = tpu.memref_slice %arg13[%add3A_60, %dma_wait3A_129] : memref<10240x128xf32, #tpu.memory_space<vmem_shared>> -> memref<128x128xf32, #tpu.memory_space<vmem_shared>>
      tpu.wait_dma2 semaphore(%run_scoped3A_122 : memref<!tpu.dma_semaphore, #tpu.memory_space<semaphore_mem>>) src(%arg10 : memref<128x128xf32, #tpu.memory_space<vmem>>) dst(%dma_wait3A_130 : memref<128x128xf32, #tpu.memory_space<vmem_shared>>)
      tpu.yield
    }) : () -> ()
    %add3A_61 = arith.constant 512 : i32
    %add3A_62 = arith.addi %mul3A_0, %add3A_61 : i32
    "tpu.region"() ({
      %run_scoped3A_122 = tpu.sem_alloc : memref<!tpu.dma_semaphore, #tpu.memory_space<semaphore_mem>>
      %dma_start3A_123 = arith.constant 0 : i32
      %dma_start3A_124 = tpu.memref_slice %arg13[%add3A_62, %dma_start3A_123] : memref<10240x128xf32, #tpu.memory_space<vmem_shared>> -> memref<128x128xf32, #tpu.memory_space<vmem_shared>>
      %dma_start3A_125 = arith.constant 0 : i32
      %dma_start3A_126 = tpu.memref_slice %arg13[%add3A_62, %dma_start3A_125] : memref<10240x128xf32, #tpu.memory_space<vmem_shared>> -> memref<128x128xf32, #tpu.memory_space<vmem_shared>>
      tpu.enqueue_dma source(%arg10 : memref<128x128xf32, #tpu.memory_space<vmem>>) target(%dma_start3A_126 : memref<128x128xf32, #tpu.memory_space<vmem_shared>>) target_semaphore(%run_scoped3A_122 : memref<!tpu.dma_semaphore, #tpu.memory_space<semaphore_mem>>)
      %dma_wait3A_127 = arith.constant 0 : i32
      %dma_wait3A_128 = tpu.memref_slice %arg13[%add3A_62, %dma_wait3A_127] : memref<10240x128xf32, #tpu.memory_space<vmem_shared>> -> memref<128x128xf32, #tpu.memory_space<vmem_shared>>
      %dma_wait3A_129 = arith.constant 0 : i32
      %dma_wait3A_130 = tpu.memref_slice %arg13[%add3A_62, %dma_wait3A_129] : memref<10240x128xf32, #tpu.memory_space<vmem_shared>> -> memref<128x128xf32, #tpu.memory_space<vmem_shared>>
      tpu.wait_dma2 semaphore(%run_scoped3A_122 : memref<!tpu.dma_semaphore, #tpu.memory_space<semaphore_mem>>) src(%arg10 : memref<128x128xf32, #tpu.memory_space<vmem>>) dst(%dma_wait3A_130 : memref<128x128xf32, #tpu.memory_space<vmem_shared>>)
      tpu.yield
    }) : () -> ()
    %add3A_63 = arith.constant 0 : i32
    %add3A_64 = arith.addi %mul3A_0, %add3A_63 : i32
    %run_scoped3A = arith.constant 0 : i32
    "tpu.region"() ({
      %run_scoped3A_122 = tpu.sem_alloc : memref<!tpu.dma_semaphore, #tpu.memory_space<semaphore_mem>>
      %dma_start3A_123 = arith.constant 0 : i32
      %dma_start3A_124 = tpu.memref_slice %arg10[%run_scoped3A, %dma_start3A_123] : memref<128x128xf32, #tpu.memory_space<vmem>> -> memref<1x128xf32, #tpu.memory_space<vmem>>
      %dma_start3A_125 = tpu.memref_squeeze %dma_start3A_124 : memref<1x128xf32, #tpu.memory_space<vmem>> -> memref<128xf32, #tpu.memory_space<vmem>>
      %dma_start3A_126 = tpu.memref_slice %arg14[%add3A_64] : memref<10240xf32, #tpu.memory_space<vmem_shared>> -> memref<128xf32, #tpu.memory_space<vmem_shared>>
      %dma_start3A_127 = tpu.memref_slice %arg14[%add3A_64] : memref<10240xf32, #tpu.memory_space<vmem_shared>> -> memref<128xf32, #tpu.memory_space<vmem_shared>>
      %dma_start3A_128 = arith.constant 0 : i32
      %dma_start3A_129 = tpu.memref_slice %arg10[%run_scoped3A, %dma_start3A_128] : memref<128x128xf32, #tpu.memory_space<vmem>> -> memref<1x128xf32, #tpu.memory_space<vmem>>
      %dma_start3A_130 = tpu.memref_squeeze %dma_start3A_129 : memref<1x128xf32, #tpu.memory_space<vmem>> -> memref<128xf32, #tpu.memory_space<vmem>>
      tpu.enqueue_dma source(%dma_start3A_130 : memref<128xf32, #tpu.memory_space<vmem>>) target(%dma_start3A_127 : memref<128xf32, #tpu.memory_space<vmem_shared>>) target_semaphore(%run_scoped3A_122 : memref<!tpu.dma_semaphore, #tpu.memory_space<semaphore_mem>>)
      %dma_wait3A_131 = arith.constant 0 : i32
      %dma_wait3A_132 = tpu.memref_slice %arg10[%run_scoped3A, %dma_wait3A_131] : memref<128x128xf32, #tpu.memory_space<vmem>> -> memref<1x128xf32, #tpu.memory_space<vmem>>
      %dma_wait3A_133 = tpu.memref_squeeze %dma_wait3A_132 : memref<1x128xf32, #tpu.memory_space<vmem>> -> memref<128xf32, #tpu.memory_space<vmem>>
      %dma_wait3A_134 = tpu.memref_slice %arg14[%add3A_64] : memref<10240xf32, #tpu.memory_space<vmem_shared>> -> memref<128xf32, #tpu.memory_space<vmem_shared>>
      %dma_wait3A_135 = tpu.memref_slice %arg14[%add3A_64] : memref<10240xf32, #tpu.memory_space<vmem_shared>> -> memref<128xf32, #tpu.memory_space<vmem_shared>>
      %dma_wait3A_136 = arith.constant 0 : i32
      %dma_wait3A_137 = tpu.memref_slice %arg10[%run_scoped3A, %dma_wait3A_136] : memref<128x128xf32, #tpu.memory_space<vmem>> -> memref<1x128xf32, #tpu.memory_space<vmem>>
      %dma_wait3A_138 = tpu.memref_squeeze %dma_wait3A_137 : memref<1x128xf32, #tpu.memory_space<vmem>> -> memref<128xf32, #tpu.memory_space<vmem>>
      tpu.wait_dma2 semaphore(%run_scoped3A_122 : memref<!tpu.dma_semaphore, #tpu.memory_space<semaphore_mem>>) src(%dma_wait3A_138 : memref<128xf32, #tpu.memory_space<vmem>>) dst(%dma_wait3A_135 : memref<128xf32, #tpu.memory_space<vmem_shared>>)
      tpu.yield
    }) : () -> ()
    %add3A_65 = arith.constant 128 : i32
    %add3A_66 = arith.addi %mul3A_0, %add3A_65 : i32
    %run_scoped3A_67 = arith.constant 0 : i32
    "tpu.region"() ({
      %run_scoped3A_122 = tpu.sem_alloc : memref<!tpu.dma_semaphore, #tpu.memory_space<semaphore_mem>>
      %dma_start3A_123 = arith.constant 0 : i32
      %dma_start3A_124 = tpu.memref_slice %arg10[%run_scoped3A_67, %dma_start3A_123] : memref<128x128xf32, #tpu.memory_space<vmem>> -> memref<1x128xf32, #tpu.memory_space<vmem>>
      %dma_start3A_125 = tpu.memref_squeeze %dma_start3A_124 : memref<1x128xf32, #tpu.memory_space<vmem>> -> memref<128xf32, #tpu.memory_space<vmem>>
      %dma_start3A_126 = tpu.memref_slice %arg14[%add3A_66] : memref<10240xf32, #tpu.memory_space<vmem_shared>> -> memref<128xf32, #tpu.memory_space<vmem_shared>>
      %dma_start3A_127 = tpu.memref_slice %arg14[%add3A_66] : memref<10240xf32, #tpu.memory_space<vmem_shared>> -> memref<128xf32, #tpu.memory_space<vmem_shared>>
      %dma_start3A_128 = arith.constant 0 : i32
      %dma_start3A_129 = tpu.memref_slice %arg10[%run_scoped3A_67, %dma_start3A_128] : memref<128x128xf32, #tpu.memory_space<vmem>> -> memref<1x128xf32, #tpu.memory_space<vmem>>
      %dma_start3A_130 = tpu.memref_squeeze %dma_start3A_129 : memref<1x128xf32, #tpu.memory_space<vmem>> -> memref<128xf32, #tpu.memory_space<vmem>>
      tpu.enqueue_dma source(%dma_start3A_130 : memref<128xf32, #tpu.memory_space<vmem>>) target(%dma_start3A_127 : memref<128xf32, #tpu.memory_space<vmem_shared>>) target_semaphore(%run_scoped3A_122 : memref<!tpu.dma_semaphore, #tpu.memory_space<semaphore_mem>>)
      %dma_wait3A_131 = arith.constant 0 : i32
      %dma_wait3A_132 = tpu.memref_slice %arg10[%run_scoped3A_67, %dma_wait3A_131] : memref<128x128xf32, #tpu.memory_space<vmem>> -> memref<1x128xf32, #tpu.memory_space<vmem>>
      %dma_wait3A_133 = tpu.memref_squeeze %dma_wait3A_132 : memref<1x128xf32, #tpu.memory_space<vmem>> -> memref<128xf32, #tpu.memory_space<vmem>>
      %dma_wait3A_134 = tpu.memref_slice %arg14[%add3A_66] : memref<10240xf32, #tpu.memory_space<vmem_shared>> -> memref<128xf32, #tpu.memory_space<vmem_shared>>
      %dma_wait3A_135 = tpu.memref_slice %arg14[%add3A_66] : memref<10240xf32, #tpu.memory_space<vmem_shared>> -> memref<128xf32, #tpu.memory_space<vmem_shared>>
      %dma_wait3A_136 = arith.constant 0 : i32
      %dma_wait3A_137 = tpu.memref_slice %arg10[%run_scoped3A_67, %dma_wait3A_136] : memref<128x128xf32, #tpu.memory_space<vmem>> -> memref<1x128xf32, #tpu.memory_space<vmem>>
      %dma_wait3A_138 = tpu.memref_squeeze %dma_wait3A_137 : memref<1x128xf32, #tpu.memory_space<vmem>> -> memref<128xf32, #tpu.memory_space<vmem>>
      tpu.wait_dma2 semaphore(%run_scoped3A_122 : memref<!tpu.dma_semaphore, #tpu.memory_space<semaphore_mem>>) src(%dma_wait3A_138 : memref<128xf32, #tpu.memory_space<vmem>>) dst(%dma_wait3A_135 : memref<128xf32, #tpu.memory_space<vmem_shared>>)
      tpu.yield
    }) : () -> ()
    %add3A_68 = arith.constant 256 : i32
    %add3A_69 = arith.addi %mul3A_0, %add3A_68 : i32
    %run_scoped3A_70 = arith.constant 0 : i32
    "tpu.region"() ({
      %run_scoped3A_122 = tpu.sem_alloc : memref<!tpu.dma_semaphore, #tpu.memory_space<semaphore_mem>>
      %dma_start3A_123 = arith.constant 0 : i32
      %dma_start3A_124 = tpu.memref_slice %arg10[%run_scoped3A_70, %dma_start3A_123] : memref<128x128xf32, #tpu.memory_space<vmem>> -> memref<1x128xf32, #tpu.memory_space<vmem>>
      %dma_start3A_125 = tpu.memref_squeeze %dma_start3A_124 : memref<1x128xf32, #tpu.memory_space<vmem>> -> memref<128xf32, #tpu.memory_space<vmem>>
      %dma_start3A_126 = tpu.memref_slice %arg14[%add3A_69] : memref<10240xf32, #tpu.memory_space<vmem_shared>> -> memref<128xf32, #tpu.memory_space<vmem_shared>>
      %dma_start3A_127 = tpu.memref_slice %arg14[%add3A_69] : memref<10240xf32, #tpu.memory_space<vmem_shared>> -> memref<128xf32, #tpu.memory_space<vmem_shared>>
      %dma_start3A_128 = arith.constant 0 : i32
      %dma_start3A_129 = tpu.memref_slice %arg10[%run_scoped3A_70, %dma_start3A_128] : memref<128x128xf32, #tpu.memory_space<vmem>> -> memref<1x128xf32, #tpu.memory_space<vmem>>
      %dma_start3A_130 = tpu.memref_squeeze %dma_start3A_129 : memref<1x128xf32, #tpu.memory_space<vmem>> -> memref<128xf32, #tpu.memory_space<vmem>>
      tpu.enqueue_dma source(%dma_start3A_130 : memref<128xf32, #tpu.memory_space<vmem>>) target(%dma_start3A_127 : memref<128xf32, #tpu.memory_space<vmem_shared>>) target_semaphore(%run_scoped3A_122 : memref<!tpu.dma_semaphore, #tpu.memory_space<semaphore_mem>>)
      %dma_wait3A_131 = arith.constant 0 : i32
      %dma_wait3A_132 = tpu.memref_slice %arg10[%run_scoped3A_70, %dma_wait3A_131] : memref<128x128xf32, #tpu.memory_space<vmem>> -> memref<1x128xf32, #tpu.memory_space<vmem>>
      %dma_wait3A_133 = tpu.memref_squeeze %dma_wait3A_132 : memref<1x128xf32, #tpu.memory_space<vmem>> -> memref<128xf32, #tpu.memory_space<vmem>>
      %dma_wait3A_134 = tpu.memref_slice %arg14[%add3A_69] : memref<10240xf32, #tpu.memory_space<vmem_shared>> -> memref<128xf32, #tpu.memory_space<vmem_shared>>
      %dma_wait3A_135 = tpu.memref_slice %arg14[%add3A_69] : memref<10240xf32, #tpu.memory_space<vmem_shared>> -> memref<128xf32, #tpu.memory_space<vmem_shared>>
      %dma_wait3A_136 = arith.constant 0 : i32
      %dma_wait3A_137 = tpu.memref_slice %arg10[%run_scoped3A_70, %dma_wait3A_136] : memref<128x128xf32, #tpu.memory_space<vmem>> -> memref<1x128xf32, #tpu.memory_space<vmem>>
      %dma_wait3A_138 = tpu.memref_squeeze %dma_wait3A_137 : memref<1x128xf32, #tpu.memory_space<vmem>> -> memref<128xf32, #tpu.memory_space<vmem>>
      tpu.wait_dma2 semaphore(%run_scoped3A_122 : memref<!tpu.dma_semaphore, #tpu.memory_space<semaphore_mem>>) src(%dma_wait3A_138 : memref<128xf32, #tpu.memory_space<vmem>>) dst(%dma_wait3A_135 : memref<128xf32, #tpu.memory_space<vmem_shared>>)
      tpu.yield
    }) : () -> ()
    %add3A_71 = arith.constant 384 : i32
    %add3A_72 = arith.addi %mul3A_0, %add3A_71 : i32
    %run_scoped3A_73 = arith.constant 0 : i32
    "tpu.region"() ({
      %run_scoped3A_122 = tpu.sem_alloc : memref<!tpu.dma_semaphore, #tpu.memory_space<semaphore_mem>>
      %dma_start3A_123 = arith.constant 0 : i32
      %dma_start3A_124 = tpu.memref_slice %arg10[%run_scoped3A_73, %dma_start3A_123] : memref<128x128xf32, #tpu.memory_space<vmem>> -> memref<1x128xf32, #tpu.memory_space<vmem>>
      %dma_start3A_125 = tpu.memref_squeeze %dma_start3A_124 : memref<1x128xf32, #tpu.memory_space<vmem>> -> memref<128xf32, #tpu.memory_space<vmem>>
      %dma_start3A_126 = tpu.memref_slice %arg14[%add3A_72] : memref<10240xf32, #tpu.memory_space<vmem_shared>> -> memref<128xf32, #tpu.memory_space<vmem_shared>>
      %dma_start3A_127 = tpu.memref_slice %arg14[%add3A_72] : memref<10240xf32, #tpu.memory_space<vmem_shared>> -> memref<128xf32, #tpu.memory_space<vmem_shared>>
      %dma_start3A_128 = arith.constant 0 : i32
      %dma_start3A_129 = tpu.memref_slice %arg10[%run_scoped3A_73, %dma_start3A_128] : memref<128x128xf32, #tpu.memory_space<vmem>> -> memref<1x128xf32, #tpu.memory_space<vmem>>
      %dma_start3A_130 = tpu.memref_squeeze %dma_start3A_129 : memref<1x128xf32, #tpu.memory_space<vmem>> -> memref<128xf32, #tpu.memory_space<vmem>>
      tpu.enqueue_dma source(%dma_start3A_130 : memref<128xf32, #tpu.memory_space<vmem>>) target(%dma_start3A_127 : memref<128xf32, #tpu.memory_space<vmem_shared>>) target_semaphore(%run_scoped3A_122 : memref<!tpu.dma_semaphore, #tpu.memory_space<semaphore_mem>>)
      %dma_wait3A_131 = arith.constant 0 : i32
      %dma_wait3A_132 = tpu.memref_slice %arg10[%run_scoped3A_73, %dma_wait3A_131] : memref<128x128xf32, #tpu.memory_space<vmem>> -> memref<1x128xf32, #tpu.memory_space<vmem>>
      %dma_wait3A_133 = tpu.memref_squeeze %dma_wait3A_132 : memref<1x128xf32, #tpu.memory_space<vmem>> -> memref<128xf32, #tpu.memory_space<vmem>>
      %dma_wait3A_134 = tpu.memref_slice %arg14[%add3A_72] : memref<10240xf32, #tpu.memory_space<vmem_shared>> -> memref<128xf32, #tpu.memory_space<vmem_shared>>
      %dma_wait3A_135 = tpu.memref_slice %arg14[%add3A_72] : memref<10240xf32, #tpu.memory_space<vmem_shared>> -> memref<128xf32, #tpu.memory_space<vmem_shared>>
      %dma_wait3A_136 = arith.constant 0 : i32
      %dma_wait3A_137 = tpu.memref_slice %arg10[%run_scoped3A_73, %dma_wait3A_136] : memref<128x128xf32, #tpu.memory_space<vmem>> -> memref<1x128xf32, #tpu.memory_space<vmem>>
      %dma_wait3A_138 = tpu.memref_squeeze %dma_wait3A_137 : memref<1x128xf32, #tpu.memory_space<vmem>> -> memref<128xf32, #tpu.memory_space<vmem>>
      tpu.wait_dma2 semaphore(%run_scoped3A_122 : memref<!tpu.dma_semaphore, #tpu.memory_space<semaphore_mem>>) src(%dma_wait3A_138 : memref<128xf32, #tpu.memory_space<vmem>>) dst(%dma_wait3A_135 : memref<128xf32, #tpu.memory_space<vmem_shared>>)
      tpu.yield
    }) : () -> ()
    %add3A_74 = arith.constant 512 : i32
    %add3A_75 = arith.addi %mul3A_0, %add3A_74 : i32
    %run_scoped3A_76 = arith.constant 0 : i32
    "tpu.region"() ({
      %run_scoped3A_122 = tpu.sem_alloc : memref<!tpu.dma_semaphore, #tpu.memory_space<semaphore_mem>>
      %dma_start3A_123 = arith.constant 0 : i32
      %dma_start3A_124 = tpu.memref_slice %arg10[%run_scoped3A_76, %dma_start3A_123] : memref<128x128xf32, #tpu.memory_space<vmem>> -> memref<1x128xf32, #tpu.memory_space<vmem>>
      %dma_start3A_125 = tpu.memref_squeeze %dma_start3A_124 : memref<1x128xf32, #tpu.memory_space<vmem>> -> memref<128xf32, #tpu.memory_space<vmem>>
      %dma_start3A_126 = tpu.memref_slice %arg14[%add3A_75] : memref<10240xf32, #tpu.memory_space<vmem_shared>> -> memref<128xf32, #tpu.memory_space<vmem_shared>>
      %dma_start3A_127 = tpu.memref_slice %arg14[%add3A_75] : memref<10240xf32, #tpu.memory_space<vmem_shared>> -> memref<128xf32, #tpu.memory_space<vmem_shared>>
      %dma_start3A_128 = arith.constant 0 : i32
      %dma_start3A_129 = tpu.memref_slice %arg10[%run_scoped3A_76, %dma_start3A_128] : memref<128x128xf32, #tpu.memory_space<vmem>> -> memref<1x128xf32, #tpu.memory_space<vmem>>
      %dma_start3A_130 = tpu.memref_squeeze %dma_start3A_129 : memref<1x128xf32, #tpu.memory_space<vmem>> -> memref<128xf32, #tpu.memory_space<vmem>>
      tpu.enqueue_dma source(%dma_start3A_130 : memref<128xf32, #tpu.memory_space<vmem>>) target(%dma_start3A_127 : memref<128xf32, #tpu.memory_space<vmem_shared>>) target_semaphore(%run_scoped3A_122 : memref<!tpu.dma_semaphore, #tpu.memory_space<semaphore_mem>>)
      %dma_wait3A_131 = arith.constant 0 : i32
      %dma_wait3A_132 = tpu.memref_slice %arg10[%run_scoped3A_76, %dma_wait3A_131] : memref<128x128xf32, #tpu.memory_space<vmem>> -> memref<1x128xf32, #tpu.memory_space<vmem>>
      %dma_wait3A_133 = tpu.memref_squeeze %dma_wait3A_132 : memref<1x128xf32, #tpu.memory_space<vmem>> -> memref<128xf32, #tpu.memory_space<vmem>>
      %dma_wait3A_134 = tpu.memref_slice %arg14[%add3A_75] : memref<10240xf32, #tpu.memory_space<vmem_shared>> -> memref<128xf32, #tpu.memory_space<vmem_shared>>
      %dma_wait3A_135 = tpu.memref_slice %arg14[%add3A_75] : memref<10240xf32, #tpu.memory_space<vmem_shared>> -> memref<128xf32, #tpu.memory_space<vmem_shared>>
      %dma_wait3A_136 = arith.constant 0 : i32
      %dma_wait3A_137 = tpu.memref_slice %arg10[%run_scoped3A_76, %dma_wait3A_136] : memref<128x128xf32, #tpu.memory_space<vmem>> -> memref<1x128xf32, #tpu.memory_space<vmem>>
      %dma_wait3A_138 = tpu.memref_squeeze %dma_wait3A_137 : memref<1x128xf32, #tpu.memory_space<vmem>> -> memref<128xf32, #tpu.memory_space<vmem>>
      tpu.wait_dma2 semaphore(%run_scoped3A_122 : memref<!tpu.dma_semaphore, #tpu.memory_space<semaphore_mem>>) src(%dma_wait3A_138 : memref<128xf32, #tpu.memory_space<vmem>>) dst(%dma_wait3A_135 : memref<128xf32, #tpu.memory_space<vmem_shared>>)
      tpu.yield
    }) : () -> ()
    %barrier3A = arith.constant 0 : index
    tpu.barrier barrier_id(%barrier3A)
    %run_scoped3A_77 = arith.constant 0 : i32
    "tpu.region"() ({
      %run_scoped3A_122 = tpu.sem_alloc : memref<!tpu.dma_semaphore, #tpu.memory_space<semaphore_mem>>
      %dma_start3A_123 = arith.constant 0 : i32
      %dma_start3A_124 = tpu.memref_slice %arg3[%arg0, %arg1, %run_scoped3A_77, %dma_start3A_123] : memref<2x16x114x128xi32, #tpu.memory_space<hbm>> -> memref<1x1x1x128xi32, #tpu.memory_space<hbm>>
      %dma_start3A_125 = tpu.memref_squeeze %dma_start3A_124 : memref<1x1x1x128xi32, #tpu.memory_space<hbm>> -> memref<128xi32, #tpu.memory_space<hbm>>
      %dma_start3A_126 = arith.constant 0 : i32
      %dma_start3A_127 = tpu.memref_slice %arg3[%arg0, %arg1, %run_scoped3A_77, %dma_start3A_126] : memref<2x16x114x128xi32, #tpu.memory_space<hbm>> -> memref<1x1x1x128xi32, #tpu.memory_space<hbm>>
      %dma_start3A_128 = tpu.memref_squeeze %dma_start3A_127 : memref<1x1x1x128xi32, #tpu.memory_space<hbm>> -> memref<128xi32, #tpu.memory_space<hbm>>
      tpu.enqueue_dma source(%dma_start3A_128 : memref<128xi32, #tpu.memory_space<hbm>>) target(%arg8 : memref<128xi32, #tpu.memory_space<vmem>>) target_semaphore(%run_scoped3A_122 : memref<!tpu.dma_semaphore, #tpu.memory_space<semaphore_mem>>)
      %dma_wait3A_129 = arith.constant 0 : i32
      %dma_wait3A_130 = tpu.memref_slice %arg3[%arg0, %arg1, %run_scoped3A_77, %dma_wait3A_129] : memref<2x16x114x128xi32, #tpu.memory_space<hbm>> -> memref<1x1x1x128xi32, #tpu.memory_space<hbm>>
      %dma_wait3A_131 = tpu.memref_squeeze %dma_wait3A_130 : memref<1x1x1x128xi32, #tpu.memory_space<hbm>> -> memref<128xi32, #tpu.memory_space<hbm>>
      %dma_wait3A_132 = arith.constant 0 : i32
      %dma_wait3A_133 = tpu.memref_slice %arg3[%arg0, %arg1, %run_scoped3A_77, %dma_wait3A_132] : memref<2x16x114x128xi32, #tpu.memory_space<hbm>> -> memref<1x1x1x128xi32, #tpu.memory_space<hbm>>
      %dma_wait3A_134 = tpu.memref_squeeze %dma_wait3A_133 : memref<1x1x1x128xi32, #tpu.memory_space<hbm>> -> memref<128xi32, #tpu.memory_space<hbm>>
      tpu.wait_dma2 semaphore(%run_scoped3A_122 : memref<!tpu.dma_semaphore, #tpu.memory_space<semaphore_mem>>) src(%dma_wait3A_134 : memref<128xi32, #tpu.memory_space<hbm>>) dst(%arg8 : memref<128xi32, #tpu.memory_space<vmem>>)
      tpu.yield
    }) : () -> ()
    %dma_start3A = arith.constant 0 : i32
    %dma_start3A_78 = arith.constant 0 : i32
    %dma_start3A_79 = tpu.memref_slice %arg2[%dma_start3A, %dma_start3A_78] : memref<10000x128xf32, #tpu.memory_space<hbm>> -> memref<10000x128xf32, #tpu.memory_space<hbm>>
    tpu.enqueue_indirect_dma source(%dma_start3A_79 : memref<10000x128xf32, #tpu.memory_space<hbm>>) target(%arg10 : memref<128x128xf32, #tpu.memory_space<vmem>>) offsets(%arg8 : memref<128xi32, #tpu.memory_space<vmem>>) semaphore(%arg15 : memref<!tpu.dma_semaphore, #tpu.memory_space<semaphore_mem>>)
    %dma_start3A_80 = arith.constant 1 : i32
    %dma_start3A_81 = arith.constant 0 : i32
    %dma_start3A_82 = tpu.memref_slice %arg3[%arg0, %arg1, %dma_start3A_80, %dma_start3A_81] : memref<2x16x114x128xi32, #tpu.memory_space<hbm>> -> memref<1x1x1x128xi32, #tpu.memory_space<hbm>>
    %dma_start3A_83 = tpu.memref_squeeze %dma_start3A_82 : memref<1x1x1x128xi32, #tpu.memory_space<hbm>> -> memref<128xi32, #tpu.memory_space<hbm>>
    %dma_start3A_84 = arith.constant 0 : i32
    %dma_start3A_85 = tpu.memref_slice %arg3[%arg0, %arg1, %dma_start3A_80, %dma_start3A_84] : memref<2x16x114x128xi32, #tpu.memory_space<hbm>> -> memref<1x1x1x128xi32, #tpu.memory_space<hbm>>
    %dma_start3A_86 = tpu.memref_squeeze %dma_start3A_85 : memref<1x1x1x128xi32, #tpu.memory_space<hbm>> -> memref<128xi32, #tpu.memory_space<hbm>>
    tpu.enqueue_dma source(%dma_start3A_86 : memref<128xi32, #tpu.memory_space<hbm>>) target(%arg9 : memref<128xi32, #tpu.memory_space<vmem>>) target_semaphore(%arg18 : memref<!tpu.dma_semaphore, #tpu.memory_space<semaphore_mem>>)
    %jit3A_87 = arith.constant 2 : i32
    %div3A = arith.divsi %select_n3A, %jit3A_87 : i32
    %sign3A = arith.constant 0 : i32
    %sign3A_88 = arith.cmpi sgt, %select_n3A, %sign3A : i32
    %sign3A_89 = arith.extui %sign3A_88 : i1 to i32
    %sign3A_90 = arith.constant 0 : i32
    %sign3A_91 = arith.cmpi slt, %select_n3A, %sign3A_90 : i32
    %sign3A_92 = arith.extui %sign3A_91 : i1 to i32
    %sign3A_93 = arith.subi %sign3A_89, %sign3A_92 : i32
    %sign3A_94 = arith.constant 0 : i32
    %sign3A_95 = arith.cmpi sgt, %jit3A_87, %sign3A_94 : i32
    %sign3A_96 = arith.extui %sign3A_95 : i1 to i32
    %sign3A_97 = arith.constant 0 : i32
    %sign3A_98 = arith.cmpi slt, %jit3A_87, %sign3A_97 : i32
    %sign3A_99 = arith.extui %sign3A_98 : i1 to i32
    %sign3A_100 = arith.subi %sign3A_96, %sign3A_99 : i32
    %ne3A = arith.cmpi ne, %sign3A_93, %sign3A_100 : i32
    %rem3A = arith.remsi %select_n3A, %jit3A_87 : i32
    %ne3A_101 = arith.constant 0 : i32
    %ne3A_102 = arith.cmpi ne, %rem3A, %ne3A_101 : i32
    %and3A = arith.andi %ne3A, %ne3A_102 : i1
    %sub3A = arith.constant 1 : i32
    %sub3A_103 = arith.subi %div3A, %sub3A : i32
    %select_n3A_104 = arith.select %and3A, %sub3A_103, %div3A : i32
    %while3A = arith.constant 0 : i32
    %while3A_105 = arith.constant 0 : i32
    %while3A_106 = arith.subi %select_n3A_104, %while3A_105 : i32
    %while3A_107 = arith.addi %while3A_105, %while3A_106 : i32
    %while3A_108 = arith.constant 1 : i32
    %while3A_109 = arith.divsi %while3A_106, %while3A_108 : i32
    %while3A_110 = arith.muli %while3A_109, %while3A_108 : i32
    %while3A_111 = arith.addi %while3A_105, %while3A_110 : i32
    %while3A_112 = arith.constant 1 : i32
    scf.for %while3A_122 = %while3A_105 to %while3A_111 step %while3A_112  : i32 {
      %mul3A_123 = arith.constant 2 : i32
      %mul3A_124 = arith.muli %mul3A_123, %while3A_122 : i32
      %dma_wait3A_125 = arith.constant 0 : i32
      %dma_wait3A_126 = arith.constant 0 : i32
      %dma_wait3A_127 = tpu.memref_slice %arg2[%dma_wait3A_125, %dma_wait3A_126] : memref<10000x128xf32, #tpu.memory_space<hbm>> -> memref<10000x128xf32, #tpu.memory_space<hbm>>
      tpu.wait_indirect_dma semaphore(%arg15 : memref<!tpu.dma_semaphore, #tpu.memory_space<semaphore_mem>>) src(%dma_wait3A_127 : memref<10000x128xf32, #tpu.memory_space<hbm>>) dst(%arg10 : memref<128x128xf32, #tpu.memory_space<vmem>>)
      %dma_wait3A_128 = arith.constant 0 : i32
      %dma_wait3A_129 = arith.constant 0 : i32
      %dma_wait3A_130 = tpu.memref_slice %arg3[%arg0, %arg1, %dma_wait3A_128, %dma_wait3A_129] : memref<2x16x114x128xi32, #tpu.memory_space<hbm>> -> memref<1x1x1x128xi32, #tpu.memory_space<hbm>>
      %dma_wait3A_131 = tpu.memref_squeeze %dma_wait3A_130 : memref<1x1x1x128xi32, #tpu.memory_space<hbm>> -> memref<128xi32, #tpu.memory_space<hbm>>
      %dma_wait3A_132 = arith.constant 0 : i32
      %dma_wait3A_133 = tpu.memref_slice %arg3[%arg0, %arg1, %dma_wait3A_128, %dma_wait3A_132] : memref<2x16x114x128xi32, #tpu.memory_space<hbm>> -> memref<1x1x1x128xi32, #tpu.memory_space<hbm>>
      %dma_wait3A_134 = tpu.memref_squeeze %dma_wait3A_133 : memref<1x1x1x128xi32, #tpu.memory_space<hbm>> -> memref<128xi32, #tpu.memory_space<hbm>>
      tpu.wait_dma2 semaphore(%arg18 : memref<!tpu.dma_semaphore, #tpu.memory_space<semaphore_mem>>) src(%dma_wait3A_134 : memref<128xi32, #tpu.memory_space<hbm>>) dst(%arg9 : memref<128xi32, #tpu.memory_space<vmem>>)
      %dma_start3A_135 = arith.constant 0 : i32
      %dma_start3A_136 = arith.constant 0 : i32
      %dma_start3A_137 = tpu.memref_slice %arg2[%dma_start3A_135, %dma_start3A_136] : memref<10000x128xf32, #tpu.memory_space<hbm>> -> memref<10000x128xf32, #tpu.memory_space<hbm>>
      tpu.enqueue_indirect_dma source(%dma_start3A_137 : memref<10000x128xf32, #tpu.memory_space<hbm>>) target(%arg11 : memref<128x128xf32, #tpu.memory_space<vmem>>) offsets(%arg9 : memref<128xi32, #tpu.memory_space<vmem>>) semaphore(%arg16 : memref<!tpu.dma_semaphore, #tpu.memory_space<semaphore_mem>>)
      %add3A_138 = arith.constant 2 : i32
      %add3A_139 = arith.addi %mul3A_124, %add3A_138 : i32
      %lt3A = arith.cmpi slt, %add3A_139, %select_n3A : i32
      %convert_element_type3A = arith.extui %lt3A : i1 to i32
      %cond3A = arith.constant 0 : i32
      %cond3A_140 = arith.cmpi ne, %convert_element_type3A, %cond3A : i32
      scf.if %cond3A_140 {
        %add3A_168 = arith.constant 2 : i32
        %add3A_169 = arith.addi %mul3A_124, %add3A_168 : i32
        %dma_start3A_170 = arith.constant 0 : i32
        %dma_start3A_171 = tpu.memref_slice %arg3[%arg0, %arg1, %add3A_169, %dma_start3A_170] : memref<2x16x114x128xi32, #tpu.memory_space<hbm>> -> memref<1x1x1x128xi32, #tpu.memory_space<hbm>>
        %dma_start3A_172 = tpu.memref_squeeze %dma_start3A_171 : memref<1x1x1x128xi32, #tpu.memory_space<hbm>> -> memref<128xi32, #tpu.memory_space<hbm>>
        %dma_start3A_173 = arith.constant 0 : i32
        %dma_start3A_174 = tpu.memref_slice %arg3[%arg0, %arg1, %add3A_169, %dma_start3A_173] : memref<2x16x114x128xi32, #tpu.memory_space<hbm>> -> memref<1x1x1x128xi32, #tpu.memory_space<hbm>>
        %dma_start3A_175 = tpu.memref_squeeze %dma_start3A_174 : memref<1x1x1x128xi32, #tpu.memory_space<hbm>> -> memref<128xi32, #tpu.memory_space<hbm>>
        tpu.enqueue_dma source(%dma_start3A_175 : memref<128xi32, #tpu.memory_space<hbm>>) target(%arg8 : memref<128xi32, #tpu.memory_space<vmem>>) target_semaphore(%arg17 : memref<!tpu.dma_semaphore, #tpu.memory_space<semaphore_mem>>)
      } else {
      }
      %gt3A = arith.constant 0 : i32
      %gt3A_141 = arith.cmpi sgt, %mul3A_124, %gt3A : i32
      %convert_element_type3A_142 = arith.extui %gt3A_141 : i1 to i32
      %cond3A_143 = arith.constant 0 : i32
      %cond3A_144 = arith.cmpi ne, %convert_element_type3A_142, %cond3A_143 : i32
      scf.if %cond3A_144 {
        %dma_wait3A_168 = arith.constant 0 : i32
        %dma_wait3A_169 = tpu.memref_slice %arg14[%dma_wait3A_168] : memref<10240xf32, #tpu.memory_space<vmem_shared>> -> memref<128xf32, #tpu.memory_space<vmem_shared>>
        %dma_wait3A_170 = arith.constant 0 : i32
        %dma_wait3A_171 = tpu.memref_slice %arg14[%dma_wait3A_170] : memref<10240xf32, #tpu.memory_space<vmem_shared>> -> memref<128xf32, #tpu.memory_space<vmem_shared>>
        tpu.wait_dma2 semaphore(%arg19 : memref<!tpu.dma_semaphore, #tpu.memory_space<semaphore_mem>>) src(%arg12 : memref<128xf32, #tpu.memory_space<vmem>>) dst(%dma_wait3A_171 : memref<128xf32, #tpu.memory_space<vmem_shared>>)
        %dma_wait3A_172 = arith.constant 0 : i32
        %dma_wait3A_173 = tpu.memref_slice %arg14[%dma_wait3A_172] : memref<10240xf32, #tpu.memory_space<vmem_shared>> -> memref<128xf32, #tpu.memory_space<vmem_shared>>
        %dma_wait3A_174 = arith.constant 0 : i32
        %dma_wait3A_175 = tpu.memref_slice %arg14[%dma_wait3A_174] : memref<10240xf32, #tpu.memory_space<vmem_shared>> -> memref<128xf32, #tpu.memory_space<vmem_shared>>
        tpu.wait_dma2 semaphore(%arg19 : memref<!tpu.dma_semaphore, #tpu.memory_space<semaphore_mem>>) src(%arg12 : memref<128xf32, #tpu.memory_space<vmem>>) dst(%dma_wait3A_175 : memref<128xf32, #tpu.memory_space<vmem_shared>>)
      } else {
      }
      "tpu.region"() ({
        %run_scoped3A_168 = tpu.sem_alloc : memref<!tpu.dma_semaphore, #tpu.memory_space<semaphore_mem>>
        %dma_start3A_169 = arith.constant 0 : i32
        %dma_start3A_170 = tpu.memref_slice %arg7[%mul3A_124, %dma_start3A_169] : memref<114x128xi32, #tpu.memory_space<vmem>> -> memref<1x128xi32, #tpu.memory_space<vmem>>
        %dma_start3A_171 = tpu.memref_squeeze %dma_start3A_170 : memref<1x128xi32, #tpu.memory_space<vmem>> -> memref<128xi32, #tpu.memory_space<vmem>>
        %dma_start3A_172 = arith.constant 0 : i32
        %dma_start3A_173 = arith.constant 0 : i32
        %dma_start3A_174 = tpu.memref_slice %arg13[%dma_start3A_172, %dma_start3A_173] : memref<10240x128xf32, #tpu.memory_space<vmem_shared>> -> memref<10240x128xf32, #tpu.memory_space<vmem_shared>>
        tpu.enqueue_indirect_dma source(%arg10 : memref<128x128xf32, #tpu.memory_space<vmem>>) target(%dma_start3A_174 : memref<10240x128xf32, #tpu.memory_space<vmem_shared>>) offsets(%dma_start3A_171 : memref<128xi32, #tpu.memory_space<vmem>>) semaphore(%run_scoped3A_168 : memref<!tpu.dma_semaphore, #tpu.memory_space<semaphore_mem>>) {add = true}
        %dma_wait3A_175 = arith.constant 0 : i32
        %dma_wait3A_176 = tpu.memref_slice %arg7[%mul3A_124, %dma_wait3A_175] : memref<114x128xi32, #tpu.memory_space<vmem>> -> memref<1x128xi32, #tpu.memory_space<vmem>>
        %dma_wait3A_177 = tpu.memref_squeeze %dma_wait3A_176 : memref<1x128xi32, #tpu.memory_space<vmem>> -> memref<128xi32, #tpu.memory_space<vmem>>
        %dma_wait3A_178 = arith.constant 0 : i32
        %dma_wait3A_179 = arith.constant 0 : i32
        %dma_wait3A_180 = tpu.memref_slice %arg13[%dma_wait3A_178, %dma_wait3A_179] : memref<10240x128xf32, #tpu.memory_space<vmem_shared>> -> memref<10240x128xf32, #tpu.memory_space<vmem_shared>>
        tpu.wait_indirect_dma semaphore(%run_scoped3A_168 : memref<!tpu.dma_semaphore, #tpu.memory_space<semaphore_mem>>) src(%arg10 : memref<128x128xf32, #tpu.memory_space<vmem>>) dst(%dma_wait3A_180 : memref<10240x128xf32, #tpu.memory_space<vmem_shared>>)
        tpu.yield
      }) : () -> ()
      %dma_start3A_145 = arith.constant 0 : i32
      %dma_start3A_146 = tpu.memref_slice %arg7[%mul3A_124, %dma_start3A_145] : memref<114x128xi32, #tpu.memory_space<vmem>> -> memref<1x128xi32, #tpu.memory_space<vmem>>
      %dma_start3A_147 = tpu.memref_squeeze %dma_start3A_146 : memref<1x128xi32, #tpu.memory_space<vmem>> -> memref<128xi32, #tpu.memory_space<vmem>>
      %dma_start3A_148 = arith.constant 0 : i32
      %dma_start3A_149 = tpu.memref_slice %arg14[%dma_start3A_148] : memref<10240xf32, #tpu.memory_space<vmem_shared>> -> memref<10240xf32, #tpu.memory_space<vmem_shared>>
      tpu.enqueue_indirect_dma source(%arg12 : memref<128xf32, #tpu.memory_space<vmem>>) target(%dma_start3A_149 : memref<10240xf32, #tpu.memory_space<vmem_shared>>) offsets(%dma_start3A_147 : memref<128xi32, #tpu.memory_space<vmem>>) semaphore(%arg19 : memref<!tpu.dma_semaphore, #tpu.memory_space<semaphore_mem>>) {add = true}
      %dma_wait3A_150 = arith.constant 0 : i32
      %dma_wait3A_151 = arith.constant 0 : i32
      %dma_wait3A_152 = tpu.memref_slice %arg2[%dma_wait3A_150, %dma_wait3A_151] : memref<10000x128xf32, #tpu.memory_space<hbm>> -> memref<10000x128xf32, #tpu.memory_space<hbm>>
      tpu.wait_indirect_dma semaphore(%arg16 : memref<!tpu.dma_semaphore, #tpu.memory_space<semaphore_mem>>) src(%dma_wait3A_152 : memref<10000x128xf32, #tpu.memory_space<hbm>>) dst(%arg11 : memref<128x128xf32, #tpu.memory_space<vmem>>)
      %add3A_153 = arith.constant 2 : i32
      %add3A_154 = arith.addi %mul3A_124, %add3A_153 : i32
      %lt3A_155 = arith.cmpi slt, %add3A_154, %select_n3A : i32
      %convert_element_type3A_156 = arith.extui %lt3A_155 : i1 to i32
      %cond3A_157 = arith.constant 0 : i32
      %cond3A_158 = arith.cmpi ne, %convert_element_type3A_156, %cond3A_157 : i32
      scf.if %cond3A_158 {
        %dma_wait3A_168 = arith.constant 0 : i32
        %dma_wait3A_169 = arith.constant 0 : i32
        %dma_wait3A_170 = tpu.memref_slice %arg3[%arg0, %arg1, %dma_wait3A_168, %dma_wait3A_169] : memref<2x16x114x128xi32, #tpu.memory_space<hbm>> -> memref<1x1x1x128xi32, #tpu.memory_space<hbm>>
        %dma_wait3A_171 = tpu.memref_squeeze %dma_wait3A_170 : memref<1x1x1x128xi32, #tpu.memory_space<hbm>> -> memref<128xi32, #tpu.memory_space<hbm>>
        %dma_wait3A_172 = arith.constant 0 : i32
        %dma_wait3A_173 = tpu.memref_slice %arg3[%arg0, %arg1, %dma_wait3A_168, %dma_wait3A_172] : memref<2x16x114x128xi32, #tpu.memory_space<hbm>> -> memref<1x1x1x128xi32, #tpu.memory_space<hbm>>
        %dma_wait3A_174 = tpu.memref_squeeze %dma_wait3A_173 : memref<1x1x1x128xi32, #tpu.memory_space<hbm>> -> memref<128xi32, #tpu.memory_space<hbm>>
        tpu.wait_dma2 semaphore(%arg17 : memref<!tpu.dma_semaphore, #tpu.memory_space<semaphore_mem>>) src(%dma_wait3A_174 : memref<128xi32, #tpu.memory_space<hbm>>) dst(%arg8 : memref<128xi32, #tpu.memory_space<vmem>>)
        %dma_start3A_175 = arith.constant 0 : i32
        %dma_start3A_176 = arith.constant 0 : i32
        %dma_start3A_177 = tpu.memref_slice %arg2[%dma_start3A_175, %dma_start3A_176] : memref<10000x128xf32, #tpu.memory_space<hbm>> -> memref<10000x128xf32, #tpu.memory_space<hbm>>
        tpu.enqueue_indirect_dma source(%dma_start3A_177 : memref<10000x128xf32, #tpu.memory_space<hbm>>) target(%arg10 : memref<128x128xf32, #tpu.memory_space<vmem>>) offsets(%arg8 : memref<128xi32, #tpu.memory_space<vmem>>) semaphore(%arg15 : memref<!tpu.dma_semaphore, #tpu.memory_space<semaphore_mem>>)
        %add3A_178 = arith.constant 3 : i32
        %add3A_179 = arith.addi %mul3A_124, %add3A_178 : i32
        %lt3A_180 = arith.cmpi slt, %add3A_179, %select_n3A : i32
        %convert_element_type3A_181 = arith.extui %lt3A_180 : i1 to i32
        %cond3A_182 = arith.constant 0 : i32
        %cond3A_183 = arith.cmpi ne, %convert_element_type3A_181, %cond3A_182 : i32
        scf.if %cond3A_183 {
          %add3A_184 = arith.constant 3 : i32
          %add3A_185 = arith.addi %mul3A_124, %add3A_184 : i32
          %dma_start3A_186 = arith.constant 0 : i32
          %dma_start3A_187 = tpu.memref_slice %arg3[%arg0, %arg1, %add3A_185, %dma_start3A_186] : memref<2x16x114x128xi32, #tpu.memory_space<hbm>> -> memref<1x1x1x128xi32, #tpu.memory_space<hbm>>
          %dma_start3A_188 = tpu.memref_squeeze %dma_start3A_187 : memref<1x1x1x128xi32, #tpu.memory_space<hbm>> -> memref<128xi32, #tpu.memory_space<hbm>>
          %dma_start3A_189 = arith.constant 0 : i32
          %dma_start3A_190 = tpu.memref_slice %arg3[%arg0, %arg1, %add3A_185, %dma_start3A_189] : memref<2x16x114x128xi32, #tpu.memory_space<hbm>> -> memref<1x1x1x128xi32, #tpu.memory_space<hbm>>
          %dma_start3A_191 = tpu.memref_squeeze %dma_start3A_190 : memref<1x1x1x128xi32, #tpu.memory_space<hbm>> -> memref<128xi32, #tpu.memory_space<hbm>>
          tpu.enqueue_dma source(%dma_start3A_191 : memref<128xi32, #tpu.memory_space<hbm>>) target(%arg9 : memref<128xi32, #tpu.memory_space<vmem>>) target_semaphore(%arg18 : memref<!tpu.dma_semaphore, #tpu.memory_space<semaphore_mem>>)
        } else {
        }
      } else {
      }
      %add3A_159 = arith.constant 1 : i32
      %add3A_160 = arith.addi %mul3A_124, %add3A_159 : i32
      "tpu.region"() ({
        %run_scoped3A_168 = tpu.sem_alloc : memref<!tpu.dma_semaphore, #tpu.memory_space<semaphore_mem>>
        %dma_start3A_169 = arith.constant 0 : i32
        %dma_start3A_170 = tpu.memref_slice %arg7[%add3A_160, %dma_start3A_169] : memref<114x128xi32, #tpu.memory_space<vmem>> -> memref<1x128xi32, #tpu.memory_space<vmem>>
        %dma_start3A_171 = tpu.memref_squeeze %dma_start3A_170 : memref<1x128xi32, #tpu.memory_space<vmem>> -> memref<128xi32, #tpu.memory_space<vmem>>
        %dma_start3A_172 = arith.constant 0 : i32
        %dma_start3A_173 = arith.constant 0 : i32
        %dma_start3A_174 = tpu.memref_slice %arg13[%dma_start3A_172, %dma_start3A_173] : memref<10240x128xf32, #tpu.memory_space<vmem_shared>> -> memref<10240x128xf32, #tpu.memory_space<vmem_shared>>
        tpu.enqueue_indirect_dma source(%arg11 : memref<128x128xf32, #tpu.memory_space<vmem>>) target(%dma_start3A_174 : memref<10240x128xf32, #tpu.memory_space<vmem_shared>>) offsets(%dma_start3A_171 : memref<128xi32, #tpu.memory_space<vmem>>) semaphore(%run_scoped3A_168 : memref<!tpu.dma_semaphore, #tpu.memory_space<semaphore_mem>>) {add = true}
        %dma_wait3A_175 = arith.constant 0 : i32
        %dma_wait3A_176 = tpu.memref_slice %arg7[%add3A_160, %dma_wait3A_175] : memref<114x128xi32, #tpu.memory_space<vmem>> -> memref<1x128xi32, #tpu.memory_space<vmem>>
        %dma_wait3A_177 = tpu.memref_squeeze %dma_wait3A_176 : memref<1x128xi32, #tpu.memory_space<vmem>> -> memref<128xi32, #tpu.memory_space<vmem>>
        %dma_wait3A_178 = arith.constant 0 : i32
        %dma_wait3A_179 = arith.constant 0 : i32
        %dma_wait3A_180 = tpu.memref_slice %arg13[%dma_wait3A_178, %dma_wait3A_179] : memref<10240x128xf32, #tpu.memory_space<vmem_shared>> -> memref<10240x128xf32, #tpu.memory_space<vmem_shared>>
        tpu.wait_indirect_dma semaphore(%run_scoped3A_168 : memref<!tpu.dma_semaphore, #tpu.memory_space<semaphore_mem>>) src(%arg11 : memref<128x128xf32, #tpu.memory_space<vmem>>) dst(%dma_wait3A_180 : memref<10240x128xf32, #tpu.memory_space<vmem_shared>>)
        tpu.yield
      }) : () -> ()
      %add3A_161 = arith.constant 1 : i32
      %add3A_162 = arith.addi %mul3A_124, %add3A_161 : i32
      %dma_start3A_163 = arith.constant 0 : i32
      %dma_start3A_164 = tpu.memref_slice %arg7[%add3A_162, %dma_start3A_163] : memref<114x128xi32, #tpu.memory_space<vmem>> -> memref<1x128xi32, #tpu.memory_space<vmem>>
      %dma_start3A_165 = tpu.memref_squeeze %dma_start3A_164 : memref<1x128xi32, #tpu.memory_space<vmem>> -> memref<128xi32, #tpu.memory_space<vmem>>
      %dma_start3A_166 = arith.constant 0 : i32
      %dma_start3A_167 = tpu.memref_slice %arg14[%dma_start3A_166] : memref<10240xf32, #tpu.memory_space<vmem_shared>> -> memref<10240xf32, #tpu.memory_space<vmem_shared>>
      tpu.enqueue_indirect_dma source(%arg12 : memref<128xf32, #tpu.memory_space<vmem>>) target(%dma_start3A_167 : memref<10240xf32, #tpu.memory_space<vmem_shared>>) offsets(%dma_start3A_165 : memref<128xi32, #tpu.memory_space<vmem>>) semaphore(%arg19 : memref<!tpu.dma_semaphore, #tpu.memory_space<semaphore_mem>>) {add = true}
    }
    %while3A_113 = arith.constant 1 : i32
    scf.for %while3A_122 = %while3A_111 to %while3A_107 step %while3A_113  : i32 {
      %mul3A_123 = arith.constant 2 : i32
      %mul3A_124 = arith.muli %mul3A_123, %while3A_122 : i32
      %dma_wait3A_125 = arith.constant 0 : i32
      %dma_wait3A_126 = arith.constant 0 : i32
      %dma_wait3A_127 = tpu.memref_slice %arg2[%dma_wait3A_125, %dma_wait3A_126] : memref<10000x128xf32, #tpu.memory_space<hbm>> -> memref<10000x128xf32, #tpu.memory_space<hbm>>
      tpu.wait_indirect_dma semaphore(%arg15 : memref<!tpu.dma_semaphore, #tpu.memory_space<semaphore_mem>>) src(%dma_wait3A_127 : memref<10000x128xf32, #tpu.memory_space<hbm>>) dst(%arg10 : memref<128x128xf32, #tpu.memory_space<vmem>>)
      %dma_wait3A_128 = arith.constant 0 : i32
      %dma_wait3A_129 = arith.constant 0 : i32
      %dma_wait3A_130 = tpu.memref_slice %arg3[%arg0, %arg1, %dma_wait3A_128, %dma_wait3A_129] : memref<2x16x114x128xi32, #tpu.memory_space<hbm>> -> memref<1x1x1x128xi32, #tpu.memory_space<hbm>>
      %dma_wait3A_131 = tpu.memref_squeeze %dma_wait3A_130 : memref<1x1x1x128xi32, #tpu.memory_space<hbm>> -> memref<128xi32, #tpu.memory_space<hbm>>
      %dma_wait3A_132 = arith.constant 0 : i32
      %dma_wait3A_133 = tpu.memref_slice %arg3[%arg0, %arg1, %dma_wait3A_128, %dma_wait3A_132] : memref<2x16x114x128xi32, #tpu.memory_space<hbm>> -> memref<1x1x1x128xi32, #tpu.memory_space<hbm>>
      %dma_wait3A_134 = tpu.memref_squeeze %dma_wait3A_133 : memref<1x1x1x128xi32, #tpu.memory_space<hbm>> -> memref<128xi32, #tpu.memory_space<hbm>>
      tpu.wait_dma2 semaphore(%arg18 : memref<!tpu.dma_semaphore, #tpu.memory_space<semaphore_mem>>) src(%dma_wait3A_134 : memref<128xi32, #tpu.memory_space<hbm>>) dst(%arg9 : memref<128xi32, #tpu.memory_space<vmem>>)
      %dma_start3A_135 = arith.constant 0 : i32
      %dma_start3A_136 = arith.constant 0 : i32
      %dma_start3A_137 = tpu.memref_slice %arg2[%dma_start3A_135, %dma_start3A_136] : memref<10000x128xf32, #tpu.memory_space<hbm>> -> memref<10000x128xf32, #tpu.memory_space<hbm>>
      tpu.enqueue_indirect_dma source(%dma_start3A_137 : memref<10000x128xf32, #tpu.memory_space<hbm>>) target(%arg11 : memref<128x128xf32, #tpu.memory_space<vmem>>) offsets(%arg9 : memref<128xi32, #tpu.memory_space<vmem>>) semaphore(%arg16 : memref<!tpu.dma_semaphore, #tpu.memory_space<semaphore_mem>>)
      %add3A_138 = arith.constant 2 : i32
      %add3A_139 = arith.addi %mul3A_124, %add3A_138 : i32
      %lt3A = arith.cmpi slt, %add3A_139, %select_n3A : i32
      %convert_element_type3A = arith.extui %lt3A : i1 to i32
      %cond3A = arith.constant 0 : i32
      %cond3A_140 = arith.cmpi ne, %convert_element_type3A, %cond3A : i32
      scf.if %cond3A_140 {
        %add3A_168 = arith.constant 2 : i32
        %add3A_169 = arith.addi %mul3A_124, %add3A_168 : i32
        %dma_start3A_170 = arith.constant 0 : i32
        %dma_start3A_171 = tpu.memref_slice %arg3[%arg0, %arg1, %add3A_169, %dma_start3A_170] : memref<2x16x114x128xi32, #tpu.memory_space<hbm>> -> memref<1x1x1x128xi32, #tpu.memory_space<hbm>>
        %dma_start3A_172 = tpu.memref_squeeze %dma_start3A_171 : memref<1x1x1x128xi32, #tpu.memory_space<hbm>> -> memref<128xi32, #tpu.memory_space<hbm>>
        %dma_start3A_173 = arith.constant 0 : i32
        %dma_start3A_174 = tpu.memref_slice %arg3[%arg0, %arg1, %add3A_169, %dma_start3A_173] : memref<2x16x114x128xi32, #tpu.memory_space<hbm>> -> memref<1x1x1x128xi32, #tpu.memory_space<hbm>>
        %dma_start3A_175 = tpu.memref_squeeze %dma_start3A_174 : memref<1x1x1x128xi32, #tpu.memory_space<hbm>> -> memref<128xi32, #tpu.memory_space<hbm>>
        tpu.enqueue_dma source(%dma_start3A_175 : memref<128xi32, #tpu.memory_space<hbm>>) target(%arg8 : memref<128xi32, #tpu.memory_space<vmem>>) target_semaphore(%arg17 : memref<!tpu.dma_semaphore, #tpu.memory_space<semaphore_mem>>)
      } else {
      }
      %gt3A = arith.constant 0 : i32
      %gt3A_141 = arith.cmpi sgt, %mul3A_124, %gt3A : i32
      %convert_element_type3A_142 = arith.extui %gt3A_141 : i1 to i32
      %cond3A_143 = arith.constant 0 : i32
      %cond3A_144 = arith.cmpi ne, %convert_element_type3A_142, %cond3A_143 : i32
      scf.if %cond3A_144 {
        %dma_wait3A_168 = arith.constant 0 : i32
        %dma_wait3A_169 = tpu.memref_slice %arg14[%dma_wait3A_168] : memref<10240xf32, #tpu.memory_space<vmem_shared>> -> memref<128xf32, #tpu.memory_space<vmem_shared>>
        %dma_wait3A_170 = arith.constant 0 : i32
        %dma_wait3A_171 = tpu.memref_slice %arg14[%dma_wait3A_170] : memref<10240xf32, #tpu.memory_space<vmem_shared>> -> memref<128xf32, #tpu.memory_space<vmem_shared>>
        tpu.wait_dma2 semaphore(%arg19 : memref<!tpu.dma_semaphore, #tpu.memory_space<semaphore_mem>>) src(%arg12 : memref<128xf32, #tpu.memory_space<vmem>>) dst(%dma_wait3A_171 : memref<128xf32, #tpu.memory_space<vmem_shared>>)
        %dma_wait3A_172 = arith.constant 0 : i32
        %dma_wait3A_173 = tpu.memref_slice %arg14[%dma_wait3A_172] : memref<10240xf32, #tpu.memory_space<vmem_shared>> -> memref<128xf32, #tpu.memory_space<vmem_shared>>
        %dma_wait3A_174 = arith.constant 0 : i32
        %dma_wait3A_175 = tpu.memref_slice %arg14[%dma_wait3A_174] : memref<10240xf32, #tpu.memory_space<vmem_shared>> -> memref<128xf32, #tpu.memory_space<vmem_shared>>
        tpu.wait_dma2 semaphore(%arg19 : memref<!tpu.dma_semaphore, #tpu.memory_space<semaphore_mem>>) src(%arg12 : memref<128xf32, #tpu.memory_space<vmem>>) dst(%dma_wait3A_175 : memref<128xf32, #tpu.memory_space<vmem_shared>>)
      } else {
      }
      "tpu.region"() ({
        %run_scoped3A_168 = tpu.sem_alloc : memref<!tpu.dma_semaphore, #tpu.memory_space<semaphore_mem>>
        %dma_start3A_169 = arith.constant 0 : i32
        %dma_start3A_170 = tpu.memref_slice %arg7[%mul3A_124, %dma_start3A_169] : memref<114x128xi32, #tpu.memory_space<vmem>> -> memref<1x128xi32, #tpu.memory_space<vmem>>
        %dma_start3A_171 = tpu.memref_squeeze %dma_start3A_170 : memref<1x128xi32, #tpu.memory_space<vmem>> -> memref<128xi32, #tpu.memory_space<vmem>>
        %dma_start3A_172 = arith.constant 0 : i32
        %dma_start3A_173 = arith.constant 0 : i32
        %dma_start3A_174 = tpu.memref_slice %arg13[%dma_start3A_172, %dma_start3A_173] : memref<10240x128xf32, #tpu.memory_space<vmem_shared>> -> memref<10240x128xf32, #tpu.memory_space<vmem_shared>>
        tpu.enqueue_indirect_dma source(%arg10 : memref<128x128xf32, #tpu.memory_space<vmem>>) target(%dma_start3A_174 : memref<10240x128xf32, #tpu.memory_space<vmem_shared>>) offsets(%dma_start3A_171 : memref<128xi32, #tpu.memory_space<vmem>>) semaphore(%run_scoped3A_168 : memref<!tpu.dma_semaphore, #tpu.memory_space<semaphore_mem>>) {add = true}
        %dma_wait3A_175 = arith.constant 0 : i32
        %dma_wait3A_176 = tpu.memref_slice %arg7[%mul3A_124, %dma_wait3A_175] : memref<114x128xi32, #tpu.memory_space<vmem>> -> memref<1x128xi32, #tpu.memory_space<vmem>>
        %dma_wait3A_177 = tpu.memref_squeeze %dma_wait3A_176 : memref<1x128xi32, #tpu.memory_space<vmem>> -> memref<128xi32, #tpu.memory_space<vmem>>
        %dma_wait3A_178 = arith.constant 0 : i32
        %dma_wait3A_179 = arith.constant 0 : i32
        %dma_wait3A_180 = tpu.memref_slice %arg13[%dma_wait3A_178, %dma_wait3A_179] : memref<10240x128xf32, #tpu.memory_space<vmem_shared>> -> memref<10240x128xf32, #tpu.memory_space<vmem_shared>>
        tpu.wait_indirect_dma semaphore(%run_scoped3A_168 : memref<!tpu.dma_semaphore, #tpu.memory_space<semaphore_mem>>) src(%arg10 : memref<128x128xf32, #tpu.memory_space<vmem>>) dst(%dma_wait3A_180 : memref<10240x128xf32, #tpu.memory_space<vmem_shared>>)
        tpu.yield
      }) : () -> ()
      %dma_start3A_145 = arith.constant 0 : i32
      %dma_start3A_146 = tpu.memref_slice %arg7[%mul3A_124, %dma_start3A_145] : memref<114x128xi32, #tpu.memory_space<vmem>> -> memref<1x128xi32, #tpu.memory_space<vmem>>
      %dma_start3A_147 = tpu.memref_squeeze %dma_start3A_146 : memref<1x128xi32, #tpu.memory_space<vmem>> -> memref<128xi32, #tpu.memory_space<vmem>>
      %dma_start3A_148 = arith.constant 0 : i32
      %dma_start3A_149 = tpu.memref_slice %arg14[%dma_start3A_148] : memref<10240xf32, #tpu.memory_space<vmem_shared>> -> memref<10240xf32, #tpu.memory_space<vmem_shared>>
      tpu.enqueue_indirect_dma source(%arg12 : memref<128xf32, #tpu.memory_space<vmem>>) target(%dma_start3A_149 : memref<10240xf32, #tpu.memory_space<vmem_shared>>) offsets(%dma_start3A_147 : memref<128xi32, #tpu.memory_space<vmem>>) semaphore(%arg19 : memref<!tpu.dma_semaphore, #tpu.memory_space<semaphore_mem>>) {add = true}
      %dma_wait3A_150 = arith.constant 0 : i32
      %dma_wait3A_151 = arith.constant 0 : i32
      %dma_wait3A_152 = tpu.memref_slice %arg2[%dma_wait3A_150, %dma_wait3A_151] : memref<10000x128xf32, #tpu.memory_space<hbm>> -> memref<10000x128xf32, #tpu.memory_space<hbm>>
      tpu.wait_indirect_dma semaphore(%arg16 : memref<!tpu.dma_semaphore, #tpu.memory_space<semaphore_mem>>) src(%dma_wait3A_152 : memref<10000x128xf32, #tpu.memory_space<hbm>>) dst(%arg11 : memref<128x128xf32, #tpu.memory_space<vmem>>)
      %add3A_153 = arith.constant 2 : i32
      %add3A_154 = arith.addi %mul3A_124, %add3A_153 : i32
      %lt3A_155 = arith.cmpi slt, %add3A_154, %select_n3A : i32
      %convert_element_type3A_156 = arith.extui %lt3A_155 : i1 to i32
      %cond3A_157 = arith.constant 0 : i32
      %cond3A_158 = arith.cmpi ne, %convert_element_type3A_156, %cond3A_157 : i32
      scf.if %cond3A_158 {
        %dma_wait3A_168 = arith.constant 0 : i32
        %dma_wait3A_169 = arith.constant 0 : i32
        %dma_wait3A_170 = tpu.memref_slice %arg3[%arg0, %arg1, %dma_wait3A_168, %dma_wait3A_169] : memref<2x16x114x128xi32, #tpu.memory_space<hbm>> -> memref<1x1x1x128xi32, #tpu.memory_space<hbm>>
        %dma_wait3A_171 = tpu.memref_squeeze %dma_wait3A_170 : memref<1x1x1x128xi32, #tpu.memory_space<hbm>> -> memref<128xi32, #tpu.memory_space<hbm>>
        %dma_wait3A_172 = arith.constant 0 : i32
        %dma_wait3A_173 = tpu.memref_slice %arg3[%arg0, %arg1, %dma_wait3A_168, %dma_wait3A_172] : memref<2x16x114x128xi32, #tpu.memory_space<hbm>> -> memref<1x1x1x128xi32, #tpu.memory_space<hbm>>
        %dma_wait3A_174 = tpu.memref_squeeze %dma_wait3A_173 : memref<1x1x1x128xi32, #tpu.memory_space<hbm>> -> memref<128xi32, #tpu.memory_space<hbm>>
        tpu.wait_dma2 semaphore(%arg17 : memref<!tpu.dma_semaphore, #tpu.memory_space<semaphore_mem>>) src(%dma_wait3A_174 : memref<128xi32, #tpu.memory_space<hbm>>) dst(%arg8 : memref<128xi32, #tpu.memory_space<vmem>>)
        %dma_start3A_175 = arith.constant 0 : i32
        %dma_start3A_176 = arith.constant 0 : i32
        %dma_start3A_177 = tpu.memref_slice %arg2[%dma_start3A_175, %dma_start3A_176] : memref<10000x128xf32, #tpu.memory_space<hbm>> -> memref<10000x128xf32, #tpu.memory_space<hbm>>
        tpu.enqueue_indirect_dma source(%dma_start3A_177 : memref<10000x128xf32, #tpu.memory_space<hbm>>) target(%arg10 : memref<128x128xf32, #tpu.memory_space<vmem>>) offsets(%arg8 : memref<128xi32, #tpu.memory_space<vmem>>) semaphore(%arg15 : memref<!tpu.dma_semaphore, #tpu.memory_space<semaphore_mem>>)
        %add3A_178 = arith.constant 3 : i32
        %add3A_179 = arith.addi %mul3A_124, %add3A_178 : i32
        %lt3A_180 = arith.cmpi slt, %add3A_179, %select_n3A : i32
        %convert_element_type3A_181 = arith.extui %lt3A_180 : i1 to i32
        %cond3A_182 = arith.constant 0 : i32
        %cond3A_183 = arith.cmpi ne, %convert_element_type3A_181, %cond3A_182 : i32
        scf.if %cond3A_183 {
          %add3A_184 = arith.constant 3 : i32
          %add3A_185 = arith.addi %mul3A_124, %add3A_184 : i32
          %dma_start3A_186 = arith.constant 0 : i32
          %dma_start3A_187 = tpu.memref_slice %arg3[%arg0, %arg1, %add3A_185, %dma_start3A_186] : memref<2x16x114x128xi32, #tpu.memory_space<hbm>> -> memref<1x1x1x128xi32, #tpu.memory_space<hbm>>
          %dma_start3A_188 = tpu.memref_squeeze %dma_start3A_187 : memref<1x1x1x128xi32, #tpu.memory_space<hbm>> -> memref<128xi32, #tpu.memory_space<hbm>>
          %dma_start3A_189 = arith.constant 0 : i32
          %dma_start3A_190 = tpu.memref_slice %arg3[%arg0, %arg1, %add3A_185, %dma_start3A_189] : memref<2x16x114x128xi32, #tpu.memory_space<hbm>> -> memref<1x1x1x128xi32, #tpu.memory_space<hbm>>
          %dma_start3A_191 = tpu.memref_squeeze %dma_start3A_190 : memref<1x1x1x128xi32, #tpu.memory_space<hbm>> -> memref<128xi32, #tpu.memory_space<hbm>>
          tpu.enqueue_dma source(%dma_start3A_191 : memref<128xi32, #tpu.memory_space<hbm>>) target(%arg9 : memref<128xi32, #tpu.memory_space<vmem>>) target_semaphore(%arg18 : memref<!tpu.dma_semaphore, #tpu.memory_space<semaphore_mem>>)
        } else {
        }
      } else {
      }
      %add3A_159 = arith.constant 1 : i32
      %add3A_160 = arith.addi %mul3A_124, %add3A_159 : i32
      "tpu.region"() ({
        %run_scoped3A_168 = tpu.sem_alloc : memref<!tpu.dma_semaphore, #tpu.memory_space<semaphore_mem>>
        %dma_start3A_169 = arith.constant 0 : i32
        %dma_start3A_170 = tpu.memref_slice %arg7[%add3A_160, %dma_start3A_169] : memref<114x128xi32, #tpu.memory_space<vmem>> -> memref<1x128xi32, #tpu.memory_space<vmem>>
        %dma_start3A_171 = tpu.memref_squeeze %dma_start3A_170 : memref<1x128xi32, #tpu.memory_space<vmem>> -> memref<128xi32, #tpu.memory_space<vmem>>
        %dma_start3A_172 = arith.constant 0 : i32
        %dma_start3A_173 = arith.constant 0 : i32
        %dma_start3A_174 = tpu.memref_slice %arg13[%dma_start3A_172, %dma_start3A_173] : memref<10240x128xf32, #tpu.memory_space<vmem_shared>> -> memref<10240x128xf32, #tpu.memory_space<vmem_shared>>
        tpu.enqueue_indirect_dma source(%arg11 : memref<128x128xf32, #tpu.memory_space<vmem>>) target(%dma_start3A_174 : memref<10240x128xf32, #tpu.memory_space<vmem_shared>>) offsets(%dma_start3A_171 : memref<128xi32, #tpu.memory_space<vmem>>) semaphore(%run_scoped3A_168 : memref<!tpu.dma_semaphore, #tpu.memory_space<semaphore_mem>>) {add = true}
        %dma_wait3A_175 = arith.constant 0 : i32
        %dma_wait3A_176 = tpu.memref_slice %arg7[%add3A_160, %dma_wait3A_175] : memref<114x128xi32, #tpu.memory_space<vmem>> -> memref<1x128xi32, #tpu.memory_space<vmem>>
        %dma_wait3A_177 = tpu.memref_squeeze %dma_wait3A_176 : memref<1x128xi32, #tpu.memory_space<vmem>> -> memref<128xi32, #tpu.memory_space<vmem>>
        %dma_wait3A_178 = arith.constant 0 : i32
        %dma_wait3A_179 = arith.constant 0 : i32
        %dma_wait3A_180 = tpu.memref_slice %arg13[%dma_wait3A_178, %dma_wait3A_179] : memref<10240x128xf32, #tpu.memory_space<vmem_shared>> -> memref<10240x128xf32, #tpu.memory_space<vmem_shared>>
        tpu.wait_indirect_dma semaphore(%run_scoped3A_168 : memref<!tpu.dma_semaphore, #tpu.memory_space<semaphore_mem>>) src(%arg11 : memref<128x128xf32, #tpu.memory_space<vmem>>) dst(%dma_wait3A_180 : memref<10240x128xf32, #tpu.memory_space<vmem_shared>>)
        tpu.yield
      }) : () -> ()
      %add3A_161 = arith.constant 1 : i32
      %add3A_162 = arith.addi %mul3A_124, %add3A_161 : i32
      %dma_start3A_163 = arith.constant 0 : i32
      %dma_start3A_164 = tpu.memref_slice %arg7[%add3A_162, %dma_start3A_163] : memref<114x128xi32, #tpu.memory_space<vmem>> -> memref<1x128xi32, #tpu.memory_space<vmem>>
      %dma_start3A_165 = tpu.memref_squeeze %dma_start3A_164 : memref<1x128xi32, #tpu.memory_space<vmem>> -> memref<128xi32, #tpu.memory_space<vmem>>
      %dma_start3A_166 = arith.constant 0 : i32
      %dma_start3A_167 = tpu.memref_slice %arg14[%dma_start3A_166] : memref<10240xf32, #tpu.memory_space<vmem_shared>> -> memref<10240xf32, #tpu.memory_space<vmem_shared>>
      tpu.enqueue_indirect_dma source(%arg12 : memref<128xf32, #tpu.memory_space<vmem>>) target(%dma_start3A_167 : memref<10240xf32, #tpu.memory_space<vmem_shared>>) offsets(%dma_start3A_165 : memref<128xi32, #tpu.memory_space<vmem>>) semaphore(%arg19 : memref<!tpu.dma_semaphore, #tpu.memory_space<semaphore_mem>>) {add = true}
    }
    %dma_wait3A = arith.constant 0 : i32
    %dma_wait3A_114 = tpu.memref_slice %arg14[%dma_wait3A] : memref<10240xf32, #tpu.memory_space<vmem_shared>> -> memref<128xf32, #tpu.memory_space<vmem_shared>>
    %dma_wait3A_115 = arith.constant 0 : i32
    %dma_wait3A_116 = tpu.memref_slice %arg14[%dma_wait3A_115] : memref<10240xf32, #tpu.memory_space<vmem_shared>> -> memref<128xf32, #tpu.memory_space<vmem_shared>>
    tpu.wait_dma2 semaphore(%arg19 : memref<!tpu.dma_semaphore, #tpu.memory_space<semaphore_mem>>) src(%arg12 : memref<128xf32, #tpu.memory_space<vmem>>) dst(%dma_wait3A_116 : memref<128xf32, #tpu.memory_space<vmem_shared>>)
    %dma_wait3A_117 = arith.constant 0 : i32
    %dma_wait3A_118 = tpu.memref_slice %arg14[%dma_wait3A_117] : memref<10240xf32, #tpu.memory_space<vmem_shared>> -> memref<128xf32, #tpu.memory_space<vmem_shared>>
    %dma_wait3A_119 = arith.constant 0 : i32
    %dma_wait3A_120 = tpu.memref_slice %arg14[%dma_wait3A_119] : memref<10240xf32, #tpu.memory_space<vmem_shared>> -> memref<128xf32, #tpu.memory_space<vmem_shared>>
    tpu.wait_dma2 semaphore(%arg19 : memref<!tpu.dma_semaphore, #tpu.memory_space<semaphore_mem>>) src(%arg12 : memref<128xf32, #tpu.memory_space<vmem>>) dst(%dma_wait3A_120 : memref<128xf32, #tpu.memory_space<vmem_shared>>)
    %barrier3A_121 = arith.constant 0 : index
    tpu.barrier barrier_id(%barrier3A_121)
    "tpu.region"() ({
      %run_scoped3A_122 = tpu.sem_alloc : memref<!tpu.dma_semaphore, #tpu.memory_space<semaphore_mem>>
      %dma_start3A_123 = arith.constant 0 : i32
      %dma_start3A_124 = tpu.memref_slice %arg5[%arg0, %mul3A_0, %dma_start3A_123] : memref<2x10240x128xf32, #tpu.memory_space<hbm>> -> memref<1x640x128xf32, #tpu.memory_space<hbm>>
      %dma_start3A_125 = tpu.memref_squeeze %dma_start3A_124 : memref<1x640x128xf32, #tpu.memory_space<hbm>> -> memref<640x128xf32, #tpu.memory_space<hbm>>
      %dma_start3A_126 = arith.constant 0 : i32
      %dma_start3A_127 = tpu.memref_slice %arg13[%mul3A_0, %dma_start3A_126] : memref<10240x128xf32, #tpu.memory_space<vmem_shared>> -> memref<640x128xf32, #tpu.memory_space<vmem_shared>>
      tpu.enqueue_dma source(%dma_start3A_127 : memref<640x128xf32, #tpu.memory_space<vmem_shared>>) target(%dma_start3A_125 : memref<640x128xf32, #tpu.memory_space<hbm>>) target_semaphore(%run_scoped3A_122 : memref<!tpu.dma_semaphore, #tpu.memory_space<semaphore_mem>>)
      %dma_wait3A_128 = arith.constant 0 : i32
      %dma_wait3A_129 = tpu.memref_slice %arg5[%arg0, %mul3A_0, %dma_wait3A_128] : memref<2x10240x128xf32, #tpu.memory_space<hbm>> -> memref<1x640x128xf32, #tpu.memory_space<hbm>>
      %dma_wait3A_130 = tpu.memref_squeeze %dma_wait3A_129 : memref<1x640x128xf32, #tpu.memory_space<hbm>> -> memref<640x128xf32, #tpu.memory_space<hbm>>
      %dma_wait3A_131 = arith.constant 0 : i32
      %dma_wait3A_132 = tpu.memref_slice %arg13[%mul3A_0, %dma_wait3A_131] : memref<10240x128xf32, #tpu.memory_space<vmem_shared>> -> memref<640x128xf32, #tpu.memory_space<vmem_shared>>
      tpu.wait_dma2 semaphore(%run_scoped3A_122 : memref<!tpu.dma_semaphore, #tpu.memory_space<semaphore_mem>>) src(%dma_wait3A_132 : memref<640x128xf32, #tpu.memory_space<vmem_shared>>) dst(%dma_wait3A_130 : memref<640x128xf32, #tpu.memory_space<hbm>>)
      tpu.yield
    }) : () -> ()
    "tpu.region"() ({
      %run_scoped3A_122 = tpu.sem_alloc : memref<!tpu.dma_semaphore, #tpu.memory_space<semaphore_mem>>
      %dma_start3A_123 = tpu.memref_slice %arg6[%arg0, %mul3A_0] : memref<2x10240xf32, #tpu.memory_space<hbm>> -> memref<1x640xf32, #tpu.memory_space<hbm>>
      %dma_start3A_124 = tpu.memref_squeeze %dma_start3A_123 : memref<1x640xf32, #tpu.memory_space<hbm>> -> memref<640xf32, #tpu.memory_space<hbm>>
      %dma_start3A_125 = tpu.memref_slice %arg14[%mul3A_0] : memref<10240xf32, #tpu.memory_space<vmem_shared>> -> memref<640xf32, #tpu.memory_space<vmem_shared>>
      tpu.enqueue_dma source(%dma_start3A_125 : memref<640xf32, #tpu.memory_space<vmem_shared>>) target(%dma_start3A_124 : memref<640xf32, #tpu.memory_space<hbm>>) target_semaphore(%run_scoped3A_122 : memref<!tpu.dma_semaphore, #tpu.memory_space<semaphore_mem>>)
      %dma_wait3A_126 = tpu.memref_slice %arg6[%arg0, %mul3A_0] : memref<2x10240xf32, #tpu.memory_space<hbm>> -> memref<1x640xf32, #tpu.memory_space<hbm>>
      %dma_wait3A_127 = tpu.memref_squeeze %dma_wait3A_126 : memref<1x640xf32, #tpu.memory_space<hbm>> -> memref<640xf32, #tpu.memory_space<hbm>>
      %dma_wait3A_128 = tpu.memref_slice %arg14[%mul3A_0] : memref<10240xf32, #tpu.memory_space<vmem_shared>> -> memref<640xf32, #tpu.memory_space<vmem_shared>>
      tpu.wait_dma2 semaphore(%run_scoped3A_122 : memref<!tpu.dma_semaphore, #tpu.memory_space<semaphore_mem>>) src(%dma_wait3A_128 : memref<640xf32, #tpu.memory_space<vmem_shared>>) dst(%dma_wait3A_127 : memref<640xf32, #tpu.memory_space<hbm>>)
      tpu.yield
    }) : () -> ()
    return
  }
}

#map = affine_map<(d0, d1) -> (0, 0)>
#map1 = affine_map<(d0, d1) -> (0, 0, 0, 0)>
#map2 = affine_map<(d0, d1) -> (0, 0, 0)>
module attributes {stable_mosaic.version = 14 : i64} {
  func.func @body(%arg0: i32, %arg1: i32, %arg2: memref<10000x128xf32, #tpu.memory_space<hbm>>, %arg3: memref<2x16x118x128xi32, #tpu.memory_space<hbm>>, %arg4: memref<2x16x118x128xi32, #tpu.memory_space<hbm>>, %arg5: memref<2x10240x128xf32, #tpu.memory_space<hbm>>, %arg6: memref<118x128xi32, #tpu.memory_space<vmem>>, %arg7: memref<128xi32, #tpu.memory_space<vmem>>, %arg8: memref<128xi32, #tpu.memory_space<vmem>>, %arg9: memref<128x128xf32, #tpu.memory_space<vmem>>, %arg10: memref<128x128xf32, #tpu.memory_space<vmem>>, %arg11: memref<10240x128xf32, #tpu.memory_space<vmem_shared>>, %arg12: memref<!tpu.dma_semaphore, #tpu.memory_space<semaphore_mem>>, %arg13: memref<!tpu.dma_semaphore, #tpu.memory_space<semaphore_mem>>, %arg14: memref<!tpu.dma_semaphore, #tpu.memory_space<semaphore_mem>>, %arg15: memref<!tpu.dma_semaphore, #tpu.memory_space<semaphore_mem>>) attributes {dimension_semantics = [#tpu.dimension_semantics<core_parallel>, #tpu.dimension_semantics<subcore_parallel>], iteration_bounds = array<i64: 2, 16>, scalar_prefetch = 0 : i64, scratch_operands = 10 : i64, tpu.core_type = #tpu.core_type<sc_vector_subcore>, window_params = [{transform_indices = #map}, {transform_indices = #map1}, {transform_indices = #map1}, {transform_indices = #map2}]} {
    %mul3A = arith.constant 640 : i32
    %mul3A_0 = arith.muli %arg1, %mul3A : i32
    %eq3A = arith.constant 0 : i32
    %eq3A_1 = arith.cmpi eq, %arg0, %eq3A : i32
    %jit3A = arith.constant 118 : i32
    %jit3A_2 = arith.constant 40 : i32
    %select_n3A = arith.select %eq3A_1, %jit3A, %jit3A_2 : i32
    "tpu.region"() ({
      %run_scoped3A_54 = tpu.sem_alloc : memref<!tpu.dma_semaphore, #tpu.memory_space<semaphore_mem>>
      %dma_start3A_55 = arith.constant 0 : i32
      %dma_start3A_56 = arith.constant 0 : i32
      %dma_start3A_57 = tpu.memref_slice %arg4[%arg0, %arg1, %dma_start3A_55, %dma_start3A_56] : memref<2x16x118x128xi32, #tpu.memory_space<hbm>> -> memref<1x1x118x128xi32, #tpu.memory_space<hbm>>
      %dma_start3A_58 = tpu.memref_squeeze %dma_start3A_57 : memref<1x1x118x128xi32, #tpu.memory_space<hbm>> -> memref<118x128xi32, #tpu.memory_space<hbm>>
      %dma_start3A_59 = arith.constant 0 : i32
      %dma_start3A_60 = arith.constant 0 : i32
      %dma_start3A_61 = tpu.memref_slice %arg4[%arg0, %arg1, %dma_start3A_59, %dma_start3A_60] : memref<2x16x118x128xi32, #tpu.memory_space<hbm>> -> memref<1x1x118x128xi32, #tpu.memory_space<hbm>>
      %dma_start3A_62 = tpu.memref_squeeze %dma_start3A_61 : memref<1x1x118x128xi32, #tpu.memory_space<hbm>> -> memref<118x128xi32, #tpu.memory_space<hbm>>
      tpu.enqueue_dma source(%dma_start3A_62 : memref<118x128xi32, #tpu.memory_space<hbm>>) target(%arg6 : memref<118x128xi32, #tpu.memory_space<vmem>>) target_semaphore(%run_scoped3A_54 : memref<!tpu.dma_semaphore, #tpu.memory_space<semaphore_mem>>)
      %dma_wait3A = arith.constant 0 : i32
      %dma_wait3A_63 = arith.constant 0 : i32
      %dma_wait3A_64 = tpu.memref_slice %arg4[%arg0, %arg1, %dma_wait3A, %dma_wait3A_63] : memref<2x16x118x128xi32, #tpu.memory_space<hbm>> -> memref<1x1x118x128xi32, #tpu.memory_space<hbm>>
      %dma_wait3A_65 = tpu.memref_squeeze %dma_wait3A_64 : memref<1x1x118x128xi32, #tpu.memory_space<hbm>> -> memref<118x128xi32, #tpu.memory_space<hbm>>
      %dma_wait3A_66 = arith.constant 0 : i32
      %dma_wait3A_67 = arith.constant 0 : i32
      %dma_wait3A_68 = tpu.memref_slice %arg4[%arg0, %arg1, %dma_wait3A_66, %dma_wait3A_67] : memref<2x16x118x128xi32, #tpu.memory_space<hbm>> -> memref<1x1x118x128xi32, #tpu.memory_space<hbm>>
      %dma_wait3A_69 = tpu.memref_squeeze %dma_wait3A_68 : memref<1x1x118x128xi32, #tpu.memory_space<hbm>> -> memref<118x128xi32, #tpu.memory_space<hbm>>
      tpu.wait_dma2 semaphore(%run_scoped3A_54 : memref<!tpu.dma_semaphore, #tpu.memory_space<semaphore_mem>>) src(%dma_wait3A_69 : memref<118x128xi32, #tpu.memory_space<hbm>>) dst(%arg6 : memref<118x128xi32, #tpu.memory_space<vmem>>)
      tpu.yield
    }) : () -> ()
    %scan3A = arith.constant 0 : i32
    %scan3A_3 = arith.constant 0 : i32
    %scan3A_4 = arith.constant 128 : i32
    %scan3A_5 = arith.addi %scan3A_3, %scan3A_4 : i32
    %scan3A_6 = arith.constant 1 : i32
    scf.for %scan3A_54 = %scan3A_3 to %scan3A_5 step %scan3A_6  : i32 {
      %broadcast_in_dim3A = arith.constant 0.000000e+00 : f32
      %broadcast_in_dim3A_55 = vector.broadcast %broadcast_in_dim3A : f32 to vector<16xf32>
      %swap3A = arith.index_cast %scan3A_54 : i32 to index
      %swap3A_56 = arith.constant 0 : index
      %swap3A_57 = tpu.vector_load %arg9[%swap3A, %swap3A_56] {strides = array<i32>} : memref<128x128xf32, #tpu.memory_space<vmem>>, vector<1x16xf32>,
      %swap3A_58 = vector.shape_cast %swap3A_57 : vector<1x16xf32> to vector<16xf32>
      %swap3A_59 = vector.shape_cast %broadcast_in_dim3A_55 : vector<16xf32> to vector<1x16xf32>
      tpu.vector_store %arg9[%swap3A, %swap3A_56], %swap3A_59 {strides = array<i32>} : memref<128x128xf32, #tpu.memory_space<vmem>>, vector<1x16xf32>,
      %broadcast_in_dim3A_60 = arith.constant 0.000000e+00 : f32
      %broadcast_in_dim3A_61 = vector.broadcast %broadcast_in_dim3A_60 : f32 to vector<16xf32>
      %swap3A_62 = arith.index_cast %scan3A_54 : i32 to index
      %swap3A_63 = arith.constant 16 : index
      %swap3A_64 = tpu.vector_load %arg9[%swap3A_62, %swap3A_63] {strides = array<i32>} : memref<128x128xf32, #tpu.memory_space<vmem>>, vector<1x16xf32>,
      %swap3A_65 = vector.shape_cast %swap3A_64 : vector<1x16xf32> to vector<16xf32>
      %swap3A_66 = vector.shape_cast %broadcast_in_dim3A_61 : vector<16xf32> to vector<1x16xf32>
      tpu.vector_store %arg9[%swap3A_62, %swap3A_63], %swap3A_66 {strides = array<i32>} : memref<128x128xf32, #tpu.memory_space<vmem>>, vector<1x16xf32>,
      %broadcast_in_dim3A_67 = arith.constant 0.000000e+00 : f32
      %broadcast_in_dim3A_68 = vector.broadcast %broadcast_in_dim3A_67 : f32 to vector<16xf32>
      %swap3A_69 = arith.index_cast %scan3A_54 : i32 to index
      %swap3A_70 = arith.constant 32 : index
      %swap3A_71 = tpu.vector_load %arg9[%swap3A_69, %swap3A_70] {strides = array<i32>} : memref<128x128xf32, #tpu.memory_space<vmem>>, vector<1x16xf32>,
      %swap3A_72 = vector.shape_cast %swap3A_71 : vector<1x16xf32> to vector<16xf32>
      %swap3A_73 = vector.shape_cast %broadcast_in_dim3A_68 : vector<16xf32> to vector<1x16xf32>
      tpu.vector_store %arg9[%swap3A_69, %swap3A_70], %swap3A_73 {strides = array<i32>} : memref<128x128xf32, #tpu.memory_space<vmem>>, vector<1x16xf32>,
      %broadcast_in_dim3A_74 = arith.constant 0.000000e+00 : f32
      %broadcast_in_dim3A_75 = vector.broadcast %broadcast_in_dim3A_74 : f32 to vector<16xf32>
      %swap3A_76 = arith.index_cast %scan3A_54 : i32 to index
      %swap3A_77 = arith.constant 48 : index
      %swap3A_78 = tpu.vector_load %arg9[%swap3A_76, %swap3A_77] {strides = array<i32>} : memref<128x128xf32, #tpu.memory_space<vmem>>, vector<1x16xf32>,
      %swap3A_79 = vector.shape_cast %swap3A_78 : vector<1x16xf32> to vector<16xf32>
      %swap3A_80 = vector.shape_cast %broadcast_in_dim3A_75 : vector<16xf32> to vector<1x16xf32>
      tpu.vector_store %arg9[%swap3A_76, %swap3A_77], %swap3A_80 {strides = array<i32>} : memref<128x128xf32, #tpu.memory_space<vmem>>, vector<1x16xf32>,
      %broadcast_in_dim3A_81 = arith.constant 0.000000e+00 : f32
      %broadcast_in_dim3A_82 = vector.broadcast %broadcast_in_dim3A_81 : f32 to vector<16xf32>
      %swap3A_83 = arith.index_cast %scan3A_54 : i32 to index
      %swap3A_84 = arith.constant 64 : index
      %swap3A_85 = tpu.vector_load %arg9[%swap3A_83, %swap3A_84] {strides = array<i32>} : memref<128x128xf32, #tpu.memory_space<vmem>>, vector<1x16xf32>,
      %swap3A_86 = vector.shape_cast %swap3A_85 : vector<1x16xf32> to vector<16xf32>
      %swap3A_87 = vector.shape_cast %broadcast_in_dim3A_82 : vector<16xf32> to vector<1x16xf32>
      tpu.vector_store %arg9[%swap3A_83, %swap3A_84], %swap3A_87 {strides = array<i32>} : memref<128x128xf32, #tpu.memory_space<vmem>>, vector<1x16xf32>,
      %broadcast_in_dim3A_88 = arith.constant 0.000000e+00 : f32
      %broadcast_in_dim3A_89 = vector.broadcast %broadcast_in_dim3A_88 : f32 to vector<16xf32>
      %swap3A_90 = arith.index_cast %scan3A_54 : i32 to index
      %swap3A_91 = arith.constant 80 : index
      %swap3A_92 = tpu.vector_load %arg9[%swap3A_90, %swap3A_91] {strides = array<i32>} : memref<128x128xf32, #tpu.memory_space<vmem>>, vector<1x16xf32>,
      %swap3A_93 = vector.shape_cast %swap3A_92 : vector<1x16xf32> to vector<16xf32>
      %swap3A_94 = vector.shape_cast %broadcast_in_dim3A_89 : vector<16xf32> to vector<1x16xf32>
      tpu.vector_store %arg9[%swap3A_90, %swap3A_91], %swap3A_94 {strides = array<i32>} : memref<128x128xf32, #tpu.memory_space<vmem>>, vector<1x16xf32>,
      %broadcast_in_dim3A_95 = arith.constant 0.000000e+00 : f32
      %broadcast_in_dim3A_96 = vector.broadcast %broadcast_in_dim3A_95 : f32 to vector<16xf32>
      %swap3A_97 = arith.index_cast %scan3A_54 : i32 to index
      %swap3A_98 = arith.constant 96 : index
      %swap3A_99 = tpu.vector_load %arg9[%swap3A_97, %swap3A_98] {strides = array<i32>} : memref<128x128xf32, #tpu.memory_space<vmem>>, vector<1x16xf32>,
      %swap3A_100 = vector.shape_cast %swap3A_99 : vector<1x16xf32> to vector<16xf32>
      %swap3A_101 = vector.shape_cast %broadcast_in_dim3A_96 : vector<16xf32> to vector<1x16xf32>
      tpu.vector_store %arg9[%swap3A_97, %swap3A_98], %swap3A_101 {strides = array<i32>} : memref<128x128xf32, #tpu.memory_space<vmem>>, vector<1x16xf32>,
      %broadcast_in_dim3A_102 = arith.constant 0.000000e+00 : f32
      %broadcast_in_dim3A_103 = vector.broadcast %broadcast_in_dim3A_102 : f32 to vector<16xf32>
      %swap3A_104 = arith.index_cast %scan3A_54 : i32 to index
      %swap3A_105 = arith.constant 112 : index
      %swap3A_106 = tpu.vector_load %arg9[%swap3A_104, %swap3A_105] {strides = array<i32>} : memref<128x128xf32, #tpu.memory_space<vmem>>, vector<1x16xf32>,
      %swap3A_107 = vector.shape_cast %swap3A_106 : vector<1x16xf32> to vector<16xf32>
      %swap3A_108 = vector.shape_cast %broadcast_in_dim3A_103 : vector<16xf32> to vector<1x16xf32>
      tpu.vector_store %arg9[%swap3A_104, %swap3A_105], %swap3A_108 {strides = array<i32>} : memref<128x128xf32, #tpu.memory_space<vmem>>, vector<1x16xf32>,
    }
    %scan3A_7 = arith.constant 128 : i32
    %add3A = arith.constant 0 : i32
    %add3A_8 = arith.addi %mul3A_0, %add3A : i32
    "tpu.region"() ({
      %run_scoped3A_54 = tpu.sem_alloc : memref<!tpu.dma_semaphore, #tpu.memory_space<semaphore_mem>>
      %dma_start3A_55 = arith.constant 0 : i32
      %dma_start3A_56 = tpu.memref_slice %arg11[%add3A_8, %dma_start3A_55] : memref<10240x128xf32, #tpu.memory_space<vmem_shared>> -> memref<128x128xf32, #tpu.memory_space<vmem_shared>>
      %dma_start3A_57 = arith.constant 0 : i32
      %dma_start3A_58 = tpu.memref_slice %arg11[%add3A_8, %dma_start3A_57] : memref<10240x128xf32, #tpu.memory_space<vmem_shared>> -> memref<128x128xf32, #tpu.memory_space<vmem_shared>>
      tpu.enqueue_dma source(%arg9 : memref<128x128xf32, #tpu.memory_space<vmem>>) target(%dma_start3A_58 : memref<128x128xf32, #tpu.memory_space<vmem_shared>>) target_semaphore(%run_scoped3A_54 : memref<!tpu.dma_semaphore, #tpu.memory_space<semaphore_mem>>)
      %dma_wait3A = arith.constant 0 : i32
      %dma_wait3A_59 = tpu.memref_slice %arg11[%add3A_8, %dma_wait3A] : memref<10240x128xf32, #tpu.memory_space<vmem_shared>> -> memref<128x128xf32, #tpu.memory_space<vmem_shared>>
      %dma_wait3A_60 = arith.constant 0 : i32
      %dma_wait3A_61 = tpu.memref_slice %arg11[%add3A_8, %dma_wait3A_60] : memref<10240x128xf32, #tpu.memory_space<vmem_shared>> -> memref<128x128xf32, #tpu.memory_space<vmem_shared>>
      tpu.wait_dma2 semaphore(%run_scoped3A_54 : memref<!tpu.dma_semaphore, #tpu.memory_space<semaphore_mem>>) src(%arg9 : memref<128x128xf32, #tpu.memory_space<vmem>>) dst(%dma_wait3A_61 : memref<128x128xf32, #tpu.memory_space<vmem_shared>>)
      tpu.yield
    }) : () -> ()
    %add3A_9 = arith.constant 128 : i32
    %add3A_10 = arith.addi %mul3A_0, %add3A_9 : i32
    "tpu.region"() ({
      %run_scoped3A_54 = tpu.sem_alloc : memref<!tpu.dma_semaphore, #tpu.memory_space<semaphore_mem>>
      %dma_start3A_55 = arith.constant 0 : i32
      %dma_start3A_56 = tpu.memref_slice %arg11[%add3A_10, %dma_start3A_55] : memref<10240x128xf32, #tpu.memory_space<vmem_shared>> -> memref<128x128xf32, #tpu.memory_space<vmem_shared>>
      %dma_start3A_57 = arith.constant 0 : i32
      %dma_start3A_58 = tpu.memref_slice %arg11[%add3A_10, %dma_start3A_57] : memref<10240x128xf32, #tpu.memory_space<vmem_shared>> -> memref<128x128xf32, #tpu.memory_space<vmem_shared>>
      tpu.enqueue_dma source(%arg9 : memref<128x128xf32, #tpu.memory_space<vmem>>) target(%dma_start3A_58 : memref<128x128xf32, #tpu.memory_space<vmem_shared>>) target_semaphore(%run_scoped3A_54 : memref<!tpu.dma_semaphore, #tpu.memory_space<semaphore_mem>>)
      %dma_wait3A = arith.constant 0 : i32
      %dma_wait3A_59 = tpu.memref_slice %arg11[%add3A_10, %dma_wait3A] : memref<10240x128xf32, #tpu.memory_space<vmem_shared>> -> memref<128x128xf32, #tpu.memory_space<vmem_shared>>
      %dma_wait3A_60 = arith.constant 0 : i32
      %dma_wait3A_61 = tpu.memref_slice %arg11[%add3A_10, %dma_wait3A_60] : memref<10240x128xf32, #tpu.memory_space<vmem_shared>> -> memref<128x128xf32, #tpu.memory_space<vmem_shared>>
      tpu.wait_dma2 semaphore(%run_scoped3A_54 : memref<!tpu.dma_semaphore, #tpu.memory_space<semaphore_mem>>) src(%arg9 : memref<128x128xf32, #tpu.memory_space<vmem>>) dst(%dma_wait3A_61 : memref<128x128xf32, #tpu.memory_space<vmem_shared>>)
      tpu.yield
    }) : () -> ()
    %add3A_11 = arith.constant 256 : i32
    %add3A_12 = arith.addi %mul3A_0, %add3A_11 : i32
    "tpu.region"() ({
      %run_scoped3A_54 = tpu.sem_alloc : memref<!tpu.dma_semaphore, #tpu.memory_space<semaphore_mem>>
      %dma_start3A_55 = arith.constant 0 : i32
      %dma_start3A_56 = tpu.memref_slice %arg11[%add3A_12, %dma_start3A_55] : memref<10240x128xf32, #tpu.memory_space<vmem_shared>> -> memref<128x128xf32, #tpu.memory_space<vmem_shared>>
      %dma_start3A_57 = arith.constant 0 : i32
      %dma_start3A_58 = tpu.memref_slice %arg11[%add3A_12, %dma_start3A_57] : memref<10240x128xf32, #tpu.memory_space<vmem_shared>> -> memref<128x128xf32, #tpu.memory_space<vmem_shared>>
      tpu.enqueue_dma source(%arg9 : memref<128x128xf32, #tpu.memory_space<vmem>>) target(%dma_start3A_58 : memref<128x128xf32, #tpu.memory_space<vmem_shared>>) target_semaphore(%run_scoped3A_54 : memref<!tpu.dma_semaphore, #tpu.memory_space<semaphore_mem>>)
      %dma_wait3A = arith.constant 0 : i32
      %dma_wait3A_59 = tpu.memref_slice %arg11[%add3A_12, %dma_wait3A] : memref<10240x128xf32, #tpu.memory_space<vmem_shared>> -> memref<128x128xf32, #tpu.memory_space<vmem_shared>>
      %dma_wait3A_60 = arith.constant 0 : i32
      %dma_wait3A_61 = tpu.memref_slice %arg11[%add3A_12, %dma_wait3A_60] : memref<10240x128xf32, #tpu.memory_space<vmem_shared>> -> memref<128x128xf32, #tpu.memory_space<vmem_shared>>
      tpu.wait_dma2 semaphore(%run_scoped3A_54 : memref<!tpu.dma_semaphore, #tpu.memory_space<semaphore_mem>>) src(%arg9 : memref<128x128xf32, #tpu.memory_space<vmem>>) dst(%dma_wait3A_61 : memref<128x128xf32, #tpu.memory_space<vmem_shared>>)
      tpu.yield
    }) : () -> ()
    %add3A_13 = arith.constant 384 : i32
    %add3A_14 = arith.addi %mul3A_0, %add3A_13 : i32
    "tpu.region"() ({
      %run_scoped3A_54 = tpu.sem_alloc : memref<!tpu.dma_semaphore, #tpu.memory_space<semaphore_mem>>
      %dma_start3A_55 = arith.constant 0 : i32
      %dma_start3A_56 = tpu.memref_slice %arg11[%add3A_14, %dma_start3A_55] : memref<10240x128xf32, #tpu.memory_space<vmem_shared>> -> memref<128x128xf32, #tpu.memory_space<vmem_shared>>
      %dma_start3A_57 = arith.constant 0 : i32
      %dma_start3A_58 = tpu.memref_slice %arg11[%add3A_14, %dma_start3A_57] : memref<10240x128xf32, #tpu.memory_space<vmem_shared>> -> memref<128x128xf32, #tpu.memory_space<vmem_shared>>
      tpu.enqueue_dma source(%arg9 : memref<128x128xf32, #tpu.memory_space<vmem>>) target(%dma_start3A_58 : memref<128x128xf32, #tpu.memory_space<vmem_shared>>) target_semaphore(%run_scoped3A_54 : memref<!tpu.dma_semaphore, #tpu.memory_space<semaphore_mem>>)
      %dma_wait3A = arith.constant 0 : i32
      %dma_wait3A_59 = tpu.memref_slice %arg11[%add3A_14, %dma_wait3A] : memref<10240x128xf32, #tpu.memory_space<vmem_shared>> -> memref<128x128xf32, #tpu.memory_space<vmem_shared>>
      %dma_wait3A_60 = arith.constant 0 : i32
      %dma_wait3A_61 = tpu.memref_slice %arg11[%add3A_14, %dma_wait3A_60] : memref<10240x128xf32, #tpu.memory_space<vmem_shared>> -> memref<128x128xf32, #tpu.memory_space<vmem_shared>>
      tpu.wait_dma2 semaphore(%run_scoped3A_54 : memref<!tpu.dma_semaphore, #tpu.memory_space<semaphore_mem>>) src(%arg9 : memref<128x128xf32, #tpu.memory_space<vmem>>) dst(%dma_wait3A_61 : memref<128x128xf32, #tpu.memory_space<vmem_shared>>)
      tpu.yield
    }) : () -> ()
    %add3A_15 = arith.constant 512 : i32
    %add3A_16 = arith.addi %mul3A_0, %add3A_15 : i32
    "tpu.region"() ({
      %run_scoped3A_54 = tpu.sem_alloc : memref<!tpu.dma_semaphore, #tpu.memory_space<semaphore_mem>>
      %dma_start3A_55 = arith.constant 0 : i32
      %dma_start3A_56 = tpu.memref_slice %arg11[%add3A_16, %dma_start3A_55] : memref<10240x128xf32, #tpu.memory_space<vmem_shared>> -> memref<128x128xf32, #tpu.memory_space<vmem_shared>>
      %dma_start3A_57 = arith.constant 0 : i32
      %dma_start3A_58 = tpu.memref_slice %arg11[%add3A_16, %dma_start3A_57] : memref<10240x128xf32, #tpu.memory_space<vmem_shared>> -> memref<128x128xf32, #tpu.memory_space<vmem_shared>>
      tpu.enqueue_dma source(%arg9 : memref<128x128xf32, #tpu.memory_space<vmem>>) target(%dma_start3A_58 : memref<128x128xf32, #tpu.memory_space<vmem_shared>>) target_semaphore(%run_scoped3A_54 : memref<!tpu.dma_semaphore, #tpu.memory_space<semaphore_mem>>)
      %dma_wait3A = arith.constant 0 : i32
      %dma_wait3A_59 = tpu.memref_slice %arg11[%add3A_16, %dma_wait3A] : memref<10240x128xf32, #tpu.memory_space<vmem_shared>> -> memref<128x128xf32, #tpu.memory_space<vmem_shared>>
      %dma_wait3A_60 = arith.constant 0 : i32
      %dma_wait3A_61 = tpu.memref_slice %arg11[%add3A_16, %dma_wait3A_60] : memref<10240x128xf32, #tpu.memory_space<vmem_shared>> -> memref<128x128xf32, #tpu.memory_space<vmem_shared>>
      tpu.wait_dma2 semaphore(%run_scoped3A_54 : memref<!tpu.dma_semaphore, #tpu.memory_space<semaphore_mem>>) src(%arg9 : memref<128x128xf32, #tpu.memory_space<vmem>>) dst(%dma_wait3A_61 : memref<128x128xf32, #tpu.memory_space<vmem_shared>>)
      tpu.yield
    }) : () -> ()
    %barrier3A = arith.constant 0 : index
    tpu.barrier barrier_id(%barrier3A)
    %run_scoped3A = arith.constant 0 : i32
    "tpu.region"() ({
      %run_scoped3A_54 = tpu.sem_alloc : memref<!tpu.dma_semaphore, #tpu.memory_space<semaphore_mem>>
      %dma_start3A_55 = arith.constant 0 : i32
      %dma_start3A_56 = tpu.memref_slice %arg3[%arg0, %arg1, %run_scoped3A, %dma_start3A_55] : memref<2x16x118x128xi32, #tpu.memory_space<hbm>> -> memref<1x1x1x128xi32, #tpu.memory_space<hbm>>
      %dma_start3A_57 = tpu.memref_squeeze %dma_start3A_56 : memref<1x1x1x128xi32, #tpu.memory_space<hbm>> -> memref<128xi32, #tpu.memory_space<hbm>>
      %dma_start3A_58 = arith.constant 0 : i32
      %dma_start3A_59 = tpu.memref_slice %arg3[%arg0, %arg1, %run_scoped3A, %dma_start3A_58] : memref<2x16x118x128xi32, #tpu.memory_space<hbm>> -> memref<1x1x1x128xi32, #tpu.memory_space<hbm>>
      %dma_start3A_60 = tpu.memref_squeeze %dma_start3A_59 : memref<1x1x1x128xi32, #tpu.memory_space<hbm>> -> memref<128xi32, #tpu.memory_space<hbm>>
      tpu.enqueue_dma source(%dma_start3A_60 : memref<128xi32, #tpu.memory_space<hbm>>) target(%arg7 : memref<128xi32, #tpu.memory_space<vmem>>) target_semaphore(%run_scoped3A_54 : memref<!tpu.dma_semaphore, #tpu.memory_space<semaphore_mem>>)
      %dma_wait3A = arith.constant 0 : i32
      %dma_wait3A_61 = tpu.memref_slice %arg3[%arg0, %arg1, %run_scoped3A, %dma_wait3A] : memref<2x16x118x128xi32, #tpu.memory_space<hbm>> -> memref<1x1x1x128xi32, #tpu.memory_space<hbm>>
      %dma_wait3A_62 = tpu.memref_squeeze %dma_wait3A_61 : memref<1x1x1x128xi32, #tpu.memory_space<hbm>> -> memref<128xi32, #tpu.memory_space<hbm>>
      %dma_wait3A_63 = arith.constant 0 : i32
      %dma_wait3A_64 = tpu.memref_slice %arg3[%arg0, %arg1, %run_scoped3A, %dma_wait3A_63] : memref<2x16x118x128xi32, #tpu.memory_space<hbm>> -> memref<1x1x1x128xi32, #tpu.memory_space<hbm>>
      %dma_wait3A_65 = tpu.memref_squeeze %dma_wait3A_64 : memref<1x1x1x128xi32, #tpu.memory_space<hbm>> -> memref<128xi32, #tpu.memory_space<hbm>>
      tpu.wait_dma2 semaphore(%run_scoped3A_54 : memref<!tpu.dma_semaphore, #tpu.memory_space<semaphore_mem>>) src(%dma_wait3A_65 : memref<128xi32, #tpu.memory_space<hbm>>) dst(%arg7 : memref<128xi32, #tpu.memory_space<vmem>>)
      tpu.yield
    }) : () -> ()
    %dma_start3A = arith.constant 0 : i32
    %dma_start3A_17 = arith.constant 0 : i32
    %dma_start3A_18 = tpu.memref_slice %arg2[%dma_start3A, %dma_start3A_17] : memref<10000x128xf32, #tpu.memory_space<hbm>> -> memref<10000x128xf32, #tpu.memory_space<hbm>>
    tpu.enqueue_indirect_dma source(%dma_start3A_18 : memref<10000x128xf32, #tpu.memory_space<hbm>>) target(%arg9 : memref<128x128xf32, #tpu.memory_space<vmem>>) offsets(%arg7 : memref<128xi32, #tpu.memory_space<vmem>>) semaphore(%arg12 : memref<!tpu.dma_semaphore, #tpu.memory_space<semaphore_mem>>)
    %dma_start3A_19 = arith.constant 1 : i32
    %dma_start3A_20 = arith.constant 0 : i32
    %dma_start3A_21 = tpu.memref_slice %arg3[%arg0, %arg1, %dma_start3A_19, %dma_start3A_20] : memref<2x16x118x128xi32, #tpu.memory_space<hbm>> -> memref<1x1x1x128xi32, #tpu.memory_space<hbm>>
    %dma_start3A_22 = tpu.memref_squeeze %dma_start3A_21 : memref<1x1x1x128xi32, #tpu.memory_space<hbm>> -> memref<128xi32, #tpu.memory_space<hbm>>
    %dma_start3A_23 = arith.constant 0 : i32
    %dma_start3A_24 = tpu.memref_slice %arg3[%arg0, %arg1, %dma_start3A_19, %dma_start3A_23] : memref<2x16x118x128xi32, #tpu.memory_space<hbm>> -> memref<1x1x1x128xi32, #tpu.memory_space<hbm>>
    %dma_start3A_25 = tpu.memref_squeeze %dma_start3A_24 : memref<1x1x1x128xi32, #tpu.memory_space<hbm>> -> memref<128xi32, #tpu.memory_space<hbm>>
    tpu.enqueue_dma source(%dma_start3A_25 : memref<128xi32, #tpu.memory_space<hbm>>) target(%arg8 : memref<128xi32, #tpu.memory_space<vmem>>) target_semaphore(%arg15 : memref<!tpu.dma_semaphore, #tpu.memory_space<semaphore_mem>>)
    %jit3A_26 = arith.constant 2 : i32
    %div3A = arith.divsi %select_n3A, %jit3A_26 : i32
    %sign3A = arith.constant 0 : i32
    %sign3A_27 = arith.cmpi sgt, %select_n3A, %sign3A : i32
    %sign3A_28 = arith.extui %sign3A_27 : i1 to i32
    %sign3A_29 = arith.constant 0 : i32
    %sign3A_30 = arith.cmpi slt, %select_n3A, %sign3A_29 : i32
    %sign3A_31 = arith.extui %sign3A_30 : i1 to i32
    %sign3A_32 = arith.subi %sign3A_28, %sign3A_31 : i32
    %sign3A_33 = arith.constant 0 : i32
    %sign3A_34 = arith.cmpi sgt, %jit3A_26, %sign3A_33 : i32
    %sign3A_35 = arith.extui %sign3A_34 : i1 to i32
    %sign3A_36 = arith.constant 0 : i32
    %sign3A_37 = arith.cmpi slt, %jit3A_26, %sign3A_36 : i32
    %sign3A_38 = arith.extui %sign3A_37 : i1 to i32
    %sign3A_39 = arith.subi %sign3A_35, %sign3A_38 : i32
    %ne3A = arith.cmpi ne, %sign3A_32, %sign3A_39 : i32
    %rem3A = arith.remsi %select_n3A, %jit3A_26 : i32
    %ne3A_40 = arith.constant 0 : i32
    %ne3A_41 = arith.cmpi ne, %rem3A, %ne3A_40 : i32
    %and3A = arith.andi %ne3A, %ne3A_41 : i1
    %sub3A = arith.constant 1 : i32
    %sub3A_42 = arith.subi %div3A, %sub3A : i32
    %select_n3A_43 = arith.select %and3A, %sub3A_42, %div3A : i32
    %while3A = arith.constant 0 : i32
    %while3A_44 = arith.constant 0 : i32
    %while3A_45 = arith.subi %select_n3A_43, %while3A_44 : i32
    %while3A_46 = arith.addi %while3A_44, %while3A_45 : i32
    %while3A_47 = arith.constant 1 : i32
    %while3A_48 = arith.divsi %while3A_45, %while3A_47 : i32
    %while3A_49 = arith.muli %while3A_48, %while3A_47 : i32
    %while3A_50 = arith.addi %while3A_44, %while3A_49 : i32
    %while3A_51 = arith.constant 1 : i32
    scf.for %while3A_54 = %while3A_44 to %while3A_50 step %while3A_51  : i32 {
      %mul3A_55 = arith.constant 2 : i32
      %mul3A_56 = arith.muli %mul3A_55, %while3A_54 : i32
      %dma_wait3A = arith.constant 0 : i32
      %dma_wait3A_57 = arith.constant 0 : i32
      %dma_wait3A_58 = tpu.memref_slice %arg2[%dma_wait3A, %dma_wait3A_57] : memref<10000x128xf32, #tpu.memory_space<hbm>> -> memref<10000x128xf32, #tpu.memory_space<hbm>>
      tpu.wait_indirect_dma semaphore(%arg12 : memref<!tpu.dma_semaphore, #tpu.memory_space<semaphore_mem>>) src(%dma_wait3A_58 : memref<10000x128xf32, #tpu.memory_space<hbm>>) dst(%arg9 : memref<128x128xf32, #tpu.memory_space<vmem>>)
      %dma_wait3A_59 = arith.constant 0 : i32
      %dma_wait3A_60 = arith.constant 0 : i32
      %dma_wait3A_61 = tpu.memref_slice %arg3[%arg0, %arg1, %dma_wait3A_59, %dma_wait3A_60] : memref<2x16x118x128xi32, #tpu.memory_space<hbm>> -> memref<1x1x1x128xi32, #tpu.memory_space<hbm>>
      %dma_wait3A_62 = tpu.memref_squeeze %dma_wait3A_61 : memref<1x1x1x128xi32, #tpu.memory_space<hbm>> -> memref<128xi32, #tpu.memory_space<hbm>>
      %dma_wait3A_63 = arith.constant 0 : i32
      %dma_wait3A_64 = tpu.memref_slice %arg3[%arg0, %arg1, %dma_wait3A_59, %dma_wait3A_63] : memref<2x16x118x128xi32, #tpu.memory_space<hbm>> -> memref<1x1x1x128xi32, #tpu.memory_space<hbm>>
      %dma_wait3A_65 = tpu.memref_squeeze %dma_wait3A_64 : memref<1x1x1x128xi32, #tpu.memory_space<hbm>> -> memref<128xi32, #tpu.memory_space<hbm>>
      tpu.wait_dma2 semaphore(%arg15 : memref<!tpu.dma_semaphore, #tpu.memory_space<semaphore_mem>>) src(%dma_wait3A_65 : memref<128xi32, #tpu.memory_space<hbm>>) dst(%arg8 : memref<128xi32, #tpu.memory_space<vmem>>)
      %dma_start3A_66 = arith.constant 0 : i32
      %dma_start3A_67 = arith.constant 0 : i32
      %dma_start3A_68 = tpu.memref_slice %arg2[%dma_start3A_66, %dma_start3A_67] : memref<10000x128xf32, #tpu.memory_space<hbm>> -> memref<10000x128xf32, #tpu.memory_space<hbm>>
      tpu.enqueue_indirect_dma source(%dma_start3A_68 : memref<10000x128xf32, #tpu.memory_space<hbm>>) target(%arg10 : memref<128x128xf32, #tpu.memory_space<vmem>>) offsets(%arg8 : memref<128xi32, #tpu.memory_space<vmem>>) semaphore(%arg13 : memref<!tpu.dma_semaphore, #tpu.memory_space<semaphore_mem>>)
      %add3A_69 = arith.constant 2 : i32
      %add3A_70 = arith.addi %mul3A_56, %add3A_69 : i32
      %lt3A = arith.cmpi slt, %add3A_70, %select_n3A : i32
      %convert_element_type3A = arith.extui %lt3A : i1 to i32
      %cond3A = arith.constant 0 : i32
      %cond3A_71 = arith.cmpi ne, %convert_element_type3A, %cond3A : i32
      scf.if %cond3A_71 {
        %add3A_83 = arith.constant 2 : i32
        %add3A_84 = arith.addi %mul3A_56, %add3A_83 : i32
        %dma_start3A_85 = arith.constant 0 : i32
        %dma_start3A_86 = tpu.memref_slice %arg3[%arg0, %arg1, %add3A_84, %dma_start3A_85] : memref<2x16x118x128xi32, #tpu.memory_space<hbm>> -> memref<1x1x1x128xi32, #tpu.memory_space<hbm>>
        %dma_start3A_87 = tpu.memref_squeeze %dma_start3A_86 : memref<1x1x1x128xi32, #tpu.memory_space<hbm>> -> memref<128xi32, #tpu.memory_space<hbm>>
        %dma_start3A_88 = arith.constant 0 : i32
        %dma_start3A_89 = tpu.memref_slice %arg3[%arg0, %arg1, %add3A_84, %dma_start3A_88] : memref<2x16x118x128xi32, #tpu.memory_space<hbm>> -> memref<1x1x1x128xi32, #tpu.memory_space<hbm>>
        %dma_start3A_90 = tpu.memref_squeeze %dma_start3A_89 : memref<1x1x1x128xi32, #tpu.memory_space<hbm>> -> memref<128xi32, #tpu.memory_space<hbm>>
        tpu.enqueue_dma source(%dma_start3A_90 : memref<128xi32, #tpu.memory_space<hbm>>) target(%arg7 : memref<128xi32, #tpu.memory_space<vmem>>) target_semaphore(%arg14 : memref<!tpu.dma_semaphore, #tpu.memory_space<semaphore_mem>>)
      } else {
      }
      "tpu.region"() ({
        %run_scoped3A_83 = tpu.sem_alloc : memref<!tpu.dma_semaphore, #tpu.memory_space<semaphore_mem>>
        %dma_start3A_84 = arith.constant 0 : i32
        %dma_start3A_85 = tpu.memref_slice %arg6[%mul3A_56, %dma_start3A_84] : memref<118x128xi32, #tpu.memory_space<vmem>> -> memref<1x128xi32, #tpu.memory_space<vmem>>
        %dma_start3A_86 = tpu.memref_squeeze %dma_start3A_85 : memref<1x128xi32, #tpu.memory_space<vmem>> -> memref<128xi32, #tpu.memory_space<vmem>>
        %dma_start3A_87 = arith.constant 0 : i32
        %dma_start3A_88 = arith.constant 0 : i32
        %dma_start3A_89 = tpu.memref_slice %arg11[%dma_start3A_87, %dma_start3A_88] : memref<10240x128xf32, #tpu.memory_space<vmem_shared>> -> memref<10240x128xf32, #tpu.memory_space<vmem_shared>>
        tpu.enqueue_indirect_dma source(%arg9 : memref<128x128xf32, #tpu.memory_space<vmem>>) target(%dma_start3A_89 : memref<10240x128xf32, #tpu.memory_space<vmem_shared>>) offsets(%dma_start3A_86 : memref<128xi32, #tpu.memory_space<vmem>>) semaphore(%run_scoped3A_83 : memref<!tpu.dma_semaphore, #tpu.memory_space<semaphore_mem>>) {add = true}
        %dma_wait3A_90 = arith.constant 0 : i32
        %dma_wait3A_91 = tpu.memref_slice %arg6[%mul3A_56, %dma_wait3A_90] : memref<118x128xi32, #tpu.memory_space<vmem>> -> memref<1x128xi32, #tpu.memory_space<vmem>>
        %dma_wait3A_92 = tpu.memref_squeeze %dma_wait3A_91 : memref<1x128xi32, #tpu.memory_space<vmem>> -> memref<128xi32, #tpu.memory_space<vmem>>
        %dma_wait3A_93 = arith.constant 0 : i32
        %dma_wait3A_94 = arith.constant 0 : i32
        %dma_wait3A_95 = tpu.memref_slice %arg11[%dma_wait3A_93, %dma_wait3A_94] : memref<10240x128xf32, #tpu.memory_space<vmem_shared>> -> memref<10240x128xf32, #tpu.memory_space<vmem_shared>>
        tpu.wait_indirect_dma semaphore(%run_scoped3A_83 : memref<!tpu.dma_semaphore, #tpu.memory_space<semaphore_mem>>) src(%arg9 : memref<128x128xf32, #tpu.memory_space<vmem>>) dst(%dma_wait3A_95 : memref<10240x128xf32, #tpu.memory_space<vmem_shared>>)
        tpu.yield
      }) : () -> ()
      %dma_wait3A_72 = arith.constant 0 : i32
      %dma_wait3A_73 = arith.constant 0 : i32
      %dma_wait3A_74 = tpu.memref_slice %arg2[%dma_wait3A_72, %dma_wait3A_73] : memref<10000x128xf32, #tpu.memory_space<hbm>> -> memref<10000x128xf32, #tpu.memory_space<hbm>>
      tpu.wait_indirect_dma semaphore(%arg13 : memref<!tpu.dma_semaphore, #tpu.memory_space<semaphore_mem>>) src(%dma_wait3A_74 : memref<10000x128xf32, #tpu.memory_space<hbm>>) dst(%arg10 : memref<128x128xf32, #tpu.memory_space<vmem>>)
      %add3A_75 = arith.constant 2 : i32
      %add3A_76 = arith.addi %mul3A_56, %add3A_75 : i32
      %lt3A_77 = arith.cmpi slt, %add3A_76, %select_n3A : i32
      %convert_element_type3A_78 = arith.extui %lt3A_77 : i1 to i32
      %cond3A_79 = arith.constant 0 : i32
      %cond3A_80 = arith.cmpi ne, %convert_element_type3A_78, %cond3A_79 : i32
      scf.if %cond3A_80 {
        %dma_wait3A_83 = arith.constant 0 : i32
        %dma_wait3A_84 = arith.constant 0 : i32
        %dma_wait3A_85 = tpu.memref_slice %arg3[%arg0, %arg1, %dma_wait3A_83, %dma_wait3A_84] : memref<2x16x118x128xi32, #tpu.memory_space<hbm>> -> memref<1x1x1x128xi32, #tpu.memory_space<hbm>>
        %dma_wait3A_86 = tpu.memref_squeeze %dma_wait3A_85 : memref<1x1x1x128xi32, #tpu.memory_space<hbm>> -> memref<128xi32, #tpu.memory_space<hbm>>
        %dma_wait3A_87 = arith.constant 0 : i32
        %dma_wait3A_88 = tpu.memref_slice %arg3[%arg0, %arg1, %dma_wait3A_83, %dma_wait3A_87] : memref<2x16x118x128xi32, #tpu.memory_space<hbm>> -> memref<1x1x1x128xi32, #tpu.memory_space<hbm>>
        %dma_wait3A_89 = tpu.memref_squeeze %dma_wait3A_88 : memref<1x1x1x128xi32, #tpu.memory_space<hbm>> -> memref<128xi32, #tpu.memory_space<hbm>>
        tpu.wait_dma2 semaphore(%arg14 : memref<!tpu.dma_semaphore, #tpu.memory_space<semaphore_mem>>) src(%dma_wait3A_89 : memref<128xi32, #tpu.memory_space<hbm>>) dst(%arg7 : memref<128xi32, #tpu.memory_space<vmem>>)
        %dma_start3A_90 = arith.constant 0 : i32
        %dma_start3A_91 = arith.constant 0 : i32
        %dma_start3A_92 = tpu.memref_slice %arg2[%dma_start3A_90, %dma_start3A_91] : memref<10000x128xf32, #tpu.memory_space<hbm>> -> memref<10000x128xf32, #tpu.memory_space<hbm>>
        tpu.enqueue_indirect_dma source(%dma_start3A_92 : memref<10000x128xf32, #tpu.memory_space<hbm>>) target(%arg9 : memref<128x128xf32, #tpu.memory_space<vmem>>) offsets(%arg7 : memref<128xi32, #tpu.memory_space<vmem>>) semaphore(%arg12 : memref<!tpu.dma_semaphore, #tpu.memory_space<semaphore_mem>>)
        %add3A_93 = arith.constant 3 : i32
        %add3A_94 = arith.addi %mul3A_56, %add3A_93 : i32
        %lt3A_95 = arith.cmpi slt, %add3A_94, %select_n3A : i32
        %convert_element_type3A_96 = arith.extui %lt3A_95 : i1 to i32
        %cond3A_97 = arith.constant 0 : i32
        %cond3A_98 = arith.cmpi ne, %convert_element_type3A_96, %cond3A_97 : i32
        scf.if %cond3A_98 {
          %add3A_99 = arith.constant 3 : i32
          %add3A_100 = arith.addi %mul3A_56, %add3A_99 : i32
          %dma_start3A_101 = arith.constant 0 : i32
          %dma_start3A_102 = tpu.memref_slice %arg3[%arg0, %arg1, %add3A_100, %dma_start3A_101] : memref<2x16x118x128xi32, #tpu.memory_space<hbm>> -> memref<1x1x1x128xi32, #tpu.memory_space<hbm>>
          %dma_start3A_103 = tpu.memref_squeeze %dma_start3A_102 : memref<1x1x1x128xi32, #tpu.memory_space<hbm>> -> memref<128xi32, #tpu.memory_space<hbm>>
          %dma_start3A_104 = arith.constant 0 : i32
          %dma_start3A_105 = tpu.memref_slice %arg3[%arg0, %arg1, %add3A_100, %dma_start3A_104] : memref<2x16x118x128xi32, #tpu.memory_space<hbm>> -> memref<1x1x1x128xi32, #tpu.memory_space<hbm>>
          %dma_start3A_106 = tpu.memref_squeeze %dma_start3A_105 : memref<1x1x1x128xi32, #tpu.memory_space<hbm>> -> memref<128xi32, #tpu.memory_space<hbm>>
          tpu.enqueue_dma source(%dma_start3A_106 : memref<128xi32, #tpu.memory_space<hbm>>) target(%arg8 : memref<128xi32, #tpu.memory_space<vmem>>) target_semaphore(%arg15 : memref<!tpu.dma_semaphore, #tpu.memory_space<semaphore_mem>>)
        } else {
        }
      } else {
      }
      %add3A_81 = arith.constant 1 : i32
      %add3A_82 = arith.addi %mul3A_56, %add3A_81 : i32
      "tpu.region"() ({
        %run_scoped3A_83 = tpu.sem_alloc : memref<!tpu.dma_semaphore, #tpu.memory_space<semaphore_mem>>
        %dma_start3A_84 = arith.constant 0 : i32
        %dma_start3A_85 = tpu.memref_slice %arg6[%add3A_82, %dma_start3A_84] : memref<118x128xi32, #tpu.memory_space<vmem>> -> memref<1x128xi32, #tpu.memory_space<vmem>>
        %dma_start3A_86 = tpu.memref_squeeze %dma_start3A_85 : memref<1x128xi32, #tpu.memory_space<vmem>> -> memref<128xi32, #tpu.memory_space<vmem>>
        %dma_start3A_87 = arith.constant 0 : i32
        %dma_start3A_88 = arith.constant 0 : i32
        %dma_start3A_89 = tpu.memref_slice %arg11[%dma_start3A_87, %dma_start3A_88] : memref<10240x128xf32, #tpu.memory_space<vmem_shared>> -> memref<10240x128xf32, #tpu.memory_space<vmem_shared>>
        tpu.enqueue_indirect_dma source(%arg10 : memref<128x128xf32, #tpu.memory_space<vmem>>) target(%dma_start3A_89 : memref<10240x128xf32, #tpu.memory_space<vmem_shared>>) offsets(%dma_start3A_86 : memref<128xi32, #tpu.memory_space<vmem>>) semaphore(%run_scoped3A_83 : memref<!tpu.dma_semaphore, #tpu.memory_space<semaphore_mem>>) {add = true}
        %dma_wait3A_90 = arith.constant 0 : i32
        %dma_wait3A_91 = tpu.memref_slice %arg6[%add3A_82, %dma_wait3A_90] : memref<118x128xi32, #tpu.memory_space<vmem>> -> memref<1x128xi32, #tpu.memory_space<vmem>>
        %dma_wait3A_92 = tpu.memref_squeeze %dma_wait3A_91 : memref<1x128xi32, #tpu.memory_space<vmem>> -> memref<128xi32, #tpu.memory_space<vmem>>
        %dma_wait3A_93 = arith.constant 0 : i32
        %dma_wait3A_94 = arith.constant 0 : i32
        %dma_wait3A_95 = tpu.memref_slice %arg11[%dma_wait3A_93, %dma_wait3A_94] : memref<10240x128xf32, #tpu.memory_space<vmem_shared>> -> memref<10240x128xf32, #tpu.memory_space<vmem_shared>>
        tpu.wait_indirect_dma semaphore(%run_scoped3A_83 : memref<!tpu.dma_semaphore, #tpu.memory_space<semaphore_mem>>) src(%arg10 : memref<128x128xf32, #tpu.memory_space<vmem>>) dst(%dma_wait3A_95 : memref<10240x128xf32, #tpu.memory_space<vmem_shared>>)
        tpu.yield
      }) : () -> ()
    }
    %while3A_52 = arith.constant 1 : i32
    scf.for %while3A_54 = %while3A_50 to %while3A_46 step %while3A_52  : i32 {
      %mul3A_55 = arith.constant 2 : i32
      %mul3A_56 = arith.muli %mul3A_55, %while3A_54 : i32
      %dma_wait3A = arith.constant 0 : i32
      %dma_wait3A_57 = arith.constant 0 : i32
      %dma_wait3A_58 = tpu.memref_slice %arg2[%dma_wait3A, %dma_wait3A_57] : memref<10000x128xf32, #tpu.memory_space<hbm>> -> memref<10000x128xf32, #tpu.memory_space<hbm>>
      tpu.wait_indirect_dma semaphore(%arg12 : memref<!tpu.dma_semaphore, #tpu.memory_space<semaphore_mem>>) src(%dma_wait3A_58 : memref<10000x128xf32, #tpu.memory_space<hbm>>) dst(%arg9 : memref<128x128xf32, #tpu.memory_space<vmem>>)
      %dma_wait3A_59 = arith.constant 0 : i32
      %dma_wait3A_60 = arith.constant 0 : i32
      %dma_wait3A_61 = tpu.memref_slice %arg3[%arg0, %arg1, %dma_wait3A_59, %dma_wait3A_60] : memref<2x16x118x128xi32, #tpu.memory_space<hbm>> -> memref<1x1x1x128xi32, #tpu.memory_space<hbm>>
      %dma_wait3A_62 = tpu.memref_squeeze %dma_wait3A_61 : memref<1x1x1x128xi32, #tpu.memory_space<hbm>> -> memref<128xi32, #tpu.memory_space<hbm>>
      %dma_wait3A_63 = arith.constant 0 : i32
      %dma_wait3A_64 = tpu.memref_slice %arg3[%arg0, %arg1, %dma_wait3A_59, %dma_wait3A_63] : memref<2x16x118x128xi32, #tpu.memory_space<hbm>> -> memref<1x1x1x128xi32, #tpu.memory_space<hbm>>
      %dma_wait3A_65 = tpu.memref_squeeze %dma_wait3A_64 : memref<1x1x1x128xi32, #tpu.memory_space<hbm>> -> memref<128xi32, #tpu.memory_space<hbm>>
      tpu.wait_dma2 semaphore(%arg15 : memref<!tpu.dma_semaphore, #tpu.memory_space<semaphore_mem>>) src(%dma_wait3A_65 : memref<128xi32, #tpu.memory_space<hbm>>) dst(%arg8 : memref<128xi32, #tpu.memory_space<vmem>>)
      %dma_start3A_66 = arith.constant 0 : i32
      %dma_start3A_67 = arith.constant 0 : i32
      %dma_start3A_68 = tpu.memref_slice %arg2[%dma_start3A_66, %dma_start3A_67] : memref<10000x128xf32, #tpu.memory_space<hbm>> -> memref<10000x128xf32, #tpu.memory_space<hbm>>
      tpu.enqueue_indirect_dma source(%dma_start3A_68 : memref<10000x128xf32, #tpu.memory_space<hbm>>) target(%arg10 : memref<128x128xf32, #tpu.memory_space<vmem>>) offsets(%arg8 : memref<128xi32, #tpu.memory_space<vmem>>) semaphore(%arg13 : memref<!tpu.dma_semaphore, #tpu.memory_space<semaphore_mem>>)
      %add3A_69 = arith.constant 2 : i32
      %add3A_70 = arith.addi %mul3A_56, %add3A_69 : i32
      %lt3A = arith.cmpi slt, %add3A_70, %select_n3A : i32
      %convert_element_type3A = arith.extui %lt3A : i1 to i32
      %cond3A = arith.constant 0 : i32
      %cond3A_71 = arith.cmpi ne, %convert_element_type3A, %cond3A : i32
      scf.if %cond3A_71 {
        %add3A_83 = arith.constant 2 : i32
        %add3A_84 = arith.addi %mul3A_56, %add3A_83 : i32
        %dma_start3A_85 = arith.constant 0 : i32
        %dma_start3A_86 = tpu.memref_slice %arg3[%arg0, %arg1, %add3A_84, %dma_start3A_85] : memref<2x16x118x128xi32, #tpu.memory_space<hbm>> -> memref<1x1x1x128xi32, #tpu.memory_space<hbm>>
        %dma_start3A_87 = tpu.memref_squeeze %dma_start3A_86 : memref<1x1x1x128xi32, #tpu.memory_space<hbm>> -> memref<128xi32, #tpu.memory_space<hbm>>
        %dma_start3A_88 = arith.constant 0 : i32
        %dma_start3A_89 = tpu.memref_slice %arg3[%arg0, %arg1, %add3A_84, %dma_start3A_88] : memref<2x16x118x128xi32, #tpu.memory_space<hbm>> -> memref<1x1x1x128xi32, #tpu.memory_space<hbm>>
        %dma_start3A_90 = tpu.memref_squeeze %dma_start3A_89 : memref<1x1x1x128xi32, #tpu.memory_space<hbm>> -> memref<128xi32, #tpu.memory_space<hbm>>
        tpu.enqueue_dma source(%dma_start3A_90 : memref<128xi32, #tpu.memory_space<hbm>>) target(%arg7 : memref<128xi32, #tpu.memory_space<vmem>>) target_semaphore(%arg14 : memref<!tpu.dma_semaphore, #tpu.memory_space<semaphore_mem>>)
      } else {
      }
      "tpu.region"() ({
        %run_scoped3A_83 = tpu.sem_alloc : memref<!tpu.dma_semaphore, #tpu.memory_space<semaphore_mem>>
        %dma_start3A_84 = arith.constant 0 : i32
        %dma_start3A_85 = tpu.memref_slice %arg6[%mul3A_56, %dma_start3A_84] : memref<118x128xi32, #tpu.memory_space<vmem>> -> memref<1x128xi32, #tpu.memory_space<vmem>>
        %dma_start3A_86 = tpu.memref_squeeze %dma_start3A_85 : memref<1x128xi32, #tpu.memory_space<vmem>> -> memref<128xi32, #tpu.memory_space<vmem>>
        %dma_start3A_87 = arith.constant 0 : i32
        %dma_start3A_88 = arith.constant 0 : i32
        %dma_start3A_89 = tpu.memref_slice %arg11[%dma_start3A_87, %dma_start3A_88] : memref<10240x128xf32, #tpu.memory_space<vmem_shared>> -> memref<10240x128xf32, #tpu.memory_space<vmem_shared>>
        tpu.enqueue_indirect_dma source(%arg9 : memref<128x128xf32, #tpu.memory_space<vmem>>) target(%dma_start3A_89 : memref<10240x128xf32, #tpu.memory_space<vmem_shared>>) offsets(%dma_start3A_86 : memref<128xi32, #tpu.memory_space<vmem>>) semaphore(%run_scoped3A_83 : memref<!tpu.dma_semaphore, #tpu.memory_space<semaphore_mem>>) {add = true}
        %dma_wait3A_90 = arith.constant 0 : i32
        %dma_wait3A_91 = tpu.memref_slice %arg6[%mul3A_56, %dma_wait3A_90] : memref<118x128xi32, #tpu.memory_space<vmem>> -> memref<1x128xi32, #tpu.memory_space<vmem>>
        %dma_wait3A_92 = tpu.memref_squeeze %dma_wait3A_91 : memref<1x128xi32, #tpu.memory_space<vmem>> -> memref<128xi32, #tpu.memory_space<vmem>>
        %dma_wait3A_93 = arith.constant 0 : i32
        %dma_wait3A_94 = arith.constant 0 : i32
        %dma_wait3A_95 = tpu.memref_slice %arg11[%dma_wait3A_93, %dma_wait3A_94] : memref<10240x128xf32, #tpu.memory_space<vmem_shared>> -> memref<10240x128xf32, #tpu.memory_space<vmem_shared>>
        tpu.wait_indirect_dma semaphore(%run_scoped3A_83 : memref<!tpu.dma_semaphore, #tpu.memory_space<semaphore_mem>>) src(%arg9 : memref<128x128xf32, #tpu.memory_space<vmem>>) dst(%dma_wait3A_95 : memref<10240x128xf32, #tpu.memory_space<vmem_shared>>)
        tpu.yield
      }) : () -> ()
      %dma_wait3A_72 = arith.constant 0 : i32
      %dma_wait3A_73 = arith.constant 0 : i32
      %dma_wait3A_74 = tpu.memref_slice %arg2[%dma_wait3A_72, %dma_wait3A_73] : memref<10000x128xf32, #tpu.memory_space<hbm>> -> memref<10000x128xf32, #tpu.memory_space<hbm>>
      tpu.wait_indirect_dma semaphore(%arg13 : memref<!tpu.dma_semaphore, #tpu.memory_space<semaphore_mem>>) src(%dma_wait3A_74 : memref<10000x128xf32, #tpu.memory_space<hbm>>) dst(%arg10 : memref<128x128xf32, #tpu.memory_space<vmem>>)
      %add3A_75 = arith.constant 2 : i32
      %add3A_76 = arith.addi %mul3A_56, %add3A_75 : i32
      %lt3A_77 = arith.cmpi slt, %add3A_76, %select_n3A : i32
      %convert_element_type3A_78 = arith.extui %lt3A_77 : i1 to i32
      %cond3A_79 = arith.constant 0 : i32
      %cond3A_80 = arith.cmpi ne, %convert_element_type3A_78, %cond3A_79 : i32
      scf.if %cond3A_80 {
        %dma_wait3A_83 = arith.constant 0 : i32
        %dma_wait3A_84 = arith.constant 0 : i32
        %dma_wait3A_85 = tpu.memref_slice %arg3[%arg0, %arg1, %dma_wait3A_83, %dma_wait3A_84] : memref<2x16x118x128xi32, #tpu.memory_space<hbm>> -> memref<1x1x1x128xi32, #tpu.memory_space<hbm>>
        %dma_wait3A_86 = tpu.memref_squeeze %dma_wait3A_85 : memref<1x1x1x128xi32, #tpu.memory_space<hbm>> -> memref<128xi32, #tpu.memory_space<hbm>>
        %dma_wait3A_87 = arith.constant 0 : i32
        %dma_wait3A_88 = tpu.memref_slice %arg3[%arg0, %arg1, %dma_wait3A_83, %dma_wait3A_87] : memref<2x16x118x128xi32, #tpu.memory_space<hbm>> -> memref<1x1x1x128xi32, #tpu.memory_space<hbm>>
        %dma_wait3A_89 = tpu.memref_squeeze %dma_wait3A_88 : memref<1x1x1x128xi32, #tpu.memory_space<hbm>> -> memref<128xi32, #tpu.memory_space<hbm>>
        tpu.wait_dma2 semaphore(%arg14 : memref<!tpu.dma_semaphore, #tpu.memory_space<semaphore_mem>>) src(%dma_wait3A_89 : memref<128xi32, #tpu.memory_space<hbm>>) dst(%arg7 : memref<128xi32, #tpu.memory_space<vmem>>)
        %dma_start3A_90 = arith.constant 0 : i32
        %dma_start3A_91 = arith.constant 0 : i32
        %dma_start3A_92 = tpu.memref_slice %arg2[%dma_start3A_90, %dma_start3A_91] : memref<10000x128xf32, #tpu.memory_space<hbm>> -> memref<10000x128xf32, #tpu.memory_space<hbm>>
        tpu.enqueue_indirect_dma source(%dma_start3A_92 : memref<10000x128xf32, #tpu.memory_space<hbm>>) target(%arg9 : memref<128x128xf32, #tpu.memory_space<vmem>>) offsets(%arg7 : memref<128xi32, #tpu.memory_space<vmem>>) semaphore(%arg12 : memref<!tpu.dma_semaphore, #tpu.memory_space<semaphore_mem>>)
        %add3A_93 = arith.constant 3 : i32
        %add3A_94 = arith.addi %mul3A_56, %add3A_93 : i32
        %lt3A_95 = arith.cmpi slt, %add3A_94, %select_n3A : i32
        %convert_element_type3A_96 = arith.extui %lt3A_95 : i1 to i32
        %cond3A_97 = arith.constant 0 : i32
        %cond3A_98 = arith.cmpi ne, %convert_element_type3A_96, %cond3A_97 : i32
        scf.if %cond3A_98 {
          %add3A_99 = arith.constant 3 : i32
          %add3A_100 = arith.addi %mul3A_56, %add3A_99 : i32
          %dma_start3A_101 = arith.constant 0 : i32
          %dma_start3A_102 = tpu.memref_slice %arg3[%arg0, %arg1, %add3A_100, %dma_start3A_101] : memref<2x16x118x128xi32, #tpu.memory_space<hbm>> -> memref<1x1x1x128xi32, #tpu.memory_space<hbm>>
          %dma_start3A_103 = tpu.memref_squeeze %dma_start3A_102 : memref<1x1x1x128xi32, #tpu.memory_space<hbm>> -> memref<128xi32, #tpu.memory_space<hbm>>
          %dma_start3A_104 = arith.constant 0 : i32
          %dma_start3A_105 = tpu.memref_slice %arg3[%arg0, %arg1, %add3A_100, %dma_start3A_104] : memref<2x16x118x128xi32, #tpu.memory_space<hbm>> -> memref<1x1x1x128xi32, #tpu.memory_space<hbm>>
          %dma_start3A_106 = tpu.memref_squeeze %dma_start3A_105 : memref<1x1x1x128xi32, #tpu.memory_space<hbm>> -> memref<128xi32, #tpu.memory_space<hbm>>
          tpu.enqueue_dma source(%dma_start3A_106 : memref<128xi32, #tpu.memory_space<hbm>>) target(%arg8 : memref<128xi32, #tpu.memory_space<vmem>>) target_semaphore(%arg15 : memref<!tpu.dma_semaphore, #tpu.memory_space<semaphore_mem>>)
        } else {
        }
      } else {
      }
      %add3A_81 = arith.constant 1 : i32
      %add3A_82 = arith.addi %mul3A_56, %add3A_81 : i32
      "tpu.region"() ({
        %run_scoped3A_83 = tpu.sem_alloc : memref<!tpu.dma_semaphore, #tpu.memory_space<semaphore_mem>>
        %dma_start3A_84 = arith.constant 0 : i32
        %dma_start3A_85 = tpu.memref_slice %arg6[%add3A_82, %dma_start3A_84] : memref<118x128xi32, #tpu.memory_space<vmem>> -> memref<1x128xi32, #tpu.memory_space<vmem>>
        %dma_start3A_86 = tpu.memref_squeeze %dma_start3A_85 : memref<1x128xi32, #tpu.memory_space<vmem>> -> memref<128xi32, #tpu.memory_space<vmem>>
        %dma_start3A_87 = arith.constant 0 : i32
        %dma_start3A_88 = arith.constant 0 : i32
        %dma_start3A_89 = tpu.memref_slice %arg11[%dma_start3A_87, %dma_start3A_88] : memref<10240x128xf32, #tpu.memory_space<vmem_shared>> -> memref<10240x128xf32, #tpu.memory_space<vmem_shared>>
        tpu.enqueue_indirect_dma source(%arg10 : memref<128x128xf32, #tpu.memory_space<vmem>>) target(%dma_start3A_89 : memref<10240x128xf32, #tpu.memory_space<vmem_shared>>) offsets(%dma_start3A_86 : memref<128xi32, #tpu.memory_space<vmem>>) semaphore(%run_scoped3A_83 : memref<!tpu.dma_semaphore, #tpu.memory_space<semaphore_mem>>) {add = true}
        %dma_wait3A_90 = arith.constant 0 : i32
        %dma_wait3A_91 = tpu.memref_slice %arg6[%add3A_82, %dma_wait3A_90] : memref<118x128xi32, #tpu.memory_space<vmem>> -> memref<1x128xi32, #tpu.memory_space<vmem>>
        %dma_wait3A_92 = tpu.memref_squeeze %dma_wait3A_91 : memref<1x128xi32, #tpu.memory_space<vmem>> -> memref<128xi32, #tpu.memory_space<vmem>>
        %dma_wait3A_93 = arith.constant 0 : i32
        %dma_wait3A_94 = arith.constant 0 : i32
        %dma_wait3A_95 = tpu.memref_slice %arg11[%dma_wait3A_93, %dma_wait3A_94] : memref<10240x128xf32, #tpu.memory_space<vmem_shared>> -> memref<10240x128xf32, #tpu.memory_space<vmem_shared>>
        tpu.wait_indirect_dma semaphore(%run_scoped3A_83 : memref<!tpu.dma_semaphore, #tpu.memory_space<semaphore_mem>>) src(%arg10 : memref<128x128xf32, #tpu.memory_space<vmem>>) dst(%dma_wait3A_95 : memref<10240x128xf32, #tpu.memory_space<vmem_shared>>)
        tpu.yield
      }) : () -> ()
    }
    %barrier3A_53 = arith.constant 0 : index
    tpu.barrier barrier_id(%barrier3A_53)
    "tpu.region"() ({
      %run_scoped3A_54 = tpu.sem_alloc : memref<!tpu.dma_semaphore, #tpu.memory_space<semaphore_mem>>
      %dma_start3A_55 = arith.constant 0 : i32
      %dma_start3A_56 = tpu.memref_slice %arg5[%arg0, %mul3A_0, %dma_start3A_55] : memref<2x10240x128xf32, #tpu.memory_space<hbm>> -> memref<1x640x128xf32, #tpu.memory_space<hbm>>
      %dma_start3A_57 = tpu.memref_squeeze %dma_start3A_56 : memref<1x640x128xf32, #tpu.memory_space<hbm>> -> memref<640x128xf32, #tpu.memory_space<hbm>>
      %dma_start3A_58 = arith.constant 0 : i32
      %dma_start3A_59 = tpu.memref_slice %arg11[%mul3A_0, %dma_start3A_58] : memref<10240x128xf32, #tpu.memory_space<vmem_shared>> -> memref<640x128xf32, #tpu.memory_space<vmem_shared>>
      tpu.enqueue_dma source(%dma_start3A_59 : memref<640x128xf32, #tpu.memory_space<vmem_shared>>) target(%dma_start3A_57 : memref<640x128xf32, #tpu.memory_space<hbm>>) target_semaphore(%run_scoped3A_54 : memref<!tpu.dma_semaphore, #tpu.memory_space<semaphore_mem>>)
      %dma_wait3A = arith.constant 0 : i32
      %dma_wait3A_60 = tpu.memref_slice %arg5[%arg0, %mul3A_0, %dma_wait3A] : memref<2x10240x128xf32, #tpu.memory_space<hbm>> -> memref<1x640x128xf32, #tpu.memory_space<hbm>>
      %dma_wait3A_61 = tpu.memref_squeeze %dma_wait3A_60 : memref<1x640x128xf32, #tpu.memory_space<hbm>> -> memref<640x128xf32, #tpu.memory_space<hbm>>
      %dma_wait3A_62 = arith.constant 0 : i32
      %dma_wait3A_63 = tpu.memref_slice %arg11[%mul3A_0, %dma_wait3A_62] : memref<10240x128xf32, #tpu.memory_space<vmem_shared>> -> memref<640x128xf32, #tpu.memory_space<vmem_shared>>
      tpu.wait_dma2 semaphore(%run_scoped3A_54 : memref<!tpu.dma_semaphore, #tpu.memory_space<semaphore_mem>>) src(%dma_wait3A_63 : memref<640x128xf32, #tpu.memory_space<vmem_shared>>) dst(%dma_wait3A_61 : memref<640x128xf32, #tpu.memory_space<hbm>>)
      tpu.yield
    }) : () -> ()
    return
  }
}

module attributes {stable_mosaic.version = 14 : i64} {
  func.func @_layer_body(%arg0: i32, %arg1: memref<1000x128xf32, #tpu.memory_space<vmem>>, %arg2: memref<1000x128xf32, #tpu.memory_space<vmem>>, %arg3: memref<1000x1xf32, #tpu.memory_space<vmem>>, %arg4: memref<1000x1xf32, #tpu.memory_space<vmem>>, %arg5: memref<1000x128xf32, #tpu.memory_space<vmem>>, %arg6: memref<128x128xf32, #tpu.memory_space<vmem>>, %arg7: memref<128x128xf32, #tpu.memory_space<vmem>>, %arg8: memref<1x128xf32, #tpu.memory_space<vmem>>, %arg9: memref<1000x128xf32, #tpu.memory_space<vmem>>) attributes {dimension_semantics = [#tpu.dimension_semantics<arbitrary>], iteration_bounds = array<i64: 10>, scalar_prefetch = 0 : i64, scratch_operands = 0 : i64, tpu.core_type = #tpu.core_type<tc>, window_params = [{transform_indices = @transform_0, window_bounds = array<i64: 1000, 128>}, {transform_indices = @transform_1, window_bounds = array<i64: 1000, 128>}, {transform_indices = @transform_2, window_bounds = array<i64: 1000, 1>}, {transform_indices = @transform_3, window_bounds = array<i64: 1000, 1>}, {transform_indices = @transform_4, window_bounds = array<i64: 1000, 128>}, {pipeline_mode = #tpu.pipeline_mode<synchronous>, transform_indices = @transform_5, window_bounds = array<i64: 128, 128>}, {pipeline_mode = #tpu.pipeline_mode<synchronous>, transform_indices = @transform_6, window_bounds = array<i64: 128, 128>}, {pipeline_mode = #tpu.pipeline_mode<synchronous>, transform_indices = @transform_7, window_bounds = array<i64: 1, 128>}, {transform_indices = @transform_8, window_bounds = array<i64: 1000, 128>}]} {
    %get3A = arith.constant 0 : index
    %get3A_0 = arith.constant 0 : index
    %get3A_1 = vector.load %arg3[%get3A, %get3A_0] : memref<1000x1xf32, #tpu.memory_space<vmem>>, vector<1000x1xf32>
    %get3A_2 = arith.constant 0 : index
    %get3A_3 = arith.constant 0 : index
    %get3A_4 = vector.load %arg4[%get3A_2, %get3A_3] : memref<1000x1xf32, #tpu.memory_space<vmem>>, vector<1000x1xf32>
    %add3A = arith.addf %get3A_1, %get3A_4 : vector<1000x1xf32>
    %max3A = arith.constant 1.000000e+00 : f32
    %max3A_5 = vector.broadcast %max3A : f32 to vector<1000x1xf32>
    %max3A_6 = arith.maximumf %add3A, %max3A_5 : vector<1000x1xf32>
    %div3A = arith.constant 1.000000e+00 : f32
    %div3A_7 = vector.broadcast %div3A : f32 to vector<1000x1xf32>
    %div3A_8 = arith.divf %div3A_7, %max3A_6 : vector<1000x1xf32>
    %get3A_9 = arith.constant 0 : index
    %get3A_10 = arith.constant 0 : index
    %get3A_11 = vector.load %arg1[%get3A_9, %get3A_10] : memref<1000x128xf32, #tpu.memory_space<vmem>>, vector<1000x128xf32>
    %get3A_12 = arith.constant 0 : index
    %get3A_13 = arith.constant 0 : index
    %get3A_14 = vector.load %arg2[%get3A_12, %get3A_13] : memref<1000x128xf32, #tpu.memory_space<vmem>>, vector<1000x128xf32>
    %add3A_15 = arith.addf %get3A_11, %get3A_14 : vector<1000x128xf32>
    %mul3A = vector.broadcast %div3A_8 : vector<1000x1xf32> to vector<1000x128xf32>
    %mul3A_16 = arith.mulf %add3A_15, %mul3A : vector<1000x128xf32>
    %get3A_17 = arith.constant 0 : index
    %get3A_18 = arith.constant 0 : index
    %get3A_19 = vector.load %arg6[%get3A_17, %get3A_18] : memref<128x128xf32, #tpu.memory_space<vmem>>, vector<128x128xf32>
    %dot_general3A = arith.constant dense<0.000000e+00> : vector<1000x128xf32>
    %dot_general3A_20 = tpu.matmul %mul3A_16, %get3A_19, %dot_general3A {dimension_numbers = #tpu.dot_dimension_numbers<[1], [0], [0], [1], [0, 0, 1, 1], [], []>, precision = #tpu.contract_precision<fp32>, transpose_lhs_hint = false} : vector<1000x128xf32>, vector<128x128xf32>, vector<1000x128xf32> -> vector<1000x128xf32>
    %get3A_21 = arith.constant 0 : index
    %get3A_22 = arith.constant 0 : index
    %get3A_23 = vector.load %arg5[%get3A_21, %get3A_22] : memref<1000x128xf32, #tpu.memory_space<vmem>>, vector<1000x128xf32>
    %get3A_24 = arith.constant 0 : index
    %get3A_25 = arith.constant 0 : index
    %get3A_26 = vector.load %arg7[%get3A_24, %get3A_25] : memref<128x128xf32, #tpu.memory_space<vmem>>, vector<128x128xf32>
    %dot_general3A_27 = arith.constant dense<0.000000e+00> : vector<1000x128xf32>
    %dot_general3A_28 = tpu.matmul %get3A_23, %get3A_26, %dot_general3A_27 {dimension_numbers = #tpu.dot_dimension_numbers<[1], [0], [0], [1], [0, 0, 1, 1], [], []>, precision = #tpu.contract_precision<fp32>, transpose_lhs_hint = false} : vector<1000x128xf32>, vector<128x128xf32>, vector<1000x128xf32> -> vector<1000x128xf32>
    %add3A_29 = arith.addf %dot_general3A_20, %dot_general3A_28 : vector<1000x128xf32>
    %get3A_30 = arith.constant 0 : index
    %get3A_31 = arith.constant 0 : index
    %get3A_32 = vector.load %arg8[%get3A_30, %get3A_31] : memref<1x128xf32, #tpu.memory_space<vmem>>, vector<1x128xf32>
    %add3A_33 = vector.broadcast %get3A_32 : vector<1x128xf32> to vector<1000x128xf32>
    %add3A_34 = arith.addf %add3A_29, %add3A_33 : vector<1000x128xf32>
    %max3A_35 = arith.constant 0.000000e+00 : f32
    %max3A_36 = vector.broadcast %max3A_35 : f32 to vector<1000x128xf32>
    %max3A_37 = arith.maximumf %add3A_34, %max3A_36 : vector<1000x128xf32>
    %swap3A = arith.constant 0 : index
    %swap3A_38 = arith.constant 0 : index
    %swap3A_39 = vector.load %arg9[%swap3A, %swap3A_38] : memref<1000x128xf32, #tpu.memory_space<vmem>>, vector<1000x128xf32>
    tpu.vector_store %arg9[%swap3A, %swap3A_38], %max3A_37 {strides = array<i32>} : memref<1000x128xf32, #tpu.memory_space<vmem>>, vector<1000x128xf32>,
    return
  }
  func.func @transform_0(%arg0: i32) -> (i32, i32) {
    %c0_i32 = arith.constant 0 : i32
    %c0_i32_0 = arith.constant 0 : i32
    return %arg0, %c0_i32 : i32, i32
  }
  func.func @transform_1(%arg0: i32) -> (i32, i32) {
    %c0_i32 = arith.constant 0 : i32
    %c0_i32_0 = arith.constant 0 : i32
    return %arg0, %c0_i32 : i32, i32
  }
  func.func @transform_2(%arg0: i32) -> (i32, i32) {
    %c0_i32 = arith.constant 0 : i32
    %c0_i32_0 = arith.constant 0 : i32
    return %arg0, %c0_i32 : i32, i32
  }
  func.func @transform_3(%arg0: i32) -> (i32, i32) {
    %c0_i32 = arith.constant 0 : i32
    %c0_i32_0 = arith.constant 0 : i32
    return %arg0, %c0_i32 : i32, i32
  }
  func.func @transform_4(%arg0: i32) -> (i32, i32) {
    %c0_i32 = arith.constant 0 : i32
    %c0_i32_0 = arith.constant 0 : i32
    return %arg0, %c0_i32 : i32, i32
  }
  func.func @transform_5(%arg0: i32) -> (i32, i32) {
    %c0_i32 = arith.constant 0 : i32
    %c0_i32_0 = arith.constant 0 : i32
    %c0_i32_1 = arith.constant 0 : i32
    return %c0_i32, %c0_i32_0 : i32, i32
  }
  func.func @transform_6(%arg0: i32) -> (i32, i32) {
    %c0_i32 = arith.constant 0 : i32
    %c0_i32_0 = arith.constant 0 : i32
    %c0_i32_1 = arith.constant 0 : i32
    return %c0_i32, %c0_i32_0 : i32, i32
  }
  func.func @transform_7(%arg0: i32) -> (i32, i32) {
    %c0_i32 = arith.constant 0 : i32
    %c0_i32_0 = arith.constant 0 : i32
    %c0_i32_1 = arith.constant 0 : i32
    return %c0_i32, %c0_i32_0 : i32, i32
  }
  func.func @transform_8(%arg0: i32) -> (i32, i32) {
    %c0_i32 = arith.constant 0 : i32
    %c0_i32_0 = arith.constant 0 : i32
    return %arg0, %c0_i32 : i32, i32
  }
}

module attributes {stable_mosaic.version = 14 : i64} {
  func.func @_final_body(%arg0: i32, %arg1: memref<1000x128xf32, #tpu.memory_space<vmem>>, %arg2: memref<1000x128xf32, #tpu.memory_space<vmem>>, %arg3: memref<1000x1xf32, #tpu.memory_space<vmem>>, %arg4: memref<1000x1xf32, #tpu.memory_space<vmem>>, %arg5: memref<1000x128xf32, #tpu.memory_space<vmem>>, %arg6: memref<128x128xf32, #tpu.memory_space<vmem>>, %arg7: memref<128x128xf32, #tpu.memory_space<vmem>>, %arg8: memref<1x128xf32, #tpu.memory_space<vmem>>, %arg9: memref<64x1xi32, #tpu.memory_space<vmem>>, %arg10: memref<64x1xi32, #tpu.memory_space<vmem>>, %arg11: memref<64x1xf32, #tpu.memory_space<vmem>>, %arg12: memref<64x128xf32, #tpu.memory_space<vmem>>) attributes {dimension_semantics = [#tpu.dimension_semantics<arbitrary>], iteration_bounds = array<i64: 10>, scalar_prefetch = 0 : i64, scratch_operands = 0 : i64, tpu.core_type = #tpu.core_type<tc>, window_params = [{transform_indices = @transform_0, window_bounds = array<i64: 1000, 128>}, {transform_indices = @transform_1, window_bounds = array<i64: 1000, 128>}, {transform_indices = @transform_2, window_bounds = array<i64: 1000, 1>}, {transform_indices = @transform_3, window_bounds = array<i64: 1000, 1>}, {transform_indices = @transform_4, window_bounds = array<i64: 1000, 128>}, {pipeline_mode = #tpu.pipeline_mode<synchronous>, transform_indices = @transform_5, window_bounds = array<i64: 128, 128>}, {pipeline_mode = #tpu.pipeline_mode<synchronous>, transform_indices = @transform_6, window_bounds = array<i64: 128, 128>}, {pipeline_mode = #tpu.pipeline_mode<synchronous>, transform_indices = @transform_7, window_bounds = array<i64: 1, 128>}, {pipeline_mode = #tpu.pipeline_mode<synchronous>, transform_indices = @transform_8, window_bounds = array<i64: 64, 1>}, {pipeline_mode = #tpu.pipeline_mode<synchronous>, transform_indices = @transform_9, window_bounds = array<i64: 64, 1>}, {pipeline_mode = #tpu.pipeline_mode<synchronous>, transform_indices = @transform_10, window_bounds = array<i64: 64, 1>}, {pipeline_mode = #tpu.pipeline_mode<synchronous>, transform_indices = @transform_11, window_bounds = array<i64: 64, 128>}]} {
    %get3A = arith.constant 0 : index
    %get3A_0 = arith.constant 0 : index
    %get3A_1 = vector.load %arg3[%get3A, %get3A_0] : memref<1000x1xf32, #tpu.memory_space<vmem>>, vector<1000x1xf32>
    %get3A_2 = arith.constant 0 : index
    %get3A_3 = arith.constant 0 : index
    %get3A_4 = vector.load %arg4[%get3A_2, %get3A_3] : memref<1000x1xf32, #tpu.memory_space<vmem>>, vector<1000x1xf32>
    %add3A = arith.addf %get3A_1, %get3A_4 : vector<1000x1xf32>
    %max3A = arith.constant 1.000000e+00 : f32
    %max3A_5 = vector.broadcast %max3A : f32 to vector<1000x1xf32>
    %max3A_6 = arith.maximumf %add3A, %max3A_5 : vector<1000x1xf32>
    %div3A = arith.constant 1.000000e+00 : f32
    %div3A_7 = vector.broadcast %div3A : f32 to vector<1000x1xf32>
    %div3A_8 = arith.divf %div3A_7, %max3A_6 : vector<1000x1xf32>
    %get3A_9 = arith.constant 0 : index
    %get3A_10 = arith.constant 0 : index
    %get3A_11 = vector.load %arg1[%get3A_9, %get3A_10] : memref<1000x128xf32, #tpu.memory_space<vmem>>, vector<1000x128xf32>
    %get3A_12 = arith.constant 0 : index
    %get3A_13 = arith.constant 0 : index
    %get3A_14 = vector.load %arg2[%get3A_12, %get3A_13] : memref<1000x128xf32, #tpu.memory_space<vmem>>, vector<1000x128xf32>
    %add3A_15 = arith.addf %get3A_11, %get3A_14 : vector<1000x128xf32>
    %mul3A = vector.broadcast %div3A_8 : vector<1000x1xf32> to vector<1000x128xf32>
    %mul3A_16 = arith.mulf %add3A_15, %mul3A : vector<1000x128xf32>
    %get3A_17 = arith.constant 0 : index
    %get3A_18 = arith.constant 0 : index
    %get3A_19 = vector.load %arg6[%get3A_17, %get3A_18] : memref<128x128xf32, #tpu.memory_space<vmem>>, vector<128x128xf32>
    %dot_general3A = arith.constant dense<0.000000e+00> : vector<1000x128xf32>
    %dot_general3A_20 = tpu.matmul %mul3A_16, %get3A_19, %dot_general3A {dimension_numbers = #tpu.dot_dimension_numbers<[1], [0], [0], [1], [0, 0, 1, 1], [], []>, precision = #tpu.contract_precision<fp32>, transpose_lhs_hint = false} : vector<1000x128xf32>, vector<128x128xf32>, vector<1000x128xf32> -> vector<1000x128xf32>
    %get3A_21 = arith.constant 0 : index
    %get3A_22 = arith.constant 0 : index
    %get3A_23 = vector.load %arg5[%get3A_21, %get3A_22] : memref<1000x128xf32, #tpu.memory_space<vmem>>, vector<1000x128xf32>
    %get3A_24 = arith.constant 0 : index
    %get3A_25 = arith.constant 0 : index
    %get3A_26 = vector.load %arg7[%get3A_24, %get3A_25] : memref<128x128xf32, #tpu.memory_space<vmem>>, vector<128x128xf32>
    %dot_general3A_27 = arith.constant dense<0.000000e+00> : vector<1000x128xf32>
    %dot_general3A_28 = tpu.matmul %get3A_23, %get3A_26, %dot_general3A_27 {dimension_numbers = #tpu.dot_dimension_numbers<[1], [0], [0], [1], [0, 0, 1, 1], [], []>, precision = #tpu.contract_precision<fp32>, transpose_lhs_hint = false} : vector<1000x128xf32>, vector<128x128xf32>, vector<1000x128xf32> -> vector<1000x128xf32>
    %add3A_29 = arith.addf %dot_general3A_20, %dot_general3A_28 : vector<1000x128xf32>
    %get3A_30 = arith.constant 0 : index
    %get3A_31 = arith.constant 0 : index
    %get3A_32 = vector.load %arg8[%get3A_30, %get3A_31] : memref<1x128xf32, #tpu.memory_space<vmem>>, vector<1x128xf32>
    %add3A_33 = vector.broadcast %get3A_32 : vector<1x128xf32> to vector<1000x128xf32>
    %add3A_34 = arith.addf %add3A_29, %add3A_33 : vector<1000x128xf32>
    %mul3A_35 = arith.constant 1000 : i32
    %mul3A_36 = arith.muli %arg0, %mul3A_35 : i32
    %iota3A = tpu.iota {dimensions = array<i32: 1>} : vector<64x1000xi32>
    %add3A_37 = vector.broadcast %mul3A_36 : i32 to vector<64x1000xi32>
    %add3A_38 = arith.addi %add3A_37, %iota3A : vector<64x1000xi32>
    %get3A_39 = arith.constant 0 : index
    %get3A_40 = arith.constant 0 : index
    %get3A_41 = vector.load %arg9[%get3A_39, %get3A_40] : memref<64x1xi32, #tpu.memory_space<vmem>>, vector<64x1xi32>
    %ge3A = vector.broadcast %get3A_41 : vector<64x1xi32> to vector<64x1000xi32>
    %ge3A_42 = arith.cmpi sge, %add3A_38, %ge3A : vector<64x1000xi32>
    %get3A_43 = arith.constant 0 : index
    %get3A_44 = arith.constant 0 : index
    %get3A_45 = vector.load %arg10[%get3A_43, %get3A_44] : memref<64x1xi32, #tpu.memory_space<vmem>>, vector<64x1xi32>
    %lt3A = vector.broadcast %get3A_45 : vector<64x1xi32> to vector<64x1000xi32>
    %lt3A_46 = arith.cmpi slt, %add3A_38, %lt3A : vector<64x1000xi32>
    %and3A = arith.andi %ge3A_42, %lt3A_46 : vector<64x1000xi1>
    %get3A_47 = arith.constant 0 : index
    %get3A_48 = arith.constant 0 : index
    %get3A_49 = vector.load %arg11[%get3A_47, %get3A_48] : memref<64x1xf32, #tpu.memory_space<vmem>>, vector<64x1xf32>
    %jit3A = arith.constant 0.000000e+00 : f32
    %broadcast_in_dim3A = vector.shape_cast %get3A_49 : vector<64x1xf32> to vector<64x1xf32>
    %broadcast_in_dim3A_50 = vector.broadcast %broadcast_in_dim3A : vector<64x1xf32> to vector<64x1000xf32>
    %broadcast_in_dim3A_51 = vector.broadcast %jit3A : f32 to vector<64x1000xf32>
    %select_n3A = arith.select %and3A, %broadcast_in_dim3A_50, %broadcast_in_dim3A_51 : vector<64x1000xi1>, vector<64x1000xf32>
    %dot_general3A_52 = arith.constant dense<0.000000e+00> : vector<64x128xf32>
    %dot_general3A_53 = tpu.matmul %select_n3A, %add3A_34, %dot_general3A_52 {dimension_numbers = #tpu.dot_dimension_numbers<[1], [0], [0], [1], [0, 0, 1, 1], [], []>, precision = #tpu.contract_precision<fp32>, transpose_lhs_hint = false} : vector<64x1000xf32>, vector<1000x128xf32>, vector<64x128xf32> -> vector<64x128xf32>
    %eq3A = arith.constant 0 : i32
    %eq3A_54 = arith.cmpi eq, %arg0, %eq3A : i32
    %convert_element_type3A = arith.extui %eq3A_54 : i1 to i32
    %cond3A = arith.constant 0 : i32
    %cond3A_55 = arith.cmpi ne, %convert_element_type3A, %cond3A : i32
    scf.if %cond3A_55 {
      %swap3A = arith.constant 0 : index
      %swap3A_60 = arith.constant 0 : index
      %swap3A_61 = vector.load %arg12[%swap3A, %swap3A_60] : memref<64x128xf32, #tpu.memory_space<vmem>>, vector<64x128xf32>
      tpu.vector_store %arg12[%swap3A, %swap3A_60], %dot_general3A_53 {strides = array<i32>} : memref<64x128xf32, #tpu.memory_space<vmem>>, vector<64x128xf32>,
    } else {
    }
    %gt3A = arith.constant 0 : i32
    %gt3A_56 = arith.cmpi sgt, %arg0, %gt3A : i32
    %convert_element_type3A_57 = arith.extui %gt3A_56 : i1 to i32
    %cond3A_58 = arith.constant 0 : i32
    %cond3A_59 = arith.cmpi ne, %convert_element_type3A_57, %cond3A_58 : i32
    scf.if %cond3A_59 {
      %get3A_60 = arith.constant 0 : index
      %get3A_61 = arith.constant 0 : index
      %get3A_62 = vector.load %arg12[%get3A_60, %get3A_61] : memref<64x128xf32, #tpu.memory_space<vmem>>, vector<64x128xf32>
      %add3A_63 = arith.addf %get3A_62, %dot_general3A_53 : vector<64x128xf32>
      %swap3A = arith.constant 0 : index
      %swap3A_64 = arith.constant 0 : index
      %swap3A_65 = vector.load %arg12[%swap3A, %swap3A_64] : memref<64x128xf32, #tpu.memory_space<vmem>>, vector<64x128xf32>
      tpu.vector_store %arg12[%swap3A, %swap3A_64], %add3A_63 {strides = array<i32>} : memref<64x128xf32, #tpu.memory_space<vmem>>, vector<64x128xf32>,
    } else {
    }
    return
  }
  func.func @transform_0(%arg0: i32) -> (i32, i32) {
    %c0_i32 = arith.constant 0 : i32
    %c0_i32_0 = arith.constant 0 : i32
    return %arg0, %c0_i32 : i32, i32
  }
  func.func @transform_1(%arg0: i32) -> (i32, i32) {
    %c0_i32 = arith.constant 0 : i32
    %c0_i32_0 = arith.constant 0 : i32
    return %arg0, %c0_i32 : i32, i32
  }
  func.func @transform_2(%arg0: i32) -> (i32, i32) {
    %c0_i32 = arith.constant 0 : i32
    %c0_i32_0 = arith.constant 0 : i32
    return %arg0, %c0_i32 : i32, i32
  }
  func.func @transform_3(%arg0: i32) -> (i32, i32) {
    %c0_i32 = arith.constant 0 : i32
    %c0_i32_0 = arith.constant 0 : i32
    return %arg0, %c0_i32 : i32, i32
  }
  func.func @transform_4(%arg0: i32) -> (i32, i32) {
    %c0_i32 = arith.constant 0 : i32
    %c0_i32_0 = arith.constant 0 : i32
    return %arg0, %c0_i32 : i32, i32
  }
  func.func @transform_5(%arg0: i32) -> (i32, i32) {
    %c0_i32 = arith.constant 0 : i32
    %c0_i32_0 = arith.constant 0 : i32
    %c0_i32_1 = arith.constant 0 : i32
    return %c0_i32, %c0_i32_0 : i32, i32
  }
  func.func @transform_6(%arg0: i32) -> (i32, i32) {
    %c0_i32 = arith.constant 0 : i32
    %c0_i32_0 = arith.constant 0 : i32
    %c0_i32_1 = arith.constant 0 : i32
    return %c0_i32, %c0_i32_0 : i32, i32
  }
  func.func @transform_7(%arg0: i32) -> (i32, i32) {
    %c0_i32 = arith.constant 0 : i32
    %c0_i32_0 = arith.constant 0 : i32
    %c0_i32_1 = arith.constant 0 : i32
    return %c0_i32, %c0_i32_0 : i32, i32
  }
  func.func @transform_8(%arg0: i32) -> (i32, i32) {
    %c0_i32 = arith.constant 0 : i32
    %c0_i32_0 = arith.constant 0 : i32
    %c0_i32_1 = arith.constant 0 : i32
    return %c0_i32, %c0_i32_0 : i32, i32
  }
  func.func @transform_9(%arg0: i32) -> (i32, i32) {
    %c0_i32 = arith.constant 0 : i32
    %c0_i32_0 = arith.constant 0 : i32
    %c0_i32_1 = arith.constant 0 : i32
    return %c0_i32, %c0_i32_0 : i32, i32
  }
  func.func @transform_10(%arg0: i32) -> (i32, i32) {
    %c0_i32 = arith.constant 0 : i32
    %c0_i32_0 = arith.constant 0 : i32
    %c0_i32_1 = arith.constant 0 : i32
    return %c0_i32, %c0_i32_0 : i32, i32
  }
  func.func @transform_11(%arg0: i32) -> (i32, i32) {
    %c0_i32 = arith.constant 0 : i32
    %c0_i32_0 = arith.constant 0 : i32
    %c0_i32_1 = arith.constant 0 : i32
    return %c0_i32, %c0_i32_0 : i32, i32
  }
}

</mosaic_0001>

<sc_bundles>
// kernel: kernel.6.cloned.1.call-start
scs
__scs_entry_jumppad:
0x0: {  	(pc) =	sbr.rel $0x88, $3  }
0x1: {  	(tag) =	ssettag $0x0;
	lr =	simm.s32 $0x1  }
0x2: {  	[smem:$0x3F98] =	sst lr;
	_ =	strace $0xD0000000  }
0x3: {  	_ = 	snop  }
0x4: {  	_ = 	snop  }
0x5: {  	_ = 	snop  }
0x6: {  	_ = 	snop  }
0x7: {  	_ = 	snop  }
__scs_overlays_trampoline_lowered:
0x8: {  	[smem:$0x3FA7] =	sst s0  }
0x9: {  	[smem:$0x3FA8] =	sst s1  }
0xa: {  	[smem:$0x3FA9] =	sst s2  }
0xb: {  	[smem:$0x3FAA] =	sst s3  }
0xc: {  	[smem:$0x3FAB] =	sst s4  }
0xd: {  	[smem:$0x3FAC] =	sst s5  }
0xe: {  	[smem:$0x3FAD] =	sst s6  }
0xf: {  	[smem:$0x3FAE] =	sst s7  }
0x10: {  	[smem:$0x3FAF] =	sst s8  }
0x11: {  	[smem:$0x3FB0] =	sst s9;
	s0 =	simm.s32 @!p0 $0x0  }
0x12: {  	s1 =	sld [smem:$0x3F96];
	s0 =	simm.s32 @p0 $0x1  }
0x13: {  	[smem:$0x3FB1] =	sst s0;
	s0 =	simm.s32 @!p1 $0x0  }
0x14: {  	s2 =	sld [smem:$0x3F95];
	s0 =	simm.s32 @p1 $0x1  }
0x15: {  	[smem:$0x3FB2] =	sst s0;
	s0 =	simm.s32 @!p2 $0x0  }
0x16: {  	s3 =	sld [smem:$0x3FDB];
	s0 =	simm.s32 @p2 $0x1  }
0x17: {  	s4 =	simm.s32 $0x1BF5;
	[smem:$0x3FB4] =	sst s0  }
0x18: {  	s0 =	sld [smem:$0x3F97];
	_ =	swait.ge [sflag:s4], $0x0  }
0x19: {  	s7 =	sld [smem:$0x3F98]  }
0x1a: {  	s8 =	sadd.s32 $0xFFFFE003, lr  }
0x1b: {  	s9 =	sadd.s32 $0xFFFFFEF7, lr;
	s5 =	simm.s32 $0xFFFFFFFF;
	p2 =	slt.u32 s8, $0xFFFFF086  }
0x1c: {  	p1 =	slt.u32 s9, $0xF7A;
	s5 =	simm.s32 @!p2 $0x0  }
0x1d: {  	s5 =	simm.s32 @p1 $0x1;
	p0 =	seq.s32 s7, s2  }
0x1e: {  	s7 =	smul.u32 @!p0 $0xF7A, s2;
	p2 =	seq.s32 @!p0 s5, $0x0  }
0x1f: {  	s9 =	smul.u32 $0xF7A, s1;
	s8 =	simm.s32 @!p0 $0x1BF5;
	p2 =	por !p2, p0  }
0x20: {  	[sflag:s8] =	ssyncset.s32 @!p0 $0xFFFFF086;
	s6 =	sadd.s32 @!p0 s3, s7;
	s7 =	simm.s32 @!p0 $0x108  }
0x21: {  	s3 =	sadd.s32 s3, s9;
	s6 =	sadd.s32 @!p0 $0x88, s6;
	s7 =	simm.s32 @p2 $0x1082  }
0x22: {  	[simem:s7], [sflag:s8] =	dma.local @!p0 [hbm:s6], $0xF7A  }
0x23: {  	s9 =	sor.u32 $0xD0000000, s2;
	s6 =	simm.s32 $0x108;
	_ =	swait.ge @!p0 [sflag:s8], $0x0  }
0x24: {  	s3 =	sadd.s32 $0x88, s3;
	s6 =	simm.s32 @!p1 $0x1082;
	[sflag:s4] =	ssyncset.s32 $0xFFFFF086  }
0x25: {  	[simem:s6], [sflag:s4] =	dma.local [hbm:s3], $0xF7A  }
0x26: {  	[smem:$0x3F98] =	sst s1;
	(tag) =	ssettag s2;
	_ =	strace s9  }
0x27: {  	s1 =	sld [smem:$0x3FA8]  }
0x28: {  	s2 =	sld [smem:$0x3FA9]  }
0x29: {  	s4 =	sld [smem:$0x3FAB]  }
0x2a: {  	p0 =	seq.s32 s5, $0x0;
	s5 =	sld [smem:$0x3FAC]  }
0x2b: {  	s6 =	sld [smem:$0x3FAD]  }
0x2c: {  	s7 =	sld [smem:$0x3FAE]  }
0x2d: {  	s3 =	simm.s32 $0x108;
	s8 =	sld [smem:$0x3FAF]  }
0x2e: {  	s3 =	simm.s32 @!p0 $0x1082;
	s9 =	sld [smem:$0x3FB0]  }
0x2f: {  	lr =	sadd.s32 s0, s3;
	s0 =	sld [smem:$0x3FA7]  }
0x30: {  	s3 =	sld [smem:$0x3FAA]  }
0x31: {  	[smem:$0x3FB3] =	sst s10  }
0x32: {  	s10 =	sld [smem:$0x3FB1];
	_ =	sdelay $0x3  }
0x33: {  	p0 =	seq.s32 s10, $0x1;
	s10 =	sld [smem:$0x3FB3];
	_ =	sdelay $0x3  }
0x34: {  	[smem:$0x3FB3] =	sst s10  }
0x35: {  	s10 =	sld [smem:$0x3FB2];
	_ =	sdelay $0x3  }
0x36: {  	p1 =	seq.s32 s10, $0x1;
	s10 =	sld [smem:$0x3FB3];
	_ =	sdelay $0x3  }
0x37: {  	[smem:$0x3FB3] =	sst s10  }
0x38: {  	s10 =	sld [smem:$0x3FB4]  }
0x39: {  	_ = 	snop;
	(pc) =	sbr.ind lr, $3  }
0x3a: {  	_ = 	snop  }
0x3b: {  	_ = 	snop  }
0x3c: {  	p2 =	seq.s32 s10, $0x1;
	s10 =	sld [smem:$0x3FB3]  }
0x3d: {  	_ =	shalt  }
0x3e: {  	_ =	shalt  }
0x3f: {  	_ =	shalt  }
0x40: {  	_ =	shalt  }
0x41: {  	_ =	shalt  }
0x42: {  	_ =	shalt  }
0x43: {  	_ =	shalt  }
0x44: {  	_ =	shalt  }
0x45: {  	_ =	shalt  }
0x46: {  	_ =	shalt  }
0x47: {  	_ =	shalt  }
0x48: {  	_ =	shalt  }
0x49: {  	_ =	shalt  }
0x4a: {  	_ =	shalt  }
0x4b: {  	_ =	shalt  }
0x4c: {  	_ =	shalt  }
0x4d: {  	_ =	shalt  }
0x4e: {  	_ =	shalt  }
0x4f: {  	_ =	shalt  }
0x50: {  	_ =	shalt  }
0x51: {  	_ =	shalt  }
0x52: {  	_ =	shalt  }
0x53: {  	_ =	shalt  }
0x54: {  	_ =	shalt  }
0x55: {  	_ =	shalt  }
0x56: {  	_ =	shalt  }
0x57: {  	_ =	shalt  }
0x58: {  	_ =	shalt  }
0x59: {  	_ =	shalt  }
0x5a: {  	_ =	shalt  }
0x5b: {  	_ =	shalt  }
0x5c: {  	_ =	shalt  }
0x5d: {  	_ =	shalt  }
0x5e: {  	_ =	shalt  }
0x5f: {  	_ =	shalt  }
0x60: {  	_ =	shalt  }
0x61: {  	_ =	shalt  }
0x62: {  	_ =	shalt  }
0x63: {  	_ =	shalt  }
0x64: {  	_ =	shalt  }
0x65: {  	_ =	shalt  }
0x66: {  	_ =	shalt  }
0x67: {  	_ =	shalt  }
0x68: {  	_ =	shalt  }
0x69: {  	_ =	shalt  }
0x6a: {  	_ =	shalt  }
0x6b: {  	_ =	shalt  }
0x6c: {  	_ =	shalt  }
0x6d: {  	_ =	shalt  }
0x6e: {  	_ =	shalt  }
0x6f: {  	_ =	shalt  }
0x70: {  	_ =	shalt  }
0x71: {  	_ =	shalt  }
0x72: {  	_ =	shalt  }
0x73: {  	_ =	shalt  }
0x74: {  	_ =	shalt  }
0x75: {  	_ =	shalt  }
0x76: {  	_ =	shalt  }
0x77: {  	_ =	shalt  }
0x78: {  	_ =	shalt  }
0x79: {  	_ =	shalt  }
0x7a: {  	_ =	shalt  }
0x7b: {  	_ =	shalt  }
0x7c: {  	_ =	shalt  }
0x7d: {  	_ =	shalt  }
0x7e: {  	_ =	shalt  }
0x7f: {  	_ =	shalt  }
0x80: {  	_ =	shalt  }
0x81: {  	_ =	shalt  }
0x82: {  	_ =	shalt  }
0x83: {  	_ =	shalt  }
0x84: {  	_ =	shalt  }
0x85: {  	_ =	shalt  }
0x86: {  	_ =	shalt  }
0x87: {  	_ =	shalt  }
.Lfunc_end0:
.L_simem_size_0:
called_computation_lowered:
.L_overlay_start_0:
0x88: {  	s2 =	sld [smem:$0x3FD9]  }
0x89: {  	s3 =	sld [smem:$0x3FFE];
	_ =	sdelay $0x1  }
0x8a: {  	s1 =	srdreg.scid  }
0x8b: {  	s0 =	sand.u32 $0x1, s1  }
0x8c: {  	s17 =	sshll.u32 s0, $0xA;
	s2 =	sadd.s32 s3, s2  }
0x8d: {  	s2 =	sadd.s32 s2, s17  }
0x8e: {  	[smem:$0x3FBF] =	sst s2  }
0x8f: {  	_ = 	snop  }
0x90: {  	s2 =	sld [smem:$0x3FC9];
	(tm) =	ssettm $0x1  }
0x91: {  	s18 =	sld [smem:$0x3FFB];
	_ =	sdelay $0x3  }
0x92: {  	_ =	strace s18  }
0x93: {  	s3 =	sld [smem:$0x3FFC];
	_ =	sdelay $0x3  }
0x94: {  	_ =	strace s3  }
0x95: {  	s3 =	sld [smem:$0x3FFD];
	_ =	sdelay $0x3  }
0x96: {  	_ =	strace s3  }
0x97: {  	_ =	strace $0x8FFFFFFF  }
0x98: {  	s19 =	sld [smem:$0x3FDB];
	_ =	sdelay $0x1  }
0x99: {  	s4 =	simm.s32 $_scs_section_size  }
0x9a: {  	s5 =	simm.s32 $_size__tile_overlayer_lowered;
	s6 =	simm.s32 $_tile_overlayer_lowered  }
0x9b: {  	s22 =	simm.s32 $0x1BFF;
	s21 =	sshll.u32 s6, $0x1;
	s3 =	sadd.s32 s4, s19  }
0x9c: {  	s7 =	simm.s32 $0x0;
	s20 =	sshll.u32 s5, $0x1;
	s5 =	sadd.s32 s21, s3  }
0x9d: {  	[timem:s7], [sflag:s22] =	dma.local [hbm:s5], s20  }
0x9e: {  	_ =	swait.ge [sflag:s22], s20  }
0x9f: {  	s4 =	ssub.s32 $0x0, s20;
	[sflag:s22] =	ssyncset.done $0x0  }
0xa0: {  	[sflag:s22] =	ssyncadd.s32 s4;
	_ =	sdelay $0x1  }
0xa1: {  	s23 =	simm.s32 $0x1B8B  }
0xa2: {  	_ =	swait.ge [sflag:s23], $0x1  }
0xa3: {  	[sflag:s23] =	ssyncset.done $0x0  }
0xa4: {  	s25 =	simm.s32 $0x1B8E;
	s24 =	sld [smem:$0x3FFE];
	[sflag:s23] =	ssyncadd.s32 $0xFFFFFFFF  }
0xa5: {  	s26 =	simm.s32 $execute0_lowered;
	[smem:$0x3FD2] =	sst s25  }
0xa6: {  	s5 =	sshll.u32 s26, $0x1;
	_ =	strace $0x80000046;
	[dreg:$0x1] =	wrdreg $0xFFFFFFFF  }
0xa7: {  	s28 =	simm.s32 $_size_execute0_lowered;
	s3 =	sadd.s32 s3, s5;
	[dreg:$0x0] =	wrdreg $0x0  }
0xa8: {  	s5 =	sshll.u32 s28, $0x1;
	[dreg:$0x2] =	wrdreg s3  }
0xa9: {  	[dreg:$0x3] =	wrdreg s5  }
0xaa: {  	[dreg:$0x4] =	wrdreg $0xC0  }
0xab: {  	_ =	task [dreg:s7], $0x5FFFF  }
0xac: {  	[dreg:$0x1] =	wrdreg $0xFFFFFFFF  }
0xad: {  	[dreg:$0x0] =	wrdreg $0x60  }
0xae: {  	[dreg:$0x2] =	wrdreg s2  }
0xaf: {  	[dreg:$0x3] =	wrdreg s24  }
0xb0: {  	[dreg:$0x4] =	wrdreg $0xBD800  }
0xb1: {  	[dreg:$0x5] =	wrdreg $0x1FD800  }
0xb2: {  	[dreg:$0x6] =	wrdreg $0x9  }
0xb3: {  	_ =	task.clear_ibuf [dreg:s7], $0x7FFFF;
	_ =	strace $0x90000046  }
0xb4: {  	s29 =	simm.s32 $0x9;
	_ =	strace $0x80000048  }
0xb5: {  	_ =	swait.ge [sflag:s29], $0x1  }
0xb6: {  	[sflag:s29] =	ssyncadd.s32 $0xFFFFFFFF  }
0xb7: {  	_ =	strace $0x90000048  }
0xb8: {  	_ =	sfence  }
0xb9: {  	s30 =	sld [smem:$0x0];
	_ =	sdelay $0x2  }
0xba: {  	s31 =	sshll.u32 s1, $0xD;
	s1 =	sshrl.u32 s1, $0x2  }
0xbb: {  	s3 =	sand.u32 $0x4000, s31;
	s1 =	sadd.s32 s1, s30  }
0xbc: {  	s0 =	sor.u32 s3, s0;
	s1 =	sshll.u32 s1, $0x11  }
0xbd: {  	s0 =	sor.u32 s1, s0  }
0xbe: {  	s0 =	sadd.s32 $0x8F2B, s0  }
0xbf: {  	[sflag:s0] =	ssyncadd.remote.s32 $0x1  }
0xc0: {  	_ =	sfence.sel $0xFFFF  }
0xc1: {  	[dreg:$0x0] =	wrdreg $0xFFFFFFFF;
	(pc) =	sbr.abs _section_cstart, $3  }
0xc2: {  	[dreg:$0x1] =	wrdreg $0xFFFFFFFF  }
0xc3: {  	_ =	task.clear_ibuf [dreg:s7], $0x2FFFF;
	_ =	strace $0x9FFFFFFF  }
0xc4: {  	(tm) =	ssettm $0x7FFFFFFF  }
0xc5: {  	_ =	shalt  }
tec
execute0_lowered:
.L_overlay_start_1:
0x0: {  	(tag) =	ssettag $0x1  }
0x1: {  	s0 =	rddreg [dreg:$0x0]  }
0x2: {  	s1 =	rddreg [dreg:$0x1]  }
0x3: {  	s2 =	srdreg.scid;
	s3 =	rddreg [dreg:$0x2]  }
0x4: {  	s15 =	stileid.u32;
	s4 =	rddreg [dreg:$0x3]  }
0x5: {  	s5 =	simm.s32 $0x0;
	s28 =	simm.s32 $0x6;
	s8 =	smul.u32 $0x3C00, s15  }
0x6: {  	s29 =	simm.s32 $0x3D00;
	s30 =	simm.s32 $0x3C00;
	s10 =	smul.u32 $0x14000, s15  }
0x7: {  	s31 =	simm.s32 $0x80;
	s2 =	sand.u32 $0x1, s2;
	s19 =	smul.u32 $0x50000, s15  }
0x8: {  	[smem:$0x7FF] =	sst s5;
	s6 =	sadd.s32 $0x12000, s1;
	s7 =	smul.u32 $0x3C000, s2  }
0x9: {  	s9 =	smul.u32 $0x140000, s2;
	_ =	strace $0x80000047;
	s17 =	ssub.s32 $0x2, s2  }
0xa: {  	s14 =	sshll.u32 s2, $0x7;
	p0 =	seq.s32 s2, $0x0;
	s18 =	sshrl.u32 s17, $0x1  }
0xb: {  	s20 =	sshrl.u32 s19, $0x2;
	s7 =	sadd.s32 s8, s7;
	s9 =	sadd.s32 s10, s9  }
0xc: {  	s10 =	smul.u32 $0x500, s15;
	s11 =	sshrl.u32 s7, $0x3;
	s8 =	sshrl.u32 s9, $0x3  }
0xd: {  	s9 =	ssub.s32 s17, s18;
	s12 =	sadd.s32 s11, s1;
	s13 =	sadd.s32 s8, s1  }
0xe: {  	s16 =	sor.u32 s14, s10;
	s14 =	smul.u32 $0x280, s15;
	s10 =	sadd.s32 s20, s3  }
0xf: {  	s8 =	sshrl.u32 s16, $0x3;
	s21 =	sadd.s32 $0x3000, s12;
	s12 =	simm.s32 $0xBD00  }
0x10: {  	s1 =	sadd.s32 s8, s1;
	s8 =	simm.s32 $0x72;
	s16 =	sadd.s32 $0x80, s14  }
0x11: {  	[dreg:$0x6] =	wrdreg s21;
	s24 =	sadd.s32 $0x180, s14;
	s19 =	sadd.s32 s16, s4  }
0x12: {  	s18 =	sadd.s32 $0x200, s14;
	s20 =	sadd.s32 s24, s4;
	[dreg:$0xb] =	wrdreg s19  }
0x13: {  	s23 =	sadd.s32 $0x100, s14;
	s21 =	sadd.s32 s18, s4;
	[dreg:$0xd] =	wrdreg s20  }
0x14: {  	s22 =	sshll.u32 s16, $0x7;
	s1 =	sadd.s32 $0x21000, s1;
	[dreg:$0xe] =	wrdreg s21  }
0x15: {  	s17 =	sshll.u32 s24, $0x7;
	s24 =	smax.u32 s9, $0x1;
	[dreg:$0x11] =	wrdreg s1  }
0x16: {  	s25 =	sshll.u32 s23, $0x7;
	s2 =	sadd.s32 s22, s3;
	[dreg:$0x12] =	wrdreg s24  }
0x17: {  	s8 =	simm.s32 @!p0 $0x2C;
	s15 =	sadd.s32 s25, s3;
	[dreg:$0x7] =	wrdreg s2  }
0x18: {  	s9 =	simm.s32 $0x4;
	s26 =	sadd.s32 s17, s3;
	[dreg:$0x8] =	wrdreg s15  }
0x19: {  	s17 =	sshll.u32 s18, $0x7;
	s25 =	sshll.u32 s8, $0x7;
	[dreg:$0x9] =	wrdreg s26  }
0x1a: {  	s16 =	simm.s32 $0x5;
	s15 =	sadd.s32 s17, s3;
	[dreg:$0x5] =	wrdreg s25  }
0x1b: {  	s19 =	sadd.s32 s6, s11;
	s2 =	sadd.s32 s23, s4;
	[dreg:$0xa] =	wrdreg s15  }
0x1c: {  	s1 =	simm.s32 $0x1;
	s22 =	sadd.s32 $0x10, s19;
	[dreg:$0xc] =	wrdreg s2  }
0x1d: {  	s11 =	simm.s32 $0x7D00;
	s23 =	sadd.s32 $0x21A00, s13;
	[dreg:$0xf] =	wrdreg s22  }
0x1e: {  	s26 =	sadd.s32 $0x20, s19;
	s13 =	simm.s32 $0x2;
	[dreg:$0x10] =	wrdreg s23  }
0x1f: {  	s17 =	simm.s32 $0x0;
	s15 =	sadd.s32 s14, s4;
	[dreg:$0x13] =	wrdreg s26  }
0x20: {  	v0 =	vimm.f32 $1.000000000e+00;
	v1 =	vimm.f32 $0.0e+00;
	s26 =	sadd.s32 $0x30, s19;
	s2 =	simm.s32 $0x3C80;
	s14 =	simm.s32 $0x3  }
.LBB2_1:
0x21: {  	s18 =	rddreg [dreg:$0x6]  }
0x22: {  	[tilespmem:s5], [sflag:$0x6] =	stream.linear.gather [hbm4b:s18+s5], $0x3900, $0x38;
	v63 =	vld [tilespmem:$0x0]  }
0x23: {  	_ =	swait.ge [sflag:s28], $0x3900  }
0x24: {  	[sflag:s28] =	ssyncset.done $0x0  }
0x25: {  	[sflag:s28] =	ssyncadd.s32 $0xFFFFC700  }
0x26: {  	[tilespmem:$0xBD00] =	vst v0  }
0x27: {  	[tilespmem:$0xBD10] =	vst v0  }
0x28: {  	[tilespmem:$0xBD20] =	vst v0  }
0x29: {  	[tilespmem:$0xBD30] =	vst v0  }
0x2a: {  	[tilespmem:$0xBD40] =	vst v0  }
0x2b: {  	[tilespmem:$0xBD50] =	vst v0  }
0x2c: {  	[tilespmem:$0xBD60] =	vst v0  }
0x2d: {  	s20 =	simm.s32 $0x200;
	s18 =	simm.s32 $0x0;
	[tilespmem:$0xBD70] =	vst v0  }
.LBB2_2:
0x2e: {  	p0 =	sne.s32 s20, $0xFE00;
	[tilespmem:s18+$0x3D70] =	vst v1  }
0x2f: {  	[tilespmem:s18+$0x3D00] =	vst v1  }
0x30: {  	[tilespmem:s18+$0x3D10] =	vst v1  }
.Ltmp0:
0x31: {  	[tilespmem:s18+$0x3D20] =	vst v1;
	(pc) =	sbr.rel @p0 .LBB2_2-.Ltmp0, $4  }
0x32: {  	[tilespmem:s18+$0x3D30] =	vst v1  }
0x33: {  	[tilespmem:s18+$0x3D40] =	vst v1  }
0x34: {  	[tilespmem:s18+$0x3D50] =	vst v1  }
0x35: {  	[tilespmem:s18+$0x3D60] =	vst v1;
	s18 =	sshra.s32 s20, $0x2;
	s20 =	sadd.s32 $0x200, s20  }
0x36: {  	[tilespmem:s18+$0x3D70] =	vst v1  }
0x37: {  	[tilespmem:s18+$0x3D00] =	vst v1  }
0x38: {  	[tilespmem:s18+$0x3D10] =	vst v1  }
0x39: {  	[tilespmem:s18+$0x3D20] =	vst v1  }
0x3a: {  	[tilespmem:s18+$0x3D30] =	vst v1  }
0x3b: {  	[tilespmem:s18+$0x3D40] =	vst v1  }
0x3c: {  	[tilespmem:s18+$0x3D50] =	vst v1  }
0x3d: {  	[tilespmem:s18+$0x3D60] =	vst v1  }
0x3e: {  	[spmem:s10] =	stream.linear.scatter [tilespmem:s29], [sflag:$0x6], $0x4000, $0x38;
	v63 =	vld [tilespmem:$0x0]  }
0x3f: {  	_ =	swait.ge [sflag:s28], $0x4000  }
0x40: {  	[sflag:s28] =	ssyncset.done $0x0  }
0x41: {  	s22 =	rddreg [dreg:$0x7];
	[sflag:s28] =	ssyncadd.s32 $0xFFFFC000  }
0x42: {  	[spmem:s22] =	stream.linear.scatter [tilespmem:s29], [sflag:$0x6], $0x4000, $0x38;
	v63 =	vld [tilespmem:$0x0]  }
0x43: {  	_ =	swait.ge [sflag:s28], $0x4000  }
0x44: {  	[sflag:s28] =	ssyncset.done $0x0  }
0x45: {  	s23 =	rddreg [dreg:$0x8];
	[sflag:s28] =	ssyncadd.s32 $0xFFFFC000  }
0x46: {  	[spmem:s23] =	stream.linear.scatter [tilespmem:s29], [sflag:$0x6], $0x4000, $0x38;
	v63 =	vld [tilespmem:$0x0]  }
0x47: {  	_ =	swait.ge [sflag:s28], $0x4000  }
0x48: {  	[sflag:s28] =	ssyncset.done $0x0  }
0x49: {  	s24 =	rddreg [dreg:$0x9];
	[sflag:s28] =	ssyncadd.s32 $0xFFFFC000  }
0x4a: {  	[spmem:s24] =	stream.linear.scatter [tilespmem:s29], [sflag:$0x6], $0x4000, $0x38;
	v63 =	vld [tilespmem:$0x0]  }
0x4b: {  	_ =	swait.ge [sflag:s28], $0x4000  }
0x4c: {  	[sflag:s28] =	ssyncset.done $0x0  }
0x4d: {  	s25 =	rddreg [dreg:$0xa];
	[sflag:s28] =	ssyncadd.s32 $0xFFFFC000  }
0x4e: {  	[spmem:s25] =	stream.linear.scatter [tilespmem:s29], [sflag:$0x6], $0x4000, $0x38;
	v63 =	vld [tilespmem:$0x0]  }
0x4f: {  	_ =	swait.ge [sflag:s28], $0x4000  }
0x50: {  	[sflag:s28] =	ssyncset.done $0x0  }
0x51: {  	[sflag:s28] =	ssyncadd.s32 $0xFFFFC000  }
0x52: {  	[spmem:s15] =	stream.linear.scatter [tilespmem:s29], [sflag:$0x6], $0x80, $0x38;
	v63 =	vld [tilespmem:$0x0]  }
0x53: {  	_ =	swait.ge [sflag:s28], $0x80  }
0x54: {  	[sflag:s28] =	ssyncset.done $0x0  }
0x55: {  	s20 =	rddreg [dreg:$0xb];
	[sflag:s28] =	ssyncadd.s32 $0xFFFFFF80  }
0x56: {  	[spmem:s20] =	stream.linear.scatter [tilespmem:s29], [sflag:$0x6], $0x80, $0x38;
	v63 =	vld [tilespmem:$0x0]  }
0x57: {  	_ =	swait.ge [sflag:s28], $0x80  }
0x58: {  	[sflag:s28] =	ssyncset.done $0x0  }
0x59: {  	s21 =	rddreg [dreg:$0xc];
	[sflag:s28] =	ssyncadd.s32 $0xFFFFFF80  }
0x5a: {  	[spmem:s21] =	stream.linear.scatter [tilespmem:s29], [sflag:$0x6], $0x80, $0x38;
	v63 =	vld [tilespmem:$0x0]  }
0x5b: {  	_ =	swait.ge [sflag:s28], $0x80  }
0x5c: {  	[sflag:s28] =	ssyncset.done $0x0  }
0x5d: {  	s22 =	rddreg [dreg:$0xd];
	[sflag:s28] =	ssyncadd.s32 $0xFFFFFF80  }
0x5e: {  	[spmem:s22] =	stream.linear.scatter [tilespmem:s29], [sflag:$0x6], $0x80, $0x38;
	v63 =	vld [tilespmem:$0x0]  }
0x5f: {  	_ =	swait.ge [sflag:s28], $0x80  }
0x60: {  	[sflag:s28] =	ssyncset.done $0x0  }
0x61: {  	s23 =	rddreg [dreg:$0xe];
	[sflag:s28] =	ssyncadd.s32 $0xFFFFFF80  }
0x62: {  	[spmem:s23] =	stream.linear.scatter [tilespmem:s29], [sflag:$0x6], $0x80, $0x38;
	v63 =	vld [tilespmem:$0x0]  }
0x63: {  	_ =	swait.ge [sflag:s28], $0x80  }
0x64: {  	[sflag:s28] =	ssyncset.done $0x0  }
0x65: {  	[sflag:s28] =	ssyncadd.s32 $0xFFFFFF80  }
0x66: {  	[bflag:$0x0] =	sbarrier.arrive $0xFFFF  }
0x67: {  	[tilespmem:s30], [sflag:$0x6] =	stream.linear.gather [hbm4b:s19+s5], $0x80, $0x38;
	v63 =	vld [tilespmem:$0x0]  }
0x68: {  	_ =	swait.ge [sflag:s28], $0x80  }
0x69: {  	[sflag:s28] =	ssyncset.done $0x0  }
0x6a: {  	[sflag:s28] =	ssyncadd.s32 $0xFFFFFF80  }
0x6b: {  	[tilespmem:s29], [sflag:$0x1] =	stream.indirect.gather [hbm4b:s0+s31], $0x80, s30, s31, $0xb8;
	v63 =	vld [tilespmem:$0x0]  }
0x6c: {  	s24 =	rddreg [dreg:$0xf]  }
0x6d: {  	[tilespmem:s2], [sflag:$0x4] =	stream.linear.gather [hbm4b:s24+s5], $0x80, $0x38;
	v63 =	vld [tilespmem:$0x0]  }
0x6e: {  	_ =	swait.ge [sflag:s1], $0x4000  }
0x6f: {  	[sflag:s1] =	ssyncset.done $0x0  }
0x70: {  	[sflag:s1] =	ssyncadd.s32 $0xFFFFC000  }
0x71: {  	_ =	swait.ge [sflag:s9], $0x80  }
0x72: {  	[sflag:s9] =	ssyncset.done $0x0  }
0x73: {  	[sflag:s9] =	ssyncadd.s32 $0xFFFFFF80  }
0x74: {  	[tilespmem:s11], [sflag:$0x2] =	stream.indirect.gather [hbm4b:s0+s31], $0x80, s2, s31, $0xb8;
	v63 =	vld [tilespmem:$0x0]  }
0x75: {  	s25 =	rddreg [dreg:$0x13]  }
0x76: {  	[tilespmem:s30], [sflag:$0x3] =	stream.linear.gather [hbm4b:s25+s5], $0x80, $0x38;
	v63 =	vld [tilespmem:$0x0]  }
0x77: {  	_ = 	snop  }
0x78: {  	[spmem:s3] =	stream.indirect.scatter.add.f32 [tilespmem:s29], [sflag:$0x6], $0x80, s5, s31, $0xb8;
	v63 =	vld [tilespmem:$0x0]  }
0x79: {  	_ =	swait.ge [sflag:s28], $0x4000  }
0x7a: {  	[sflag:s28] =	ssyncset.done $0x0  }
0x7b: {  	[sflag:s28] =	ssyncadd.s32 $0xFFFFC000  }
0x7c: {  	[spmem:s4] =	stream.indirect.scatter.add.f32 [tilespmem:s12], [sflag:$0x5], $0x1, s5, s31, $0xb8;
	v63 =	vld [tilespmem:$0x0]  }
0x7d: {  	_ =	swait.ge [sflag:s13], $0x4000  }
0x7e: {  	[sflag:s13] =	ssyncset.done $0x0  }
0x7f: {  	[sflag:s13] =	ssyncadd.s32 $0xFFFFC000  }
0x80: {  	_ =	swait.ge [sflag:s14], $0x80  }
0x81: {  	[sflag:s14] =	ssyncset.done $0x0  }
0x82: {  	[sflag:s14] =	ssyncadd.s32 $0xFFFFFF80  }
0x83: {  	[tilespmem:s29], [sflag:$0x1] =	stream.indirect.gather [hbm4b:s0+s31], $0x80, s30, s31, $0xb8;
	v63 =	vld [tilespmem:$0x0]  }
0x84: {  	_ = 	snop  }
0x85: {  	[tilespmem:s2], [sflag:$0x4] =	stream.linear.gather [hbm4b:s26+s5], $0x80, $0x38;
	v63 =	vld [tilespmem:$0x0]  }
0x86: {  	_ = 	snop  }
0x87: {  	[spmem:s3] =	stream.indirect.scatter.add.f32 [tilespmem:s11], [sflag:$0x6], $0x80, s31, s31, $0xb8;
	v63 =	vld [tilespmem:$0x0]  }
0x88: {  	_ =	swait.ge [sflag:s28], $0x4000  }
0x89: {  	s18 =	simm.s32 $0x200;
	[sflag:s28] =	ssyncset.done $0x0  }
0x8a: {  	s20 =	simm.s32 $0x5;
	s22 =	simm.s32 $0x180;
	[sflag:s28] =	ssyncadd.s32 $0xFFFFC000  }
0x8b: {  	[spmem:s4] =	stream.indirect.scatter.add.f32 [tilespmem:s12], [sflag:$0x5], $0x1, s31, s31, $0xb8;
	v63 =	vld [tilespmem:$0x0]  }
.LBB2_4:
0x8c: {  	_ =	swait.ge [sflag:s1], $0x4000;
	s21 =	sadd.s32 $0xFFFFFFFF, s20  }
0x8d: {  	[sflag:s1] =	ssyncset.done $0x0;
	p0 =	sge.u32 s21, s8  }
0x8e: {  	[sflag:s1] =	ssyncadd.s32 $0xFFFFC000;
	s21 =	sand.u32 @!p0 $0x7FFFFC00, s18  }
0x8f: {  	s23 =	sand.u32 @!p0 $0x300, s18;
	_ =	swait.ge [sflag:s9], $0x80;
	s21 =	sadd.s32 @!p0 s7, s21  }
0x90: {  	[sflag:s9] =	ssyncset.done $0x0;
	s21 =	sor.u32 @!p0 s23, s21  }
0x91: {  	[sflag:s9] =	ssyncadd.s32 $0xFFFFFF80;
	s21 =	sshrl.u32 @!p0 s21, $0x3  }
0x92: {  	[tilespmem:s11], [sflag:$0x2] =	stream.indirect.gather [hbm4b:s0+s31], $0x80, s2, s31, $0xb8;
	v63 =	vld [tilespmem:$0x0]  }
0x93: {  	s24 =	simm.s32 @!p0 $0x3C00;
	s23 =	simm.s32 @!p0 $0x0;
	s21 =	sadd.s32 @!p0 s6, s21  }
0x94: {  	[tilespmem:s24], [sflag:$0x3] =	stream.linear.gather @!p0 [hbm4b:s21+s23], $0x80, $0x38;
	v63 =	vld [tilespmem:$0x0]  }
0x95: {  	_ =	swait.ge [sflag:s16], $0x80  }
0x96: {  	[sflag:s16] =	ssyncset.done $0x0  }
0x97: {  	[sflag:s16] =	ssyncadd.s32 $0xFFFFFF80  }
0x98: {  	_ =	swait.ge [sflag:s16], $0x80  }
0x99: {  	[sflag:s16] =	ssyncset.done $0x0  }
0x9a: {  	s23 =	sadd.s32 $0xFFFFFF80, s22;
	[sflag:s16] =	ssyncadd.s32 $0xFFFFFF80  }
0x9b: {  	[spmem:s3] =	stream.indirect.scatter.add.f32 [tilespmem:s29], [sflag:$0x6], $0x80, s23, s31, $0xb8;
	v63 =	vld [tilespmem:$0x0]  }
0x9c: {  	_ =	swait.ge [sflag:s28], $0x4000  }
0x9d: {  	[sflag:s28] =	ssyncset.done $0x0  }
0x9e: {  	[sflag:s28] =	ssyncadd.s32 $0xFFFFC000  }
0x9f: {  	[spmem:s4] =	stream.indirect.scatter.add.f32 [tilespmem:s12], [sflag:$0x5], $0x1, s23, s31, $0xb8;
	v63 =	vld [tilespmem:$0x0]  }
0xa0: {  	_ =	swait.ge [sflag:s13], $0x4000  }
0xa1: {  	[sflag:s13] =	ssyncset.done $0x0  }
0xa2: {  	s21 =	smov.u32 s22;
	s22 =	simm.s32 @!p0 $0x3;
	[sflag:s13] =	ssyncadd.s32 $0xFFFFC000  }
0xa3: {  	_ =	swait.ge @!p0 [sflag:s22], $0x80  }
0xa4: {  	p1 =	sge.u32 @!p0 s20, s8;
	[sflag:s22] =	ssyncset.done @!p0 $0x0  }
0xa5: {  	s23 =	simm.s32 @!p0 $0x3D00;
	[sflag:s22] =	ssyncadd.s32 @!p0 $0xFFFFFF80;
	s22 =	simm.s32 @!p0 $0x80  }
0xa6: {  	[tilespmem:s23], [sflag:$0x1] =	stream.indirect.gather @!p0 [hbm4b:s0+s22], $0x80, s24, s22, $0xb8;
	v63 =	vld [tilespmem:$0x0]  }
0xa7: {  	p0 =	por p1, p0  }
0xa8: {  	s22 =	sadd.s32 @!p0 $0x80, s18  }
0xa9: {  	s23 =	sand.u32 @!p0 $0x7FFFFC00, s22  }
0xaa: {  	s22 =	sand.u32 @!p0 $0x380, s22;
	s23 =	sadd.s32 @!p0 s7, s23  }
0xab: {  	s22 =	sor.u32 @!p0 s22, s23  }
0xac: {  	s22 =	sshrl.u32 @!p0 s22, $0x3  }
0xad: {  	s24 =	simm.s32 @!p0 $0x3C80;
	s23 =	simm.s32 @!p0 $0x0;
	s22 =	sadd.s32 @!p0 s6, s22  }
0xae: {  	[tilespmem:s24], [sflag:$0x4] =	stream.linear.gather @!p0 [hbm4b:s22+s23], $0x80, $0x38;
	v63 =	vld [tilespmem:$0x0]  }
0xaf: {  	_ = 	snop  }
0xb0: {  	[spmem:s3] =	stream.indirect.scatter.add.f32 [tilespmem:s11], [sflag:$0x6], $0x80, s21, s31, $0xb8;
	v63 =	vld [tilespmem:$0x0]  }
0xb1: {  	_ =	swait.ge [sflag:s28], $0x4000  }
0xb2: {  	s18 =	sadd.s32 $0x100, s18;
	s25 =	rddreg [dreg:$0x5]  }
0xb3: {  	p0 =	sne.s32 s25, s18  }
.Ltmp1:
0xb4: {  	_ = 	snop;
	(pc) =	sbr.rel @p0 .LBB2_4-.Ltmp1, $4  }
0xb5: {  	_ = 	snop  }
0xb6: {  	[sflag:s28] =	ssyncset.done $0x0  }
0xb7: {  	s20 =	sadd.s32 $0x2, s20;
	s22 =	sadd.s32 $0x100, s21;
	[sflag:s28] =	ssyncadd.s32 $0xFFFFC000  }
0xb8: {  	[spmem:s4] =	stream.indirect.scatter.add.f32 [tilespmem:s12], [sflag:$0x5], $0x1, s21, s31, $0xb8;
	v63 =	vld [tilespmem:$0x0]  }
0xb9: {  	_ =	swait.ge [sflag:s1], $0x4000;
	s23 =	sadd.s32 $0xFFFFFFFF, s20  }
0xba: {  	[sflag:s1] =	ssyncset.done $0x0;
	p0 =	sge.u32 s23, s8  }
0xbb: {  	[sflag:s1] =	ssyncadd.s32 $0xFFFFC000;
	s23 =	sand.u32 @!p0 $0x7FFFFC00, s18  }
0xbc: {  	s24 =	sand.u32 @!p0 $0x300, s18;
	_ =	swait.ge [sflag:s9], $0x80;
	s23 =	sadd.s32 @!p0 s7, s23  }
0xbd: {  	[sflag:s9] =	ssyncset.done $0x0;
	s23 =	sor.u32 @!p0 s24, s23  }
0xbe: {  	[sflag:s9] =	ssyncadd.s32 $0xFFFFFF80;
	s23 =	sshrl.u32 @!p0 s23, $0x3  }
0xbf: {  	[tilespmem:s11], [sflag:$0x2] =	stream.indirect.gather [hbm4b:s0+s31], $0x80, s2, s31, $0xb8;
	v63 =	vld [tilespmem:$0x0]  }
0xc0: {  	s25 =	simm.s32 @!p0 $0x3C00;
	s24 =	simm.s32 @!p0 $0x0;
	s23 =	sadd.s32 @!p0 s6, s23  }
0xc1: {  	[tilespmem:s25], [sflag:$0x3] =	stream.linear.gather @!p0 [hbm4b:s23+s24], $0x80, $0x38;
	v63 =	vld [tilespmem:$0x0]  }
0xc2: {  	_ =	swait.ge [sflag:s16], $0x80  }
0xc3: {  	[sflag:s16] =	ssyncset.done $0x0  }
0xc4: {  	[sflag:s16] =	ssyncadd.s32 $0xFFFFFF80  }
0xc5: {  	_ =	swait.ge [sflag:s16], $0x80  }
0xc6: {  	[sflag:s16] =	ssyncset.done $0x0  }
0xc7: {  	s21 =	sadd.s32 $0x80, s21;
	[sflag:s16] =	ssyncadd.s32 $0xFFFFFF80  }
0xc8: {  	[spmem:s3] =	stream.indirect.scatter.add.f32 [tilespmem:s29], [sflag:$0x6], $0x80, s21, s31, $0xb8;
	v63 =	vld [tilespmem:$0x0]  }
0xc9: {  	_ =	swait.ge [sflag:s28], $0x4000  }
0xca: {  	[sflag:s28] =	ssyncset.done $0x0  }
0xcb: {  	[sflag:s28] =	ssyncadd.s32 $0xFFFFC000  }
0xcc: {  	[spmem:s4] =	stream.indirect.scatter.add.f32 [tilespmem:s12], [sflag:$0x5], $0x1, s21, s31, $0xb8;
	v63 =	vld [tilespmem:$0x0]  }
0xcd: {  	_ =	swait.ge [sflag:s13], $0x4000  }
0xce: {  	[sflag:s13] =	ssyncset.done $0x0  }
0xcf: {  	s21 =	simm.s32 @!p0 $0x3;
	[sflag:s13] =	ssyncadd.s32 $0xFFFFC000  }
0xd0: {  	_ =	swait.ge @!p0 [sflag:s21], $0x80  }
0xd1: {  	p1 =	sge.u32 @!p0 s20, s8;
	[sflag:s21] =	ssyncset.done @!p0 $0x0  }
0xd2: {  	s23 =	simm.s32 @!p0 $0x3D00;
	[sflag:s21] =	ssyncadd.s32 @!p0 $0xFFFFFF80;
	s21 =	simm.s32 @!p0 $0x80  }
0xd3: {  	[tilespmem:s23], [sflag:$0x1] =	stream.indirect.gather @!p0 [hbm4b:s0+s21], $0x80, s25, s21, $0xb8;
	v63 =	vld [tilespmem:$0x0]  }
0xd4: {  	p0 =	por p1, p0  }
0xd5: {  	s18 =	sadd.s32 @!p0 $0x80, s18  }
0xd6: {  	s20 =	sand.u32 @!p0 $0x7FFFFC00, s18  }
0xd7: {  	s18 =	sand.u32 @!p0 $0x380, s18;
	s20 =	sadd.s32 @!p0 s7, s20  }
0xd8: {  	s18 =	sor.u32 @!p0 s18, s20  }
0xd9: {  	s18 =	sshrl.u32 @!p0 s18, $0x3  }
0xda: {  	s21 =	simm.s32 @!p0 $0x3C80;
	s20 =	simm.s32 @!p0 $0x0;
	s18 =	sadd.s32 @!p0 s6, s18  }
0xdb: {  	[tilespmem:s21], [sflag:$0x4] =	stream.linear.gather @!p0 [hbm4b:s18+s20], $0x80, $0x38;
	v63 =	vld [tilespmem:$0x0]  }
0xdc: {  	_ = 	snop  }
0xdd: {  	[spmem:s3] =	stream.indirect.scatter.add.f32 [tilespmem:s11], [sflag:$0x6], $0x80, s22, s31, $0xb8;
	v63 =	vld [tilespmem:$0x0]  }
0xde: {  	_ =	swait.ge [sflag:s28], $0x4000  }
0xdf: {  	[sflag:s28] =	ssyncset.done $0x0  }
0xe0: {  	[sflag:s28] =	ssyncadd.s32 $0xFFFFC000  }
0xe1: {  	[spmem:s4] =	stream.indirect.scatter.add.f32 [tilespmem:s12], [sflag:$0x5], $0x1, s22, s31, $0xb8;
	v63 =	vld [tilespmem:$0x0]  }
0xe2: {  	_ =	swait.ge [sflag:s16], $0x80  }
0xe3: {  	[sflag:s16] =	ssyncset.done $0x0  }
0xe4: {  	[sflag:s16] =	ssyncadd.s32 $0xFFFFFF80  }
0xe5: {  	_ =	swait.ge [sflag:s16], $0x80  }
0xe6: {  	[sflag:s16] =	ssyncset.done $0x0  }
0xe7: {  	s23 =	stileid.u32;
	[sflag:s16] =	ssyncadd.s32 $0xFFFFFF80  }
0xe8: {  	s18 =	sshll.u32 s23, $0x6;
	[bflag:$0x0] =	sbarrier.arrive $0xFFFF  }
0xe9: {  	s24 =	sshrl.u32 s10, $0x3;
	s18 =	sor.u32 $0x1C06, s18;
	s25 =	rddreg [dreg:$0x10]  }
0xea: {  	[hbm:s25], [sflag:s18] =	dma.local [spmem:s24], $0x2800  }
0xeb: {  	_ =	swait.ge [sflag:s28], $0x2800  }
0xec: {  	s21 =	sshrl.u32 s15, $0x3;
	s23 =	simm.s32 $0x20;
	[sflag:s28] =	ssyncset.done $0x0  }
0xed: {  	s24 =	simm.s32 $0x10;
	s22 =	rddreg [dreg:$0x11];
	[sflag:s28] =	ssyncadd.s32 $0xFFFFD800  }
0xee: {  	[hbm:s22@s23], [sflag:s18] =	dma.strided [spmem:s21@s24], $0x50, s1, $0x10   }
0xef: {  	_ =	swait.ge [sflag:s28], $0x50  }
0xf0: {  	s17 =	sadd.s32 $0x1, s17;
	s25 =	rddreg [dreg:$0x12]  }
0xf1: {  	p0 =	sne.s32 s17, s25  }
.Ltmp2:
0xf2: {  	_ = 	snop;
	(pc) =	sbr.rel @p0 .LBB2_1-.Ltmp2, $3  }
0xf3: {  	_ =	sdelay $0x1  }
0xf4: {  	[sflag:s28] =	ssyncset.done $0x0  }
0xf5: {  	[sflag:s28] =	ssyncadd.s32 $0xFFFFFFB0  }
0xf6: {  	_ =	sfence.sel $0x180000  }
0xf7: {  	[bflag:$0x0] =	sbarrier.arrive $0xFFFF  }
0xf8: {  	_ =	strace $0x90000047  }
0xf9: {  	s0 =	stileid.u32;
	[bflag:$0x2] =	sbarrier.arrive $0xFFFF  }
0xfa: {  	p0 =	sne.s32 s0, $0x0;
	s0 =	rddreg [dreg:$0x4]  }
0xfb: {  	s0 =	sadd.s32 @!p0 $0x100000, s0  }
0xfc: {  	[sflag:s0] =	ssyncadd.tile.s32 @!p0 $0x1;
	_ =	shalt  }
.Lfunc_end2:
_tile_overlayer_lowered:
.L_overlay_start_2:
0xfd: {  	(tag) =	ssettag $0x2  }
0xfe: {  	s0 =	rddreg [dreg:$0x0];
	s2 =	stileid.u32  }
0xff: {  	s1 =	rddreg [dreg:$0x1];
	p0 =	sne.s32 s2, $0x0  }
0x100: {  	s3 =	rddreg [dreg:$0x2];
	[bflag:$0x3] =	sbarrier.arrive $0xFFFF;
	s2 =	simm.s32 @!p0 $0x1C06  }
0x101: {  	[timem:s3], [sflag:s2] =	dma.local @!p0 [hbm:s0], s1  }
0x102: {  	s0 =	simm.s32 @!p0 $0x6  }
0x103: {  	_ =	swait.ge @!p0 [sflag:s0], s1  }
0x104: {  	s1 =	ssub.s32 @!p0 $0x0, s1;
	[sflag:s0] =	ssyncset.done @!p0 $0x0  }
0x105: {  	[sflag:s0] =	ssyncadd.s32 @!p0 s1  }
0x106: {  	[bflag:$0x3] =	sbarrier.arrive $0xFFFF  }
0x107: {  	_ =	shalt  }

// kernel: kernel.9.cloned.1.call-start
scs
__scs_entry_jumppad:
0x0: {  	(pc) =	sbr.rel $0x88, $3  }
0x1: {  	(tag) =	ssettag $0x0;
	lr =	simm.s32 $0x1  }
0x2: {  	[smem:$0x3F98] =	sst lr;
	_ =	strace $0xD0000000  }
0x3: {  	_ = 	snop  }
0x4: {  	_ = 	snop  }
0x5: {  	_ = 	snop  }
0x6: {  	_ = 	snop  }
0x7: {  	_ = 	snop  }
__scs_overlays_trampoline_lowered:
0x8: {  	[smem:$0x3FA7] =	sst s0  }
0x9: {  	[smem:$0x3FA8] =	sst s1  }
0xa: {  	[smem:$0x3FA9] =	sst s2  }
0xb: {  	[smem:$0x3FAA] =	sst s3  }
0xc: {  	[smem:$0x3FAB] =	sst s4  }
0xd: {  	[smem:$0x3FAC] =	sst s5  }
0xe: {  	[smem:$0x3FAD] =	sst s6  }
0xf: {  	[smem:$0x3FAE] =	sst s7  }
0x10: {  	[smem:$0x3FAF] =	sst s8  }
0x11: {  	[smem:$0x3FB0] =	sst s9;
	s0 =	simm.s32 @!p0 $0x0  }
0x12: {  	s1 =	sld [smem:$0x3F96];
	s0 =	simm.s32 @p0 $0x1  }
0x13: {  	[smem:$0x3FB1] =	sst s0;
	s0 =	simm.s32 @!p1 $0x0  }
0x14: {  	s2 =	sld [smem:$0x3F95];
	s0 =	simm.s32 @p1 $0x1  }
0x15: {  	[smem:$0x3FB2] =	sst s0;
	s0 =	simm.s32 @!p2 $0x0  }
0x16: {  	s3 =	sld [smem:$0x3FDB];
	s0 =	simm.s32 @p2 $0x1  }
0x17: {  	s4 =	simm.s32 $0x1BF5;
	[smem:$0x3FB4] =	sst s0  }
0x18: {  	s0 =	sld [smem:$0x3F97];
	_ =	swait.ge [sflag:s4], $0x0  }
0x19: {  	s7 =	sld [smem:$0x3F98]  }
0x1a: {  	s8 =	sadd.s32 $0xFFFFE003, lr  }
0x1b: {  	s9 =	sadd.s32 $0xFFFFFEF7, lr;
	s5 =	simm.s32 $0xFFFFFFFF;
	p2 =	slt.u32 s8, $0xFFFFF086  }
0x1c: {  	p1 =	slt.u32 s9, $0xF7A;
	s5 =	simm.s32 @!p2 $0x0  }
0x1d: {  	s5 =	simm.s32 @p1 $0x1;
	p0 =	seq.s32 s7, s2  }
0x1e: {  	s7 =	smul.u32 @!p0 $0xF7A, s2;
	p2 =	seq.s32 @!p0 s5, $0x0  }
0x1f: {  	s9 =	smul.u32 $0xF7A, s1;
	s8 =	simm.s32 @!p0 $0x1BF5;
	p2 =	por !p2, p0  }
0x20: {  	[sflag:s8] =	ssyncset.s32 @!p0 $0xFFFFF086;
	s6 =	sadd.s32 @!p0 s3, s7;
	s7 =	simm.s32 @!p0 $0x108  }
0x21: {  	s3 =	sadd.s32 s3, s9;
	s6 =	sadd.s32 @!p0 $0x88, s6;
	s7 =	simm.s32 @p2 $0x1082  }
0x22: {  	[simem:s7], [sflag:s8] =	dma.local @!p0 [hbm:s6], $0xF7A  }
0x23: {  	s9 =	sor.u32 $0xD0000000, s2;
	s6 =	simm.s32 $0x108;
	_ =	swait.ge @!p0 [sflag:s8], $0x0  }
0x24: {  	s3 =	sadd.s32 $0x88, s3;
	s6 =	simm.s32 @!p1 $0x1082;
	[sflag:s4] =	ssyncset.s32 $0xFFFFF086  }
0x25: {  	[simem:s6], [sflag:s4] =	dma.local [hbm:s3], $0xF7A  }
0x26: {  	[smem:$0x3F98] =	sst s1;
	(tag) =	ssettag s2;
	_ =	strace s9  }
0x27: {  	s1 =	sld [smem:$0x3FA8]  }
0x28: {  	s2 =	sld [smem:$0x3FA9]  }
0x29: {  	s4 =	sld [smem:$0x3FAB]  }
0x2a: {  	p0 =	seq.s32 s5, $0x0;
	s5 =	sld [smem:$0x3FAC]  }
0x2b: {  	s6 =	sld [smem:$0x3FAD]  }
0x2c: {  	s7 =	sld [smem:$0x3FAE]  }
0x2d: {  	s3 =	simm.s32 $0x108;
	s8 =	sld [smem:$0x3FAF]  }
0x2e: {  	s3 =	simm.s32 @!p0 $0x1082;
	s9 =	sld [smem:$0x3FB0]  }
0x2f: {  	lr =	sadd.s32 s0, s3;
	s0 =	sld [smem:$0x3FA7]  }
0x30: {  	s3 =	sld [smem:$0x3FAA]  }
0x31: {  	[smem:$0x3FB3] =	sst s10  }
0x32: {  	s10 =	sld [smem:$0x3FB1];
	_ =	sdelay $0x3  }
0x33: {  	p0 =	seq.s32 s10, $0x1;
	s10 =	sld [smem:$0x3FB3];
	_ =	sdelay $0x3  }
0x34: {  	[smem:$0x3FB3] =	sst s10  }
0x35: {  	s10 =	sld [smem:$0x3FB2];
	_ =	sdelay $0x3  }
0x36: {  	p1 =	seq.s32 s10, $0x1;
	s10 =	sld [smem:$0x3FB3];
	_ =	sdelay $0x3  }
0x37: {  	[smem:$0x3FB3] =	sst s10  }
0x38: {  	s10 =	sld [smem:$0x3FB4]  }
0x39: {  	_ = 	snop;
	(pc) =	sbr.ind lr, $3  }
0x3a: {  	_ = 	snop  }
0x3b: {  	_ = 	snop  }
0x3c: {  	p2 =	seq.s32 s10, $0x1;
	s10 =	sld [smem:$0x3FB3]  }
0x3d: {  	_ =	shalt  }
0x3e: {  	_ =	shalt  }
0x3f: {  	_ =	shalt  }
0x40: {  	_ =	shalt  }
0x41: {  	_ =	shalt  }
0x42: {  	_ =	shalt  }
0x43: {  	_ =	shalt  }
0x44: {  	_ =	shalt  }
0x45: {  	_ =	shalt  }
0x46: {  	_ =	shalt  }
0x47: {  	_ =	shalt  }
0x48: {  	_ =	shalt  }
0x49: {  	_ =	shalt  }
0x4a: {  	_ =	shalt  }
0x4b: {  	_ =	shalt  }
0x4c: {  	_ =	shalt  }
0x4d: {  	_ =	shalt  }
0x4e: {  	_ =	shalt  }
0x4f: {  	_ =	shalt  }
0x50: {  	_ =	shalt  }
0x51: {  	_ =	shalt  }
0x52: {  	_ =	shalt  }
0x53: {  	_ =	shalt  }
0x54: {  	_ =	shalt  }
0x55: {  	_ =	shalt  }
0x56: {  	_ =	shalt  }
0x57: {  	_ =	shalt  }
0x58: {  	_ =	shalt  }
0x59: {  	_ =	shalt  }
0x5a: {  	_ =	shalt  }
0x5b: {  	_ =	shalt  }
0x5c: {  	_ =	shalt  }
0x5d: {  	_ =	shalt  }
0x5e: {  	_ =	shalt  }
0x5f: {  	_ =	shalt  }
0x60: {  	_ =	shalt  }
0x61: {  	_ =	shalt  }
0x62: {  	_ =	shalt  }
0x63: {  	_ =	shalt  }
0x64: {  	_ =	shalt  }
0x65: {  	_ =	shalt  }
0x66: {  	_ =	shalt  }
0x67: {  	_ =	shalt  }
0x68: {  	_ =	shalt  }
0x69: {  	_ =	shalt  }
0x6a: {  	_ =	shalt  }
0x6b: {  	_ =	shalt  }
0x6c: {  	_ =	shalt  }
0x6d: {  	_ =	shalt  }
0x6e: {  	_ =	shalt  }
0x6f: {  	_ =	shalt  }
0x70: {  	_ =	shalt  }
0x71: {  	_ =	shalt  }
0x72: {  	_ =	shalt  }
0x73: {  	_ =	shalt  }
0x74: {  	_ =	shalt  }
0x75: {  	_ =	shalt  }
0x76: {  	_ =	shalt  }
0x77: {  	_ =	shalt  }
0x78: {  	_ =	shalt  }
0x79: {  	_ =	shalt  }
0x7a: {  	_ =	shalt  }
0x7b: {  	_ =	shalt  }
0x7c: {  	_ =	shalt  }
0x7d: {  	_ =	shalt  }
0x7e: {  	_ =	shalt  }
0x7f: {  	_ =	shalt  }
0x80: {  	_ =	shalt  }
0x81: {  	_ =	shalt  }
0x82: {  	_ =	shalt  }
0x83: {  	_ =	shalt  }
0x84: {  	_ =	shalt  }
0x85: {  	_ =	shalt  }
0x86: {  	_ =	shalt  }
0x87: {  	_ =	shalt  }
.Lfunc_end0:
.L_simem_size_0:
called_computation.1_lowered:
.L_overlay_start_0:
0x88: {  	s2 =	sld [smem:$0x3FD9]  }
0x89: {  	s3 =	sld [smem:$0x3FFE];
	_ =	sdelay $0x1  }
0x8a: {  	s1 =	srdreg.scid  }
0x8b: {  	s0 =	sand.u32 $0x1, s1  }
0x8c: {  	s16 =	sshll.u32 s0, $0xA;
	s2 =	sadd.s32 s3, s2  }
0x8d: {  	s2 =	sadd.s32 s2, s16  }
0x8e: {  	[smem:$0x3FBF] =	sst s2  }
0x8f: {  	_ = 	snop  }
0x90: {  	(tm) =	ssettm $0x1  }
0x91: {  	s17 =	sld [smem:$0x3FFB];
	_ =	sdelay $0x3  }
0x92: {  	_ =	strace s17  }
0x93: {  	s2 =	sld [smem:$0x3FFC];
	_ =	sdelay $0x3  }
0x94: {  	_ =	strace s2  }
0x95: {  	s2 =	sld [smem:$0x3FFD];
	_ =	sdelay $0x3  }
0x96: {  	_ =	strace s2  }
0x97: {  	_ =	strace $0x8FFFFFFF  }
0x98: {  	s18 =	sld [smem:$0x3FDB];
	_ =	sdelay $0x1  }
0x99: {  	s19 =	simm.s32 $_scs_section_size  }
0x9a: {  	s4 =	simm.s32 $_size__tile_overlayer_lowered;
	s5 =	simm.s32 $_tile_overlayer_lowered  }
0x9b: {  	s22 =	simm.s32 $0x1BFF;
	s21 =	sshll.u32 s5, $0x1;
	s2 =	sadd.s32 s19, s18  }
0x9c: {  	s6 =	simm.s32 $0x0;
	s20 =	sshll.u32 s4, $0x1;
	s4 =	sadd.s32 s21, s2  }
0x9d: {  	[timem:s6], [sflag:s22] =	dma.local [hbm:s4], s20  }
0x9e: {  	_ =	swait.ge [sflag:s22], s20  }
0x9f: {  	s3 =	ssub.s32 $0x0, s20;
	[sflag:s22] =	ssyncset.done $0x0  }
0xa0: {  	[sflag:s22] =	ssyncadd.s32 s3;
	_ =	sdelay $0x1  }
0xa1: {  	s23 =	simm.s32 $0x1B8B  }
0xa2: {  	_ =	swait.ge [sflag:s23], $0x1  }
0xa3: {  	[sflag:s23] =	ssyncset.done $0x0  }
0xa4: {  	s25 =	simm.s32 $0x1B8E;
	s24 =	sld [smem:$0x3FFE];
	[sflag:s23] =	ssyncadd.s32 $0xFFFFFFFF  }
0xa5: {  	s26 =	simm.s32 $execute0_lowered;
	[smem:$0x3FD2] =	sst s25  }
0xa6: {  	s4 =	sshll.u32 s26, $0x1;
	_ =	strace $0x80000049;
	[dreg:$0x1] =	wrdreg $0xFFFFFFFF  }
0xa7: {  	s28 =	simm.s32 $_size_execute0_lowered;
	s2 =	sadd.s32 s2, s4;
	[dreg:$0x0] =	wrdreg $0x0  }
0xa8: {  	s4 =	sshll.u32 s28, $0x1;
	[dreg:$0x2] =	wrdreg s2  }
0xa9: {  	[dreg:$0x3] =	wrdreg s4  }
0xaa: {  	[dreg:$0x4] =	wrdreg $0xC0  }
0xab: {  	_ =	task [dreg:s6], $0x5FFFF  }
0xac: {  	[dreg:$0x1] =	wrdreg $0xFFFFFFFF  }
0xad: {  	[dreg:$0x0] =	wrdreg $0x60  }
0xae: {  	[dreg:$0x2] =	wrdreg s24  }
0xaf: {  	[dreg:$0x3] =	wrdreg $0xBD000  }
0xb0: {  	[dreg:$0x4] =	wrdreg $0x9  }
0xb1: {  	_ =	task.clear_ibuf [dreg:s6], $0x5FFFF;
	_ =	strace $0x90000049  }
0xb2: {  	s29 =	simm.s32 $0x9;
	_ =	strace $0x8000004B  }
0xb3: {  	_ =	swait.ge [sflag:s29], $0x1  }
0xb4: {  	[sflag:s29] =	ssyncadd.s32 $0xFFFFFFFF  }
0xb5: {  	_ =	strace $0x9000004B  }
0xb6: {  	_ =	sfence  }
0xb7: {  	s30 =	sld [smem:$0x0];
	_ =	sdelay $0x2  }
0xb8: {  	s31 =	sshll.u32 s1, $0xD;
	s1 =	sshrl.u32 s1, $0x2  }
0xb9: {  	s3 =	sand.u32 $0x4000, s31;
	s1 =	sadd.s32 s1, s30  }
0xba: {  	s0 =	sor.u32 s3, s0;
	s1 =	sshll.u32 s1, $0x11  }
0xbb: {  	s0 =	sor.u32 s1, s0  }
0xbc: {  	s0 =	sadd.s32 $0x8F2B, s0  }
0xbd: {  	[sflag:s0] =	ssyncadd.remote.s32 $0x1  }
0xbe: {  	_ =	sfence.sel $0xFFFF  }
0xbf: {  	[dreg:$0x0] =	wrdreg $0xFFFFFFFF;
	(pc) =	sbr.abs _section_cstart, $3  }
0xc0: {  	[dreg:$0x1] =	wrdreg $0xFFFFFFFF  }
0xc1: {  	_ =	task.clear_ibuf [dreg:s6], $0x2FFFF;
	_ =	strace $0x9FFFFFFF  }
0xc2: {  	(tm) =	ssettm $0x7FFFFFFF  }
0xc3: {  	_ =	shalt  }
tec
execute0_lowered:
.L_overlay_start_1:
0x0: {  	(tag) =	ssettag $0x1  }
0x1: {  	s0 =	srdreg.scid;
	s7 =	rddreg [dreg:$0x0]  }
0x2: {  	s28 =	stileid.u32;
	s2 =	rddreg [dreg:$0x1];
	s1 =	simm.s32 $0x0  }
0x3: {  	s19 =	simm.s32 $0x3D00;
	s20 =	simm.s32 $0x3C00;
	s21 =	simm.s32 $0x80  }
0x4: {  	s22 =	simm.s32 $0x3C80;
	s23 =	simm.s32 $0x1;
	s6 =	smul.u32 $0x3C00, s28  }
0x5: {  	s24 =	simm.s32 $0x4;
	s25 =	simm.s32 $0x7D00;
	s10 =	smul.u32 $0x14000, s28  }
0x6: {  	s26 =	simm.s32 $0x0;
	s8 =	sand.u32 $0x1, s0;
	s11 =	smul.u32 $0x50000, s28  }
0x7: {  	[smem:$0x7FF] =	sst s1;
	s4 =	sadd.s32 $0x3000, s7;
	s5 =	smul.u32 $0x3C000, s8  }
0x8: {  	s9 =	smul.u32 $0x140000, s8;
	_ =	strace $0x8000004A;
	s29 =	ssub.s32 $0x2, s8  }
0x9: {  	p0 =	seq.s32 s8, $0x0;
	s30 =	sshrl.u32 s29, $0x1;
	s31 =	sshrl.u32 s11, $0x2  }
0xa: {  	s5 =	sadd.s32 s6, s5;
	s6 =	sadd.s32 $0x71A00, s7;
	s9 =	sadd.s32 s10, s9  }
0xb: {  	s17 =	ssub.s32 s29, s30;
	s8 =	sadd.s32 s31, s2;
	s13 =	sshrl.u32 s5, $0x3  }
0xc: {  	s9 =	sshrl.u32 s9, $0x3;
	s10 =	sadd.s32 $0x4000, s8;
	s11 =	sadd.s32 $0x8000, s8  }
0xd: {  	s12 =	sadd.s32 s13, s7;
	s16 =	sadd.s32 s9, s7;
	s7 =	simm.s32 $0x76  }
0xe: {  	s14 =	sadd.s32 $0x10000, s8;
	s17 =	smax.u32 s17, $0x1;
	s7 =	simm.s32 @!p0 $0x28  }
0xf: {  	s13 =	sadd.s32 s6, s13;
	s9 =	sadd.s32 $0x80A00, s12;
	s18 =	sshll.u32 s7, $0x9  }
0x10: {  	s12 =	sadd.s32 $0xC000, s8;
	s15 =	sadd.s32 $0x10, s13;
	s18 =	sadd.s32 $0xFFFFFC00, s18  }
0x11: {  	v0 =	vimm.f32 $0.0e+00;
	s16 =	sadd.s32 $0xDFA00, s16;
	[dreg:$0x3] =	wrdreg s18;
	s18 =	simm.s32 $0x5  }
.LBB2_1:
0x12: {  	s0 =	simm.s32 $0x0  }
0x13: {  	[tilespmem:s0], [sflag:$0x5] =	stream.linear.gather [hbm4b:s9+s0], $0x3B00, $0x38;
	[tilespmem:$0x1FD00] =	vst v63  }
0x14: {  	_ =	swait.ge [sflag:s18], $0x3B00  }
0x15: {  	[sflag:s18] =	ssyncset.done $0x0  }
0x16: {  	s28 =	simm.s32 $0x0;
	s29 =	simm.s32 $0x200;
	[sflag:s18] =	ssyncadd.s32 $0xFFFFC500  }
.LBB2_2:
0x17: {  	p0 =	sne.s32 s29, $0xFE00;
	[tilespmem:s28+$0x3D70] =	vst v0  }
0x18: {  	[tilespmem:s28+$0x3D00] =	vst v0  }
0x19: {  	[tilespmem:s28+$0x3D10] =	vst v0  }
.Ltmp0:
0x1a: {  	[tilespmem:s28+$0x3D20] =	vst v0;
	(pc) =	sbr.rel @p0 .LBB2_2-.Ltmp0, $4  }
0x1b: {  	[tilespmem:s28+$0x3D30] =	vst v0  }
0x1c: {  	[tilespmem:s28+$0x3D40] =	vst v0  }
0x1d: {  	[tilespmem:s28+$0x3D50] =	vst v0  }
0x1e: {  	[tilespmem:s28+$0x3D60] =	vst v0;
	s28 =	sshra.s32 s29, $0x2;
	s29 =	sadd.s32 $0x200, s29  }
0x1f: {  	[tilespmem:s28+$0x3D70] =	vst v0  }
0x20: {  	[tilespmem:s28+$0x3D00] =	vst v0  }
0x21: {  	[tilespmem:s28+$0x3D10] =	vst v0  }
0x22: {  	[tilespmem:s28+$0x3D20] =	vst v0  }
0x23: {  	[tilespmem:s28+$0x3D30] =	vst v0  }
0x24: {  	[tilespmem:s28+$0x3D40] =	vst v0  }
0x25: {  	[tilespmem:s28+$0x3D50] =	vst v0  }
0x26: {  	[tilespmem:s28+$0x3D60] =	vst v0  }
0x27: {  	[spmem:s8] =	stream.linear.scatter [tilespmem:s19], [sflag:$0x5], $0x4000, $0x38;
	[tilespmem:$0x1FD00] =	vst v63  }
0x28: {  	_ =	swait.ge [sflag:s18], $0x4000  }
0x29: {  	[sflag:s18] =	ssyncset.done $0x0  }
0x2a: {  	[sflag:s18] =	ssyncadd.s32 $0xFFFFC000  }
0x2b: {  	[spmem:s10] =	stream.linear.scatter [tilespmem:s19], [sflag:$0x5], $0x4000, $0x38;
	[tilespmem:$0x1FD00] =	vst v63  }
0x2c: {  	_ =	swait.ge [sflag:s18], $0x4000  }
0x2d: {  	[sflag:s18] =	ssyncset.done $0x0  }
0x2e: {  	[sflag:s18] =	ssyncadd.s32 $0xFFFFC000  }
0x2f: {  	[spmem:s11] =	stream.linear.scatter [tilespmem:s19], [sflag:$0x5], $0x4000, $0x38;
	[tilespmem:$0x1FD00] =	vst v63  }
0x30: {  	_ =	swait.ge [sflag:s18], $0x4000  }
0x31: {  	[sflag:s18] =	ssyncset.done $0x0  }
0x32: {  	[sflag:s18] =	ssyncadd.s32 $0xFFFFC000  }
0x33: {  	[spmem:s12] =	stream.linear.scatter [tilespmem:s19], [sflag:$0x5], $0x4000, $0x38;
	[tilespmem:$0x1FD00] =	vst v63  }
0x34: {  	_ =	swait.ge [sflag:s18], $0x4000  }
0x35: {  	[sflag:s18] =	ssyncset.done $0x0  }
0x36: {  	[sflag:s18] =	ssyncadd.s32 $0xFFFFC000  }
0x37: {  	[spmem:s14] =	stream.linear.scatter [tilespmem:s19], [sflag:$0x5], $0x4000, $0x38;
	[tilespmem:$0x1FD00] =	vst v63  }
0x38: {  	_ =	swait.ge [sflag:s18], $0x4000  }
0x39: {  	[sflag:s18] =	ssyncset.done $0x0  }
0x3a: {  	[sflag:s18] =	ssyncadd.s32 $0xFFFFC000  }
0x3b: {  	s28 =	simm.s32 $0x0;
	[bflag:$0x0] =	sbarrier.arrive $0xFFFF  }
0x3c: {  	[tilespmem:s20], [sflag:$0x5] =	stream.linear.gather [hbm4b:s13+s28], $0x80, $0x38;
	[tilespmem:$0x1FD00] =	vst v63  }
0x3d: {  	_ =	swait.ge [sflag:s18], $0x80  }
0x3e: {  	[sflag:s18] =	ssyncset.done $0x0  }
0x3f: {  	[sflag:s18] =	ssyncadd.s32 $0xFFFFFF80  }
0x40: {  	[tilespmem:s19], [sflag:$0x1] =	stream.indirect.gather [hbm4b:s4+s21], $0x80, s20, s21, $0xb8;
	[tilespmem:$0x1FD00] =	vst v63  }
0x41: {  	s29 =	simm.s32 $0x180;
	s30 =	simm.s32 $0x3  }
0x42: {  	[tilespmem:s22], [sflag:$0x4] =	stream.linear.gather [hbm4b:s15+s28], $0x80, $0x38;
	[tilespmem:$0x1FD00] =	vst v63  }
.LBB2_4:
0x43: {  	_ =	swait.ge [sflag:s23], $0x4000  }
0x44: {  	[sflag:s23] =	ssyncset.done $0x0  }
0x45: {  	[sflag:s23] =	ssyncadd.s32 $0xFFFFC000  }
0x46: {  	_ =	swait.ge [sflag:s24], $0x80  }
0x47: {  	s31 =	sadd.s32 $0xFFFFFFFF, s30;
	[sflag:s24] =	ssyncset.done $0x0  }
0x48: {  	p0 =	sge.u32 s31, s7;
	[sflag:s24] =	ssyncadd.s32 $0xFFFFFF80  }
0x49: {  	[tilespmem:s25], [sflag:$0x2] =	stream.indirect.gather [hbm4b:s4+s21], $0x80, s22, s21, $0xb8;
	[tilespmem:$0x1FD00] =	vst v63  }
0x4a: {  	s31 =	sshra.s32 @p0 s28, $0x2;
	s1 =	simm.s32 @p0 $0x80;
	s3 =	simm.s32 @p0 $0x3D00  }
0x4b: {  	[spmem:s2] =	stream.indirect.scatter.add.f32 @p0 [tilespmem:s3], [sflag:$0x5], $0x80, s31, s1, $0xb8;
	[tilespmem:$0x1FD00] =	vst v63  }
0x4c: {  	s1 =	simm.s32 @p0 $0x5  }
0x4d: {  	_ =	swait.ge @p0 [sflag:s1], $0x4000  }
0x4e: {  	s3 =	sadd.s32 @!p0 $0xFFFFFF80, s29;
	[sflag:s1] =	ssyncset.done @p0 $0x0  }
0x4f: {  	s31 =	sand.u32 @!p0 $0x7FFFFC00, s3;
	[sflag:s1] =	ssyncadd.s32 @p0 $0xFFFFC000;
	s1 =	simm.s32 @p0 $0x2  }
0x50: {  	s3 =	sand.u32 @!p0 $0x300, s3;
	s31 =	sadd.s32 @!p0 s5, s31;
	_ =	swait.ge @p0 [sflag:s1], $0x4000  }
0x51: {  	s3 =	sor.u32 @!p0 s3, s31;
	[sflag:s1] =	ssyncset.done @p0 $0x0  }
0x52: {  	[sflag:s1] =	ssyncadd.s32 @p0 $0xFFFFC000;
	s1 =	sshrl.u32 @!p0 s3, $0x3  }
0x53: {  	s31 =	simm.s32 @!p0 $0x3C00;
	s3 =	simm.s32 @!p0 $0x0;
	s1 =	sadd.s32 @!p0 s6, s1  }
0x54: {  	[tilespmem:s31], [sflag:$0x3] =	stream.linear.gather @!p0 [hbm4b:s1+s3], $0x80, $0x38;
	[tilespmem:$0x1FD00] =	vst v63  }
0x55: {  	s0 =	simm.s32 @!p0 $0x3D00;
	s1 =	sshra.s32 @!p0 s28, $0x2;
	s3 =	simm.s32 @!p0 $0x80  }
0x56: {  	[spmem:s2] =	stream.indirect.scatter.add.f32 @!p0 [tilespmem:s0], [sflag:$0x5], $0x80, s1, s3, $0xb8;
	[tilespmem:$0x1FD00] =	vst v63  }
0x57: {  	s1 =	simm.s32 @!p0 $0x5  }
0x58: {  	_ =	swait.ge @!p0 [sflag:s1], $0x4000  }
0x59: {  	[sflag:s1] =	ssyncset.done @!p0 $0x0  }
0x5a: {  	[sflag:s1] =	ssyncadd.s32 @!p0 $0xFFFFC000;
	s1 =	simm.s32 @!p0 $0x2  }
0x5b: {  	_ =	swait.ge @!p0 [sflag:s1], $0x4000  }
0x5c: {  	[sflag:s1] =	ssyncset.done @!p0 $0x0  }
0x5d: {  	[sflag:s1] =	ssyncadd.s32 @!p0 $0xFFFFC000;
	s1 =	simm.s32 @!p0 $0x3  }
0x5e: {  	_ =	swait.ge @!p0 [sflag:s1], $0x80  }
0x5f: {  	[sflag:s1] =	ssyncset.done @!p0 $0x0  }
0x60: {  	p1 =	sge.u32 @!p0 s30, s7;
	[sflag:s1] =	ssyncadd.s32 @!p0 $0xFFFFFF80  }
0x61: {  	[tilespmem:s0], [sflag:$0x1] =	stream.indirect.gather @!p0 [hbm4b:s4+s3], $0x80, s31, s3, $0xb8;
	[tilespmem:$0x1FD00] =	vst v63  }
0x62: {  	p0 =	por p1, p0  }
0x63: {  	s0 =	sand.u32 @!p0 $0x7FFFFC00, s29  }
0x64: {  	s1 =	sand.u32 @!p0 $0x380, s29;
	s0 =	sadd.s32 @!p0 s5, s0  }
0x65: {  	s0 =	sor.u32 @!p0 s1, s0  }
0x66: {  	s0 =	sshrl.u32 @!p0 s0, $0x3  }
0x67: {  	s3 =	simm.s32 @!p0 $0x3C80;
	s1 =	simm.s32 @!p0 $0x0;
	s0 =	sadd.s32 @!p0 s6, s0  }
0x68: {  	[tilespmem:s3], [sflag:$0x4] =	stream.linear.gather @!p0 [hbm4b:s0+s1], $0x80, $0x38;
	[tilespmem:$0x1FD00] =	vst v63  }
0x69: {  	s3 =	sshra.s32 s28, $0x2  }
0x6a: {  	s0 =	sadd.s32 $0x80, s3  }
0x6b: {  	[spmem:s2] =	stream.indirect.scatter.add.f32 [tilespmem:s25], [sflag:$0x5], $0x80, s0, s21, $0xb8;
	[tilespmem:$0x1FD00] =	vst v63  }
0x6c: {  	_ =	swait.ge [sflag:s18], $0x4000  }
0x6d: {  	s28 =	sadd.s32 $0x400, s28;
	s31 =	rddreg [dreg:$0x3]  }
0x6e: {  	p0 =	sne.s32 s31, s28  }
.Ltmp1:
0x6f: {  	_ = 	snop;
	(pc) =	sbr.rel @p0 .LBB2_4-.Ltmp1, $3  }
0x70: {  	_ =	sdelay $0x1  }
0x71: {  	[sflag:s18] =	ssyncset.done $0x0  }
0x72: {  	s30 =	sadd.s32 $0x2, s30;
	s29 =	sadd.s32 $0x100, s29;
	[sflag:s18] =	ssyncadd.s32 $0xFFFFC000  }
0x73: {  	_ =	swait.ge [sflag:s23], $0x4000;
	s0 =	sadd.s32 $0xFFFFFFFF, s30  }
0x74: {  	[sflag:s23] =	ssyncset.done $0x0;
	p0 =	slt.u32 s0, s7  }
0x75: {  	[sflag:s23] =	ssyncadd.s32 $0xFFFFC000;
	s0 =	sadd.s32 @p0 $0xFFFFFF80, s29  }
0x76: {  	_ =	swait.ge [sflag:s24], $0x80;
	s1 =	sand.u32 @p0 $0x7FFFFC00, s0  }
0x77: {  	s0 =	sand.u32 @p0 $0x300, s0;
	[sflag:s24] =	ssyncset.done $0x0;
	s1 =	sadd.s32 @p0 s5, s1  }
0x78: {  	[sflag:s24] =	ssyncadd.s32 $0xFFFFFF80;
	s0 =	sor.u32 @p0 s0, s1  }
0x79: {  	[tilespmem:s25], [sflag:$0x2] =	stream.indirect.gather [hbm4b:s4+s21], $0x80, s22, s21, $0xb8;
	[tilespmem:$0x1FD00] =	vst v63  }
0x7a: {  	s0 =	sshrl.u32 @p0 s0, $0x3  }
0x7b: {  	s3 =	simm.s32 @p0 $0x3C00;
	s1 =	simm.s32 @p0 $0x0;
	s0 =	sadd.s32 @p0 s6, s0  }
0x7c: {  	[tilespmem:s3], [sflag:$0x3] =	stream.linear.gather @p0 [hbm4b:s0+s1], $0x80, $0x38;
	[tilespmem:$0x1FD00] =	vst v63  }
0x7d: {  	s31 =	simm.s32 @p0 $0x3D00;
	s0 =	sshra.s32 @p0 s28, $0x2;
	s1 =	simm.s32 @p0 $0x80  }
0x7e: {  	[spmem:s2] =	stream.indirect.scatter.add.f32 @p0 [tilespmem:s31], [sflag:$0x5], $0x80, s0, s1, $0xb8;
	[tilespmem:$0x1FD00] =	vst v63  }
0x7f: {  	s0 =	simm.s32 @p0 $0x5  }
0x80: {  	_ =	swait.ge @p0 [sflag:s0], $0x4000  }
0x81: {  	[sflag:s0] =	ssyncset.done @p0 $0x0  }
0x82: {  	[sflag:s0] =	ssyncadd.s32 @p0 $0xFFFFC000;
	s0 =	simm.s32 @p0 $0x2  }
0x83: {  	_ =	swait.ge @p0 [sflag:s0], $0x4000  }
0x84: {  	[sflag:s0] =	ssyncset.done @p0 $0x0  }
0x85: {  	[sflag:s0] =	ssyncadd.s32 @p0 $0xFFFFC000;
	s0 =	simm.s32 @p0 $0x3  }
0x86: {  	p1 =	sge.u32 @p0 s30, s7;
	_ =	swait.ge @p0 [sflag:s0], $0x80  }
0x87: {  	p1 =	por p1, !p0;
	[sflag:s0] =	ssyncset.done @p0 $0x0  }
0x88: {  	[sflag:s0] =	ssyncadd.s32 @p0 $0xFFFFFF80;
	s0 =	sand.u32 @!p1 $0x7FFFFC00, s29  }
0x89: {  	[tilespmem:s31], [sflag:$0x1] =	stream.indirect.gather @p0 [hbm4b:s4+s1], $0x80, s3, s1, $0xb8;
	[tilespmem:$0x1FD00] =	vst v63  }
0x8a: {  	s0 =	sadd.s32 @!p1 s5, s0;
	s1 =	sand.u32 @!p1 $0x380, s29  }
0x8b: {  	s0 =	sor.u32 @!p1 s1, s0  }
0x8c: {  	s0 =	sshrl.u32 @!p1 s0, $0x3  }
0x8d: {  	s3 =	simm.s32 @!p1 $0x3C80;
	s1 =	simm.s32 @!p1 $0x0;
	s0 =	sadd.s32 @!p1 s6, s0  }
0x8e: {  	[tilespmem:s3], [sflag:$0x4] =	stream.linear.gather @!p1 [hbm4b:s0+s1], $0x80, $0x38;
	[tilespmem:$0x1FD00] =	vst v63  }
0x8f: {  	s0 =	sshra.s32 @!p0 s28, $0x2;
	s1 =	simm.s32 @!p0 $0x80;
	s3 =	simm.s32 @!p0 $0x3D00  }
0x90: {  	[spmem:s2] =	stream.indirect.scatter.add.f32 @!p0 [tilespmem:s3], [sflag:$0x5], $0x80, s0, s1, $0xb8;
	[tilespmem:$0x1FD00] =	vst v63  }
0x91: {  	s0 =	simm.s32 @!p0 $0x5  }
0x92: {  	_ =	swait.ge @!p0 [sflag:s0], $0x4000  }
0x93: {  	[sflag:s0] =	ssyncset.done @!p0 $0x0  }
0x94: {  	[sflag:s0] =	ssyncadd.s32 @!p0 $0xFFFFC000;
	s0 =	simm.s32 @!p0 $0x2  }
0x95: {  	_ =	swait.ge @!p0 [sflag:s0], $0x4000  }
0x96: {  	s28 =	sshra.s32 s28, $0x2;
	[sflag:s0] =	ssyncset.done @!p0 $0x0  }
0x97: {  	s29 =	sadd.s32 $0x80, s28;
	[sflag:s0] =	ssyncadd.s32 @!p0 $0xFFFFC000  }
0x98: {  	[spmem:s2] =	stream.indirect.scatter.add.f32 [tilespmem:s25], [sflag:$0x5], $0x80, s29, s21, $0xb8;
	[tilespmem:$0x1FD00] =	vst v63  }
0x99: {  	s26 =	sadd.s32 $0x1, s26;
	_ =	swait.ge [sflag:s18], $0x4000  }
0x9a: {  	s30 =	stileid.u32;
	s31 =	sshrl.u32 s8, $0x3;
	[sflag:s18] =	ssyncset.done $0x0  }
0x9b: {  	s0 =	sshll.u32 s30, $0x6;
	p0 =	sne.s32 s26, s17;
	[sflag:s18] =	ssyncadd.s32 $0xFFFFC000  }
.Ltmp2:
0x9c: {  	s0 =	sor.u32 $0x1C05, s0;
	[bflag:$0x0] =	sbarrier.arrive $0xFFFF;
	(pc) =	sbr.rel @p0 .LBB2_1-.Ltmp2, $4  }
0x9d: {  	[hbm:s16], [sflag:s0] =	dma.local [spmem:s31], $0x2800  }
0x9e: {  	_ =	swait.ge [sflag:s18], $0x2800  }
0x9f: {  	[sflag:s18] =	ssyncset.done $0x0  }
0xa0: {  	[sflag:s18] =	ssyncadd.s32 $0xFFFFD800  }
0xa1: {  	_ =	sfence.sel $0x180000  }
0xa2: {  	[bflag:$0x0] =	sbarrier.arrive $0xFFFF  }
0xa3: {  	_ =	strace $0x9000004A  }
0xa4: {  	s0 =	stileid.u32;
	[bflag:$0x2] =	sbarrier.arrive $0xFFFF  }
0xa5: {  	p0 =	sne.s32 s0, $0x0;
	s0 =	rddreg [dreg:$0x2]  }
0xa6: {  	s0 =	sadd.s32 @!p0 $0x100000, s0  }
0xa7: {  	[sflag:s0] =	ssyncadd.tile.s32 @!p0 $0x1;
	_ =	shalt  }
.Lfunc_end2:
_tile_overlayer_lowered:
.L_overlay_start_2:
0xa8: {  	(tag) =	ssettag $0x2  }
0xa9: {  	s0 =	rddreg [dreg:$0x0];
	s2 =	stileid.u32  }
0xaa: {  	s1 =	rddreg [dreg:$0x1];
	p0 =	sne.s32 s2, $0x0  }
0xab: {  	s3 =	rddreg [dreg:$0x2];
	[bflag:$0x3] =	sbarrier.arrive $0xFFFF;
	s2 =	simm.s32 @!p0 $0x1C05  }
0xac: {  	[timem:s3], [sflag:s2] =	dma.local @!p0 [hbm:s0], s1  }
0xad: {  	s0 =	simm.s32 @!p0 $0x5  }
0xae: {  	_ =	swait.ge @!p0 [sflag:s0], s1  }
0xaf: {  	s1 =	ssub.s32 @!p0 $0x0, s1;
	[sflag:s0] =	ssyncset.done @!p0 $0x0  }
0xb0: {  	[sflag:s0] =	ssyncadd.s32 @!p0 s1  }
0xb1: {  	[bflag:$0x3] =	sbarrier.arrive $0xFFFF  }
0xb2: {  	_ =	shalt  }

</sc_bundles>
